<compile_context>
chip_gen: v7x
topology: tpu7x:2x2x1
jax: 0.10.2.dev20260603
libtpu: 0.0.44.dev20260713+nightly
codegen_flags: <defaults>
</compile_context>

<pallas_src>
import functools

import jax
import jax.numpy as jnp
from jax import lax
from jax.experimental import pallas as pl
from jax.experimental.pallas import tpu as pltpu
from jax.experimental.pallas import tpu_sc as plsc

VOCAB = 100000
EMBED = 64
BATCH = 1024

_NC = 2
_NS = 16
_NW = _NC * _NS
_B_PER_W = BATCH // _NW

_VBLK = 4096
_VGRID = (VOCAB + _VBLK - 1) // _VBLK


_NBUF = 8
_SLAB = 128


def _gather_rows(x, emb_t):
    mesh = plsc.VectorSubcoreMesh(core_axis_name="c", subcore_axis_name="s")

    @functools.partial(
        pl.kernel,
        mesh=mesh,
        out_type=jax.ShapeDtypeStruct((BATCH, EMBED), jnp.float32),
        scratch_types=[
            pltpu.VMEM((_B_PER_W,), jnp.int32),
            [pltpu.VMEM((EMBED, _SLAB), jnp.float32) for _ in range(_NBUF)],
            pltpu.VMEM((_B_PER_W, EMBED), jnp.float32),
            [pltpu.SemaphoreType.DMA for _ in range(_NBUF)],
        ],
        compiler_params=pltpu.CompilerParams(
            needs_layout_passes=False,
            skip_device_barrier=True,
            disable_bounds_checks=True,
        ),
    )
    def gather_kernel(idx_hbm, table_hbm, out_hbm, x_v, bufs, h_v, sems):
        wid = lax.axis_index("s") * _NC + lax.axis_index("c")
        base = wid * _B_PER_W
        pltpu.sync_copy(idx_hbm.at[pl.ds(base, _B_PER_W)], x_v)
        xvs = [x_v[pl.ds(t * 16, 16)] for t in range(_B_PER_W // 16)]

        def start(i):
            coff = lax.shift_right_logical(xvs[i // 16][i % 16], 7) * _SLAB
            return pltpu.async_copy(
                table_hbm.at[:, pl.ds(coff, _SLAB)], bufs[i % _NBUF], sems[i % _NBUF]
            )

        descs = [None] * _B_PER_W
        for i in range(min(_NBUF - 1, _B_PER_W)):
            descs[i] = start(i)
        for i in range(_B_PER_W):
            nxt = i + _NBUF - 1
            if nxt < _B_PER_W:
                descs[nxt] = start(nxt)
            descs[i].wait()
            lane = jnp.full((16,), xvs[i // 16][i % 16] & (_SLAB - 1), jnp.int32)
            for j in range(EMBED // 16):
                rows = lax.iota(jnp.int32, 16) + (j * 16)
                h_v[i, pl.ds(j * 16, 16)] = plsc.load_gather(
                    bufs[i % _NBUF], [rows, lane]
                )
        pltpu.sync_copy(h_v, out_hbm.at[pl.ds(base, _B_PER_W)])

    return gather_kernel(x, emb_t)


def _mm_body(w_ref, h_ref, b_ref, o_ref):
    acc = lax.dot_general(
        w_ref[...], h_ref[...],
        (((0,), (1,)), ((), ())),
        preferred_element_type=jnp.float32,
    )
    ones = jnp.ones((BATCH, 1), jnp.float32)
    bias = lax.dot_general(
        b_ref[...], ones,
        (((0,), (1,)), ((), ())),
        preferred_element_type=jnp.float32,
    )
    o_ref[...] = acc + bias


def _project(h, W_out, b_out):
    b2 = b_out.reshape(1, VOCAB)
    out_t = pl.pallas_call(
        _mm_body,
        grid=(_VGRID,),
        in_specs=[
            pl.BlockSpec((EMBED, _VBLK), lambda j: (0, j)),
            pl.BlockSpec((BATCH, EMBED), lambda j: (0, 0)),
            pl.BlockSpec((1, _VBLK), lambda j: (0, j)),
        ],
        out_specs=pl.BlockSpec((_VBLK, BATCH), lambda j: (j, 0)),
        out_shape=jax.ShapeDtypeStruct((VOCAB, BATCH), jnp.float32),
        compiler_params=pltpu.CompilerParams(vmem_limit_bytes=57_000_000),
    )(W_out, h, b2)
    return out_t.T


def kernel(x, emb_table, W_out, b_out):
    h = _gather_rows(x.astype(jnp.int32), emb_table.T)
    return _project(h, W_out, b_out)

# --- scband reference (transcript-rebuilt; emitter-appended) ---
"""Pipeline reference for scband-word2-vec-13529146983021 (READ-ONLY COPY).

The authoritative reference and input builder live on the scoring server;
editing this copy changes nothing except your own understanding.
"""

import jax, jax.numpy as jnp
import numpy as np

VOCAB = 100000
EMBED = 64
BATCH = 1024

def setup_inputs(seed: int = 0) -> dict:
    key = jax.random.key(seed)
    k1, k2, k3, k4 = jax.random.split(key, 4)
    x = jax.random.randint(k1, (BATCH,), 0, VOCAB, dtype=jnp.int64) if jax.config.jax_enable_x64 else jax.random.randint(k1, (BATCH,), 0, VOCAB).astype(jnp.int32)
    emb_table = jax.random.normal(k2, (VOCAB, EMBED), dtype=jnp.float32) * 0.02
    W_out = jax.random.normal(k3, (EMBED, VOCAB), dtype=jnp.float32) * (1.0 / np.sqrt(EMBED))
    b_out = jnp.zeros((VOCAB,), dtype=jnp.float32)
    return {"x": x, "emb_table": emb_table, "W_out": W_out, "b_out": b_out}

def reference(x, emb_table, W_out, b_out):
    # nn.Embedding: gather rows of the table
    h = jnp.take(emb_table, x, axis=0)          # [B, EMBED]
    # nn.Linear(embed_dim, vocab_size)
    logits = h @ W_out + b_out                  # [B, VOCAB]
    return logits

if __name__ == "__main__":
    import jax
    _d = setup_inputs()
    print(jax.jit(kernel)(*tuple(_d.values())))

</pallas_src>

<mosaic_0001>
#map = affine_map<(d0, d1) -> (0)>
#map1 = affine_map<(d0, d1) -> (0, 0)>
module attributes {stable_mosaic.version = 14 : i64} {
  func.func @gather_kernel(%arg0: i32, %arg1: i32, %arg2: memref<1024xi32, #tpu.memory_space<hbm>>, %arg3: memref<64x100000xf32, #tpu.memory_space<hbm>>, %arg4: memref<1024x64xf32, #tpu.memory_space<hbm>>, %arg5: memref<32xi32, #tpu.memory_space<vmem>>, %arg6: memref<64x128xf32, #tpu.memory_space<vmem>>, %arg7: memref<64x128xf32, #tpu.memory_space<vmem>>, %arg8: memref<64x128xf32, #tpu.memory_space<vmem>>, %arg9: memref<64x128xf32, #tpu.memory_space<vmem>>, %arg10: memref<64x128xf32, #tpu.memory_space<vmem>>, %arg11: memref<64x128xf32, #tpu.memory_space<vmem>>, %arg12: memref<64x128xf32, #tpu.memory_space<vmem>>, %arg13: memref<64x128xf32, #tpu.memory_space<vmem>>, %arg14: memref<32x64xf32, #tpu.memory_space<vmem>>, %arg15: memref<!tpu.dma_semaphore, #tpu.memory_space<semaphore_mem>>, %arg16: memref<!tpu.dma_semaphore, #tpu.memory_space<semaphore_mem>>, %arg17: memref<!tpu.dma_semaphore, #tpu.memory_space<semaphore_mem>>, %arg18: memref<!tpu.dma_semaphore, #tpu.memory_space<semaphore_mem>>, %arg19: memref<!tpu.dma_semaphore, #tpu.memory_space<semaphore_mem>>, %arg20: memref<!tpu.dma_semaphore, #tpu.memory_space<semaphore_mem>>, %arg21: memref<!tpu.dma_semaphore, #tpu.memory_space<semaphore_mem>>, %arg22: memref<!tpu.dma_semaphore, #tpu.memory_space<semaphore_mem>>) attributes {dimension_semantics = [#tpu.dimension_semantics<core_parallel>, #tpu.dimension_semantics<subcore_parallel>], iteration_bounds = array<i64: 2, 16>, scalar_prefetch = 0 : i64, scratch_operands = 18 : i64, tpu.core_type = #tpu.core_type<sc_vector_subcore>, window_params = [{transform_indices = #map}, {transform_indices = #map1}, {transform_indices = #map1}]} {
    %mul3A = arith.constant 2 : i32
    %mul3A_0 = arith.muli %arg1, %mul3A : i32
    %add3A = arith.addi %mul3A_0, %arg0 : i32
    %mul3A_1 = arith.constant 32 : i32
    %mul3A_2 = arith.muli %add3A, %mul3A_1 : i32
    "tpu.region"() ({
      %run_scoped3A = tpu.sem_alloc : memref<!tpu.dma_semaphore, #tpu.memory_space<semaphore_mem>>
      %dma_start3A_1756 = tpu.memref_slice %arg2[%mul3A_2] : memref<1024xi32, #tpu.memory_space<hbm>> -> memref<32xi32, #tpu.memory_space<hbm>>
      %dma_start3A_1757 = tpu.memref_slice %arg2[%mul3A_2] : memref<1024xi32, #tpu.memory_space<hbm>> -> memref<32xi32, #tpu.memory_space<hbm>>
      tpu.enqueue_dma source(%dma_start3A_1757 : memref<32xi32, #tpu.memory_space<hbm>>) target(%arg5 : memref<32xi32, #tpu.memory_space<vmem>>) target_semaphore(%run_scoped3A : memref<!tpu.dma_semaphore, #tpu.memory_space<semaphore_mem>>)
      %dma_wait3A_1758 = tpu.memref_slice %arg2[%mul3A_2] : memref<1024xi32, #tpu.memory_space<hbm>> -> memref<32xi32, #tpu.memory_space<hbm>>
      %dma_wait3A_1759 = tpu.memref_slice %arg2[%mul3A_2] : memref<1024xi32, #tpu.memory_space<hbm>> -> memref<32xi32, #tpu.memory_space<hbm>>
      tpu.wait_dma2 semaphore(%run_scoped3A : memref<!tpu.dma_semaphore, #tpu.memory_space<semaphore_mem>>) src(%dma_wait3A_1759 : memref<32xi32, #tpu.memory_space<hbm>>) dst(%arg5 : memref<32xi32, #tpu.memory_space<vmem>>)
      tpu.yield
    }) : () -> ()
    %get3A = arith.constant 0 : index
    %get3A_3 = tpu.vector_load %arg5[%get3A] {strides = array<i32>} : memref<32xi32, #tpu.memory_space<vmem>>, vector<16xi32>,
    %get3A_4 = arith.constant 16 : index
    %get3A_5 = tpu.vector_load %arg5[%get3A_4] {strides = array<i32>} : memref<32xi32, #tpu.memory_space<vmem>>, vector<16xi32>,
    %slice3A = vector.extract_strided_slice %get3A_3 {offsets = [0], sizes = [1], strides = [1]} : vector<16xi32> to vector<1xi32>
    %squeeze3A = vector.extract %slice3A[0] : i32 from vector<1xi32>
    %shift_right_logical3A = arith.constant 7 : i32
    %shift_right_logical3A_6 = arith.shrui %squeeze3A, %shift_right_logical3A : i32
    %mul3A_7 = arith.constant 128 : i32
    %mul3A_8 = arith.muli %shift_right_logical3A_6, %mul3A_7 : i32
    %dma_start3A = arith.constant 0 : i32
    %dma_start3A_9 = tpu.memref_slice %arg3[%dma_start3A, %mul3A_8] : memref<64x100000xf32, #tpu.memory_space<hbm>> -> memref<64x128xf32, #tpu.memory_space<hbm>>
    %dma_start3A_10 = arith.constant 0 : i32
    %dma_start3A_11 = tpu.memref_slice %arg3[%dma_start3A_10, %mul3A_8] : memref<64x100000xf32, #tpu.memory_space<hbm>> -> memref<64x128xf32, #tpu.memory_space<hbm>>
    tpu.enqueue_dma source(%dma_start3A_11 : memref<64x128xf32, #tpu.memory_space<hbm>>) target(%arg6 : memref<64x128xf32, #tpu.memory_space<vmem>>) target_semaphore(%arg15 : memref<!tpu.dma_semaphore, #tpu.memory_space<semaphore_mem>>)
    %slice3A_12 = vector.extract_strided_slice %get3A_3 {offsets = [1], sizes = [1], strides = [1]} : vector<16xi32> to vector<1xi32>
    %squeeze3A_13 = vector.extract %slice3A_12[0] : i32 from vector<1xi32>
    %shift_right_logical3A_14 = arith.constant 7 : i32
    %shift_right_logical3A_15 = arith.shrui %squeeze3A_13, %shift_right_logical3A_14 : i32
    %mul3A_16 = arith.constant 128 : i32
    %mul3A_17 = arith.muli %shift_right_logical3A_15, %mul3A_16 : i32
    %dma_start3A_18 = arith.constant 0 : i32
    %dma_start3A_19 = tpu.memref_slice %arg3[%dma_start3A_18, %mul3A_17] : memref<64x100000xf32, #tpu.memory_space<hbm>> -> memref<64x128xf32, #tpu.memory_space<hbm>>
    %dma_start3A_20 = arith.constant 0 : i32
    %dma_start3A_21 = tpu.memref_slice %arg3[%dma_start3A_20, %mul3A_17] : memref<64x100000xf32, #tpu.memory_space<hbm>> -> memref<64x128xf32, #tpu.memory_space<hbm>>
    tpu.enqueue_dma source(%dma_start3A_21 : memref<64x128xf32, #tpu.memory_space<hbm>>) target(%arg7 : memref<64x128xf32, #tpu.memory_space<vmem>>) target_semaphore(%arg16 : memref<!tpu.dma_semaphore, #tpu.memory_space<semaphore_mem>>)
    %slice3A_22 = vector.extract_strided_slice %get3A_3 {offsets = [2], sizes = [1], strides = [1]} : vector<16xi32> to vector<1xi32>
    %squeeze3A_23 = vector.extract %slice3A_22[0] : i32 from vector<1xi32>
    %shift_right_logical3A_24 = arith.constant 7 : i32
    %shift_right_logical3A_25 = arith.shrui %squeeze3A_23, %shift_right_logical3A_24 : i32
    %mul3A_26 = arith.constant 128 : i32
    %mul3A_27 = arith.muli %shift_right_logical3A_25, %mul3A_26 : i32
    %dma_start3A_28 = arith.constant 0 : i32
    %dma_start3A_29 = tpu.memref_slice %arg3[%dma_start3A_28, %mul3A_27] : memref<64x100000xf32, #tpu.memory_space<hbm>> -> memref<64x128xf32, #tpu.memory_space<hbm>>
    %dma_start3A_30 = arith.constant 0 : i32
    %dma_start3A_31 = tpu.memref_slice %arg3[%dma_start3A_30, %mul3A_27] : memref<64x100000xf32, #tpu.memory_space<hbm>> -> memref<64x128xf32, #tpu.memory_space<hbm>>
    tpu.enqueue_dma source(%dma_start3A_31 : memref<64x128xf32, #tpu.memory_space<hbm>>) target(%arg8 : memref<64x128xf32, #tpu.memory_space<vmem>>) target_semaphore(%arg17 : memref<!tpu.dma_semaphore, #tpu.memory_space<semaphore_mem>>)
    %slice3A_32 = vector.extract_strided_slice %get3A_3 {offsets = [3], sizes = [1], strides = [1]} : vector<16xi32> to vector<1xi32>
    %squeeze3A_33 = vector.extract %slice3A_32[0] : i32 from vector<1xi32>
    %shift_right_logical3A_34 = arith.constant 7 : i32
    %shift_right_logical3A_35 = arith.shrui %squeeze3A_33, %shift_right_logical3A_34 : i32
    %mul3A_36 = arith.constant 128 : i32
    %mul3A_37 = arith.muli %shift_right_logical3A_35, %mul3A_36 : i32
    %dma_start3A_38 = arith.constant 0 : i32
    %dma_start3A_39 = tpu.memref_slice %arg3[%dma_start3A_38, %mul3A_37] : memref<64x100000xf32, #tpu.memory_space<hbm>> -> memref<64x128xf32, #tpu.memory_space<hbm>>
    %dma_start3A_40 = arith.constant 0 : i32
    %dma_start3A_41 = tpu.memref_slice %arg3[%dma_start3A_40, %mul3A_37] : memref<64x100000xf32, #tpu.memory_space<hbm>> -> memref<64x128xf32, #tpu.memory_space<hbm>>
    tpu.enqueue_dma source(%dma_start3A_41 : memref<64x128xf32, #tpu.memory_space<hbm>>) target(%arg9 : memref<64x128xf32, #tpu.memory_space<vmem>>) target_semaphore(%arg18 : memref<!tpu.dma_semaphore, #tpu.memory_space<semaphore_mem>>)
    %slice3A_42 = vector.extract_strided_slice %get3A_3 {offsets = [4], sizes = [1], strides = [1]} : vector<16xi32> to vector<1xi32>
    %squeeze3A_43 = vector.extract %slice3A_42[0] : i32 from vector<1xi32>
    %shift_right_logical3A_44 = arith.constant 7 : i32
    %shift_right_logical3A_45 = arith.shrui %squeeze3A_43, %shift_right_logical3A_44 : i32
    %mul3A_46 = arith.constant 128 : i32
    %mul3A_47 = arith.muli %shift_right_logical3A_45, %mul3A_46 : i32
    %dma_start3A_48 = arith.constant 0 : i32
    %dma_start3A_49 = tpu.memref_slice %arg3[%dma_start3A_48, %mul3A_47] : memref<64x100000xf32, #tpu.memory_space<hbm>> -> memref<64x128xf32, #tpu.memory_space<hbm>>
    %dma_start3A_50 = arith.constant 0 : i32
    %dma_start3A_51 = tpu.memref_slice %arg3[%dma_start3A_50, %mul3A_47] : memref<64x100000xf32, #tpu.memory_space<hbm>> -> memref<64x128xf32, #tpu.memory_space<hbm>>
    tpu.enqueue_dma source(%dma_start3A_51 : memref<64x128xf32, #tpu.memory_space<hbm>>) target(%arg10 : memref<64x128xf32, #tpu.memory_space<vmem>>) target_semaphore(%arg19 : memref<!tpu.dma_semaphore, #tpu.memory_space<semaphore_mem>>)
    %slice3A_52 = vector.extract_strided_slice %get3A_3 {offsets = [5], sizes = [1], strides = [1]} : vector<16xi32> to vector<1xi32>
    %squeeze3A_53 = vector.extract %slice3A_52[0] : i32 from vector<1xi32>
    %shift_right_logical3A_54 = arith.constant 7 : i32
    %shift_right_logical3A_55 = arith.shrui %squeeze3A_53, %shift_right_logical3A_54 : i32
    %mul3A_56 = arith.constant 128 : i32
    %mul3A_57 = arith.muli %shift_right_logical3A_55, %mul3A_56 : i32
    %dma_start3A_58 = arith.constant 0 : i32
    %dma_start3A_59 = tpu.memref_slice %arg3[%dma_start3A_58, %mul3A_57] : memref<64x100000xf32, #tpu.memory_space<hbm>> -> memref<64x128xf32, #tpu.memory_space<hbm>>
    %dma_start3A_60 = arith.constant 0 : i32
    %dma_start3A_61 = tpu.memref_slice %arg3[%dma_start3A_60, %mul3A_57] : memref<64x100000xf32, #tpu.memory_space<hbm>> -> memref<64x128xf32, #tpu.memory_space<hbm>>
    tpu.enqueue_dma source(%dma_start3A_61 : memref<64x128xf32, #tpu.memory_space<hbm>>) target(%arg11 : memref<64x128xf32, #tpu.memory_space<vmem>>) target_semaphore(%arg20 : memref<!tpu.dma_semaphore, #tpu.memory_space<semaphore_mem>>)
    %slice3A_62 = vector.extract_strided_slice %get3A_3 {offsets = [6], sizes = [1], strides = [1]} : vector<16xi32> to vector<1xi32>
    %squeeze3A_63 = vector.extract %slice3A_62[0] : i32 from vector<1xi32>
    %shift_right_logical3A_64 = arith.constant 7 : i32
    %shift_right_logical3A_65 = arith.shrui %squeeze3A_63, %shift_right_logical3A_64 : i32
    %mul3A_66 = arith.constant 128 : i32
    %mul3A_67 = arith.muli %shift_right_logical3A_65, %mul3A_66 : i32
    %dma_start3A_68 = arith.constant 0 : i32
    %dma_start3A_69 = tpu.memref_slice %arg3[%dma_start3A_68, %mul3A_67] : memref<64x100000xf32, #tpu.memory_space<hbm>> -> memref<64x128xf32, #tpu.memory_space<hbm>>
    %dma_start3A_70 = arith.constant 0 : i32
    %dma_start3A_71 = tpu.memref_slice %arg3[%dma_start3A_70, %mul3A_67] : memref<64x100000xf32, #tpu.memory_space<hbm>> -> memref<64x128xf32, #tpu.memory_space<hbm>>
    tpu.enqueue_dma source(%dma_start3A_71 : memref<64x128xf32, #tpu.memory_space<hbm>>) target(%arg12 : memref<64x128xf32, #tpu.memory_space<vmem>>) target_semaphore(%arg21 : memref<!tpu.dma_semaphore, #tpu.memory_space<semaphore_mem>>)
    %slice3A_72 = vector.extract_strided_slice %get3A_3 {offsets = [7], sizes = [1], strides = [1]} : vector<16xi32> to vector<1xi32>
    %squeeze3A_73 = vector.extract %slice3A_72[0] : i32 from vector<1xi32>
    %shift_right_logical3A_74 = arith.constant 7 : i32
    %shift_right_logical3A_75 = arith.shrui %squeeze3A_73, %shift_right_logical3A_74 : i32
    %mul3A_76 = arith.constant 128 : i32
    %mul3A_77 = arith.muli %shift_right_logical3A_75, %mul3A_76 : i32
    %dma_start3A_78 = arith.constant 0 : i32
    %dma_start3A_79 = tpu.memref_slice %arg3[%dma_start3A_78, %mul3A_77] : memref<64x100000xf32, #tpu.memory_space<hbm>> -> memref<64x128xf32, #tpu.memory_space<hbm>>
    %dma_start3A_80 = arith.constant 0 : i32
    %dma_start3A_81 = tpu.memref_slice %arg3[%dma_start3A_80, %mul3A_77] : memref<64x100000xf32, #tpu.memory_space<hbm>> -> memref<64x128xf32, #tpu.memory_space<hbm>>
    tpu.enqueue_dma source(%dma_start3A_81 : memref<64x128xf32, #tpu.memory_space<hbm>>) target(%arg13 : memref<64x128xf32, #tpu.memory_space<vmem>>) target_semaphore(%arg22 : memref<!tpu.dma_semaphore, #tpu.memory_space<semaphore_mem>>)
    %dma_wait3A = arith.constant 0 : i32
    %dma_wait3A_82 = tpu.memref_slice %arg3[%dma_wait3A, %mul3A_8] : memref<64x100000xf32, #tpu.memory_space<hbm>> -> memref<64x128xf32, #tpu.memory_space<hbm>>
    %dma_wait3A_83 = arith.constant 0 : i32
    %dma_wait3A_84 = tpu.memref_slice %arg3[%dma_wait3A_83, %mul3A_8] : memref<64x100000xf32, #tpu.memory_space<hbm>> -> memref<64x128xf32, #tpu.memory_space<hbm>>
    tpu.wait_dma2 semaphore(%arg15 : memref<!tpu.dma_semaphore, #tpu.memory_space<semaphore_mem>>) src(%dma_wait3A_84 : memref<64x128xf32, #tpu.memory_space<hbm>>) dst(%arg6 : memref<64x128xf32, #tpu.memory_space<vmem>>)
    %slice3A_85 = vector.extract_strided_slice %get3A_3 {offsets = [0], sizes = [1], strides = [1]} : vector<16xi32> to vector<1xi32>
    %squeeze3A_86 = vector.extract %slice3A_85[0] : i32 from vector<1xi32>
    %and3A = arith.constant 127 : i32
    %and3A_87 = arith.andi %squeeze3A_86, %and3A : i32
    %broadcast_in_dim3A = vector.broadcast %and3A_87 : i32 to vector<16xi32>
    %iota3A = tpu.iota {dimensions = array<i32: 0>} : vector<16xi32>
    %add3A_88 = arith.constant 0 : i32
    %add3A_89 = vector.broadcast %add3A_88 : i32 to vector<16xi32>
    %add3A_90 = arith.addi %iota3A, %add3A_89 : vector<16xi32>
    %gather3A = tpu.vector_load_idx %arg6[%add3A_90, %broadcast_in_dim3A] : memref<64x128xf32, #tpu.memory_space<vmem>>[vector<16xi32>, vector<16xi32>], vector<16xf32>,
    %swap3A = arith.constant 0 : i32
    %swap3A_91 = arith.index_cast %swap3A : i32 to index
    %swap3A_92 = arith.constant 0 : index
    %swap3A_93 = tpu.vector_load %arg14[%swap3A_91, %swap3A_92] {strides = array<i32>} : memref<32x64xf32, #tpu.memory_space<vmem>>, vector<16xf32>,
    tpu.vector_store %arg14[%swap3A_91, %swap3A_92], %gather3A {strides = array<i32>} : memref<32x64xf32, #tpu.memory_space<vmem>>, vector<16xf32>,
    %iota3A_94 = tpu.iota {dimensions = array<i32: 0>} : vector<16xi32>
    %add3A_95 = arith.constant 16 : i32
    %add3A_96 = vector.broadcast %add3A_95 : i32 to vector<16xi32>
    %add3A_97 = arith.addi %iota3A_94, %add3A_96 : vector<16xi32>
    %gather3A_98 = tpu.vector_load_idx %arg6[%add3A_97, %broadcast_in_dim3A] : memref<64x128xf32, #tpu.memory_space<vmem>>[vector<16xi32>, vector<16xi32>], vector<16xf32>,
    %swap3A_99 = arith.constant 0 : i32
    %swap3A_100 = arith.index_cast %swap3A_99 : i32 to index
    %swap3A_101 = arith.constant 16 : index
    %swap3A_102 = tpu.vector_load %arg14[%swap3A_100, %swap3A_101] {strides = array<i32>} : memref<32x64xf32, #tpu.memory_space<vmem>>, vector<16xf32>,
    tpu.vector_store %arg14[%swap3A_100, %swap3A_101], %gather3A_98 {strides = array<i32>} : memref<32x64xf32, #tpu.memory_space<vmem>>, vector<16xf32>,
    %iota3A_103 = tpu.iota {dimensions = array<i32: 0>} : vector<16xi32>
    %add3A_104 = arith.constant 32 : i32
    %add3A_105 = vector.broadcast %add3A_104 : i32 to vector<16xi32>
    %add3A_106 = arith.addi %iota3A_103, %add3A_105 : vector<16xi32>
    %gather3A_107 = tpu.vector_load_idx %arg6[%add3A_106, %broadcast_in_dim3A] : memref<64x128xf32, #tpu.memory_space<vmem>>[vector<16xi32>, vector<16xi32>], vector<16xf32>,
    %swap3A_108 = arith.constant 0 : i32
    %swap3A_109 = arith.index_cast %swap3A_108 : i32 to index
    %swap3A_110 = arith.constant 32 : index
    %swap3A_111 = tpu.vector_load %arg14[%swap3A_109, %swap3A_110] {strides = array<i32>} : memref<32x64xf32, #tpu.memory_space<vmem>>, vector<16xf32>,
    tpu.vector_store %arg14[%swap3A_109, %swap3A_110], %gather3A_107 {strides = array<i32>} : memref<32x64xf32, #tpu.memory_space<vmem>>, vector<16xf32>,
    %iota3A_112 = tpu.iota {dimensions = array<i32: 0>} : vector<16xi32>
    %add3A_113 = arith.constant 48 : i32
    %add3A_114 = vector.broadcast %add3A_113 : i32 to vector<16xi32>
    %add3A_115 = arith.addi %iota3A_112, %add3A_114 : vector<16xi32>
    %gather3A_116 = tpu.vector_load_idx %arg6[%add3A_115, %broadcast_in_dim3A] : memref<64x128xf32, #tpu.memory_space<vmem>>[vector<16xi32>, vector<16xi32>], vector<16xf32>,
    %swap3A_117 = arith.constant 0 : i32
    %swap3A_118 = arith.index_cast %swap3A_117 : i32 to index
    %swap3A_119 = arith.constant 48 : index
    %swap3A_120 = tpu.vector_load %arg14[%swap3A_118, %swap3A_119] {strides = array<i32>} : memref<32x64xf32, #tpu.memory_space<vmem>>, vector<16xf32>,
    tpu.vector_store %arg14[%swap3A_118, %swap3A_119], %gather3A_116 {strides = array<i32>} : memref<32x64xf32, #tpu.memory_space<vmem>>, vector<16xf32>,
    %slice3A_121 = vector.extract_strided_slice %get3A_3 {offsets = [8], sizes = [1], strides = [1]} : vector<16xi32> to vector<1xi32>
    %squeeze3A_122 = vector.extract %slice3A_121[0] : i32 from vector<1xi32>
    %shift_right_logical3A_123 = arith.constant 7 : i32
    %shift_right_logical3A_124 = arith.shrui %squeeze3A_122, %shift_right_logical3A_123 : i32
    %mul3A_125 = arith.constant 128 : i32
    %mul3A_126 = arith.muli %shift_right_logical3A_124, %mul3A_125 : i32
    %dma_start3A_127 = arith.constant 0 : i32
    %dma_start3A_128 = tpu.memref_slice %arg3[%dma_start3A_127, %mul3A_126] : memref<64x100000xf32, #tpu.memory_space<hbm>> -> memref<64x128xf32, #tpu.memory_space<hbm>>
    %dma_start3A_129 = arith.constant 0 : i32
    %dma_start3A_130 = tpu.memref_slice %arg3[%dma_start3A_129, %mul3A_126] : memref<64x100000xf32, #tpu.memory_space<hbm>> -> memref<64x128xf32, #tpu.memory_space<hbm>>
    tpu.enqueue_dma source(%dma_start3A_130 : memref<64x128xf32, #tpu.memory_space<hbm>>) target(%arg6 : memref<64x128xf32, #tpu.memory_space<vmem>>) target_semaphore(%arg15 : memref<!tpu.dma_semaphore, #tpu.memory_space<semaphore_mem>>)
    %dma_wait3A_131 = arith.constant 0 : i32
    %dma_wait3A_132 = tpu.memref_slice %arg3[%dma_wait3A_131, %mul3A_17] : memref<64x100000xf32, #tpu.memory_space<hbm>> -> memref<64x128xf32, #tpu.memory_space<hbm>>
    %dma_wait3A_133 = arith.constant 0 : i32
    %dma_wait3A_134 = tpu.memref_slice %arg3[%dma_wait3A_133, %mul3A_17] : memref<64x100000xf32, #tpu.memory_space<hbm>> -> memref<64x128xf32, #tpu.memory_space<hbm>>
    tpu.wait_dma2 semaphore(%arg16 : memref<!tpu.dma_semaphore, #tpu.memory_space<semaphore_mem>>) src(%dma_wait3A_134 : memref<64x128xf32, #tpu.memory_space<hbm>>) dst(%arg7 : memref<64x128xf32, #tpu.memory_space<vmem>>)
    %slice3A_135 = vector.extract_strided_slice %get3A_3 {offsets = [1], sizes = [1], strides = [1]} : vector<16xi32> to vector<1xi32>
    %squeeze3A_136 = vector.extract %slice3A_135[0] : i32 from vector<1xi32>
    %and3A_137 = arith.constant 127 : i32
    %and3A_138 = arith.andi %squeeze3A_136, %and3A_137 : i32
    %broadcast_in_dim3A_139 = vector.broadcast %and3A_138 : i32 to vector<16xi32>
    %iota3A_140 = tpu.iota {dimensions = array<i32: 0>} : vector<16xi32>
    %add3A_141 = arith.constant 0 : i32
    %add3A_142 = vector.broadcast %add3A_141 : i32 to vector<16xi32>
    %add3A_143 = arith.addi %iota3A_140, %add3A_142 : vector<16xi32>
    %gather3A_144 = tpu.vector_load_idx %arg7[%add3A_143, %broadcast_in_dim3A_139] : memref<64x128xf32, #tpu.memory_space<vmem>>[vector<16xi32>, vector<16xi32>], vector<16xf32>,
    %swap3A_145 = arith.constant 1 : i32
    %swap3A_146 = arith.index_cast %swap3A_145 : i32 to index
    %swap3A_147 = arith.constant 0 : index
    %swap3A_148 = tpu.vector_load %arg14[%swap3A_146, %swap3A_147] {strides = array<i32>} : memref<32x64xf32, #tpu.memory_space<vmem>>, vector<16xf32>,
    tpu.vector_store %arg14[%swap3A_146, %swap3A_147], %gather3A_144 {strides = array<i32>} : memref<32x64xf32, #tpu.memory_space<vmem>>, vector<16xf32>,
    %iota3A_149 = tpu.iota {dimensions = array<i32: 0>} : vector<16xi32>
    %add3A_150 = arith.constant 16 : i32
    %add3A_151 = vector.broadcast %add3A_150 : i32 to vector<16xi32>
    %add3A_152 = arith.addi %iota3A_149, %add3A_151 : vector<16xi32>
    %gather3A_153 = tpu.vector_load_idx %arg7[%add3A_152, %broadcast_in_dim3A_139] : memref<64x128xf32, #tpu.memory_space<vmem>>[vector<16xi32>, vector<16xi32>], vector<16xf32>,
    %swap3A_154 = arith.constant 1 : i32
    %swap3A_155 = arith.index_cast %swap3A_154 : i32 to index
    %swap3A_156 = arith.constant 16 : index
    %swap3A_157 = tpu.vector_load %arg14[%swap3A_155, %swap3A_156] {strides = array<i32>} : memref<32x64xf32, #tpu.memory_space<vmem>>, vector<16xf32>,
    tpu.vector_store %arg14[%swap3A_155, %swap3A_156], %gather3A_153 {strides = array<i32>} : memref<32x64xf32, #tpu.memory_space<vmem>>, vector<16xf32>,
    %iota3A_158 = tpu.iota {dimensions = array<i32: 0>} : vector<16xi32>
    %add3A_159 = arith.constant 32 : i32
    %add3A_160 = vector.broadcast %add3A_159 : i32 to vector<16xi32>
    %add3A_161 = arith.addi %iota3A_158, %add3A_160 : vector<16xi32>
    %gather3A_162 = tpu.vector_load_idx %arg7[%add3A_161, %broadcast_in_dim3A_139] : memref<64x128xf32, #tpu.memory_space<vmem>>[vector<16xi32>, vector<16xi32>], vector<16xf32>,
    %swap3A_163 = arith.constant 1 : i32
    %swap3A_164 = arith.index_cast %swap3A_163 : i32 to index
    %swap3A_165 = arith.constant 32 : index
    %swap3A_166 = tpu.vector_load %arg14[%swap3A_164, %swap3A_165] {strides = array<i32>} : memref<32x64xf32, #tpu.memory_space<vmem>>, vector<16xf32>,
    tpu.vector_store %arg14[%swap3A_164, %swap3A_165], %gather3A_162 {strides = array<i32>} : memref<32x64xf32, #tpu.memory_space<vmem>>, vector<16xf32>,
    %iota3A_167 = tpu.iota {dimensions = array<i32: 0>} : vector<16xi32>
    %add3A_168 = arith.constant 48 : i32
    %add3A_169 = vector.broadcast %add3A_168 : i32 to vector<16xi32>
    %add3A_170 = arith.addi %iota3A_167, %add3A_169 : vector<16xi32>
    %gather3A_171 = tpu.vector_load_idx %arg7[%add3A_170, %broadcast_in_dim3A_139] : memref<64x128xf32, #tpu.memory_space<vmem>>[vector<16xi32>, vector<16xi32>], vector<16xf32>,
    %swap3A_172 = arith.constant 1 : i32
    %swap3A_173 = arith.index_cast %swap3A_172 : i32 to index
    %swap3A_174 = arith.constant 48 : index
    %swap3A_175 = tpu.vector_load %arg14[%swap3A_173, %swap3A_174] {strides = array<i32>} : memref<32x64xf32, #tpu.memory_space<vmem>>, vector<16xf32>,
    tpu.vector_store %arg14[%swap3A_173, %swap3A_174], %gather3A_171 {strides = array<i32>} : memref<32x64xf32, #tpu.memory_space<vmem>>, vector<16xf32>,
    %slice3A_176 = vector.extract_strided_slice %get3A_3 {offsets = [9], sizes = [1], strides = [1]} : vector<16xi32> to vector<1xi32>
    %squeeze3A_177 = vector.extract %slice3A_176[0] : i32 from vector<1xi32>
    %shift_right_logical3A_178 = arith.constant 7 : i32
    %shift_right_logical3A_179 = arith.shrui %squeeze3A_177, %shift_right_logical3A_178 : i32
    %mul3A_180 = arith.constant 128 : i32
    %mul3A_181 = arith.muli %shift_right_logical3A_179, %mul3A_180 : i32
    %dma_start3A_182 = arith.constant 0 : i32
    %dma_start3A_183 = tpu.memref_slice %arg3[%dma_start3A_182, %mul3A_181] : memref<64x100000xf32, #tpu.memory_space<hbm>> -> memref<64x128xf32, #tpu.memory_space<hbm>>
    %dma_start3A_184 = arith.constant 0 : i32
    %dma_start3A_185 = tpu.memref_slice %arg3[%dma_start3A_184, %mul3A_181] : memref<64x100000xf32, #tpu.memory_space<hbm>> -> memref<64x128xf32, #tpu.memory_space<hbm>>
    tpu.enqueue_dma source(%dma_start3A_185 : memref<64x128xf32, #tpu.memory_space<hbm>>) target(%arg7 : memref<64x128xf32, #tpu.memory_space<vmem>>) target_semaphore(%arg16 : memref<!tpu.dma_semaphore, #tpu.memory_space<semaphore_mem>>)
    %dma_wait3A_186 = arith.constant 0 : i32
    %dma_wait3A_187 = tpu.memref_slice %arg3[%dma_wait3A_186, %mul3A_27] : memref<64x100000xf32, #tpu.memory_space<hbm>> -> memref<64x128xf32, #tpu.memory_space<hbm>>
    %dma_wait3A_188 = arith.constant 0 : i32
    %dma_wait3A_189 = tpu.memref_slice %arg3[%dma_wait3A_188, %mul3A_27] : memref<64x100000xf32, #tpu.memory_space<hbm>> -> memref<64x128xf32, #tpu.memory_space<hbm>>
    tpu.wait_dma2 semaphore(%arg17 : memref<!tpu.dma_semaphore, #tpu.memory_space<semaphore_mem>>) src(%dma_wait3A_189 : memref<64x128xf32, #tpu.memory_space<hbm>>) dst(%arg8 : memref<64x128xf32, #tpu.memory_space<vmem>>)
    %slice3A_190 = vector.extract_strided_slice %get3A_3 {offsets = [2], sizes = [1], strides = [1]} : vector<16xi32> to vector<1xi32>
    %squeeze3A_191 = vector.extract %slice3A_190[0] : i32 from vector<1xi32>
    %and3A_192 = arith.constant 127 : i32
    %and3A_193 = arith.andi %squeeze3A_191, %and3A_192 : i32
    %broadcast_in_dim3A_194 = vector.broadcast %and3A_193 : i32 to vector<16xi32>
    %iota3A_195 = tpu.iota {dimensions = array<i32: 0>} : vector<16xi32>
    %add3A_196 = arith.constant 0 : i32
    %add3A_197 = vector.broadcast %add3A_196 : i32 to vector<16xi32>
    %add3A_198 = arith.addi %iota3A_195, %add3A_197 : vector<16xi32>
    %gather3A_199 = tpu.vector_load_idx %arg8[%add3A_198, %broadcast_in_dim3A_194] : memref<64x128xf32, #tpu.memory_space<vmem>>[vector<16xi32>, vector<16xi32>], vector<16xf32>,
    %swap3A_200 = arith.constant 2 : i32
    %swap3A_201 = arith.index_cast %swap3A_200 : i32 to index
    %swap3A_202 = arith.constant 0 : index
    %swap3A_203 = tpu.vector_load %arg14[%swap3A_201, %swap3A_202] {strides = array<i32>} : memref<32x64xf32, #tpu.memory_space<vmem>>, vector<16xf32>,
    tpu.vector_store %arg14[%swap3A_201, %swap3A_202], %gather3A_199 {strides = array<i32>} : memref<32x64xf32, #tpu.memory_space<vmem>>, vector<16xf32>,
    %iota3A_204 = tpu.iota {dimensions = array<i32: 0>} : vector<16xi32>
    %add3A_205 = arith.constant 16 : i32
    %add3A_206 = vector.broadcast %add3A_205 : i32 to vector<16xi32>
    %add3A_207 = arith.addi %iota3A_204, %add3A_206 : vector<16xi32>
    %gather3A_208 = tpu.vector_load_idx %arg8[%add3A_207, %broadcast_in_dim3A_194] : memref<64x128xf32, #tpu.memory_space<vmem>>[vector<16xi32>, vector<16xi32>], vector<16xf32>,
    %swap3A_209 = arith.constant 2 : i32
    %swap3A_210 = arith.index_cast %swap3A_209 : i32 to index
    %swap3A_211 = arith.constant 16 : index
    %swap3A_212 = tpu.vector_load %arg14[%swap3A_210, %swap3A_211] {strides = array<i32>} : memref<32x64xf32, #tpu.memory_space<vmem>>, vector<16xf32>,
    tpu.vector_store %arg14[%swap3A_210, %swap3A_211], %gather3A_208 {strides = array<i32>} : memref<32x64xf32, #tpu.memory_space<vmem>>, vector<16xf32>,
    %iota3A_213 = tpu.iota {dimensions = array<i32: 0>} : vector<16xi32>
    %add3A_214 = arith.constant 32 : i32
    %add3A_215 = vector.broadcast %add3A_214 : i32 to vector<16xi32>
    %add3A_216 = arith.addi %iota3A_213, %add3A_215 : vector<16xi32>
    %gather3A_217 = tpu.vector_load_idx %arg8[%add3A_216, %broadcast_in_dim3A_194] : memref<64x128xf32, #tpu.memory_space<vmem>>[vector<16xi32>, vector<16xi32>], vector<16xf32>,
    %swap3A_218 = arith.constant 2 : i32
    %swap3A_219 = arith.index_cast %swap3A_218 : i32 to index
    %swap3A_220 = arith.constant 32 : index
    %swap3A_221 = tpu.vector_load %arg14[%swap3A_219, %swap3A_220] {strides = array<i32>} : memref<32x64xf32, #tpu.memory_space<vmem>>, vector<16xf32>,
    tpu.vector_store %arg14[%swap3A_219, %swap3A_220], %gather3A_217 {strides = array<i32>} : memref<32x64xf32, #tpu.memory_space<vmem>>, vector<16xf32>,
    %iota3A_222 = tpu.iota {dimensions = array<i32: 0>} : vector<16xi32>
    %add3A_223 = arith.constant 48 : i32
    %add3A_224 = vector.broadcast %add3A_223 : i32 to vector<16xi32>
    %add3A_225 = arith.addi %iota3A_222, %add3A_224 : vector<16xi32>
    %gather3A_226 = tpu.vector_load_idx %arg8[%add3A_225, %broadcast_in_dim3A_194] : memref<64x128xf32, #tpu.memory_space<vmem>>[vector<16xi32>, vector<16xi32>], vector<16xf32>,
    %swap3A_227 = arith.constant 2 : i32
    %swap3A_228 = arith.index_cast %swap3A_227 : i32 to index
    %swap3A_229 = arith.constant 48 : index
    %swap3A_230 = tpu.vector_load %arg14[%swap3A_228, %swap3A_229] {strides = array<i32>} : memref<32x64xf32, #tpu.memory_space<vmem>>, vector<16xf32>,
    tpu.vector_store %arg14[%swap3A_228, %swap3A_229], %gather3A_226 {strides = array<i32>} : memref<32x64xf32, #tpu.memory_space<vmem>>, vector<16xf32>,
    %slice3A_231 = vector.extract_strided_slice %get3A_3 {offsets = [10], sizes = [1], strides = [1]} : vector<16xi32> to vector<1xi32>
    %squeeze3A_232 = vector.extract %slice3A_231[0] : i32 from vector<1xi32>
    %shift_right_logical3A_233 = arith.constant 7 : i32
    %shift_right_logical3A_234 = arith.shrui %squeeze3A_232, %shift_right_logical3A_233 : i32
    %mul3A_235 = arith.constant 128 : i32
    %mul3A_236 = arith.muli %shift_right_logical3A_234, %mul3A_235 : i32
    %dma_start3A_237 = arith.constant 0 : i32
    %dma_start3A_238 = tpu.memref_slice %arg3[%dma_start3A_237, %mul3A_236] : memref<64x100000xf32, #tpu.memory_space<hbm>> -> memref<64x128xf32, #tpu.memory_space<hbm>>
    %dma_start3A_239 = arith.constant 0 : i32
    %dma_start3A_240 = tpu.memref_slice %arg3[%dma_start3A_239, %mul3A_236] : memref<64x100000xf32, #tpu.memory_space<hbm>> -> memref<64x128xf32, #tpu.memory_space<hbm>>
    tpu.enqueue_dma source(%dma_start3A_240 : memref<64x128xf32, #tpu.memory_space<hbm>>) target(%arg8 : memref<64x128xf32, #tpu.memory_space<vmem>>) target_semaphore(%arg17 : memref<!tpu.dma_semaphore, #tpu.memory_space<semaphore_mem>>)
    %dma_wait3A_241 = arith.constant 0 : i32
    %dma_wait3A_242 = tpu.memref_slice %arg3[%dma_wait3A_241, %mul3A_37] : memref<64x100000xf32, #tpu.memory_space<hbm>> -> memref<64x128xf32, #tpu.memory_space<hbm>>
    %dma_wait3A_243 = arith.constant 0 : i32
    %dma_wait3A_244 = tpu.memref_slice %arg3[%dma_wait3A_243, %mul3A_37] : memref<64x100000xf32, #tpu.memory_space<hbm>> -> memref<64x128xf32, #tpu.memory_space<hbm>>
    tpu.wait_dma2 semaphore(%arg18 : memref<!tpu.dma_semaphore, #tpu.memory_space<semaphore_mem>>) src(%dma_wait3A_244 : memref<64x128xf32, #tpu.memory_space<hbm>>) dst(%arg9 : memref<64x128xf32, #tpu.memory_space<vmem>>)
    %slice3A_245 = vector.extract_strided_slice %get3A_3 {offsets = [3], sizes = [1], strides = [1]} : vector<16xi32> to vector<1xi32>
    %squeeze3A_246 = vector.extract %slice3A_245[0] : i32 from vector<1xi32>
    %and3A_247 = arith.constant 127 : i32
    %and3A_248 = arith.andi %squeeze3A_246, %and3A_247 : i32
    %broadcast_in_dim3A_249 = vector.broadcast %and3A_248 : i32 to vector<16xi32>
    %iota3A_250 = tpu.iota {dimensions = array<i32: 0>} : vector<16xi32>
    %add3A_251 = arith.constant 0 : i32
    %add3A_252 = vector.broadcast %add3A_251 : i32 to vector<16xi32>
    %add3A_253 = arith.addi %iota3A_250, %add3A_252 : vector<16xi32>
    %gather3A_254 = tpu.vector_load_idx %arg9[%add3A_253, %broadcast_in_dim3A_249] : memref<64x128xf32, #tpu.memory_space<vmem>>[vector<16xi32>, vector<16xi32>], vector<16xf32>,
    %swap3A_255 = arith.constant 3 : i32
    %swap3A_256 = arith.index_cast %swap3A_255 : i32 to index
    %swap3A_257 = arith.constant 0 : index
    %swap3A_258 = tpu.vector_load %arg14[%swap3A_256, %swap3A_257] {strides = array<i32>} : memref<32x64xf32, #tpu.memory_space<vmem>>, vector<16xf32>,
    tpu.vector_store %arg14[%swap3A_256, %swap3A_257], %gather3A_254 {strides = array<i32>} : memref<32x64xf32, #tpu.memory_space<vmem>>, vector<16xf32>,
    %iota3A_259 = tpu.iota {dimensions = array<i32: 0>} : vector<16xi32>
    %add3A_260 = arith.constant 16 : i32
    %add3A_261 = vector.broadcast %add3A_260 : i32 to vector<16xi32>
    %add3A_262 = arith.addi %iota3A_259, %add3A_261 : vector<16xi32>
    %gather3A_263 = tpu.vector_load_idx %arg9[%add3A_262, %broadcast_in_dim3A_249] : memref<64x128xf32, #tpu.memory_space<vmem>>[vector<16xi32>, vector<16xi32>], vector<16xf32>,
    %swap3A_264 = arith.constant 3 : i32
    %swap3A_265 = arith.index_cast %swap3A_264 : i32 to index
    %swap3A_266 = arith.constant 16 : index
    %swap3A_267 = tpu.vector_load %arg14[%swap3A_265, %swap3A_266] {strides = array<i32>} : memref<32x64xf32, #tpu.memory_space<vmem>>, vector<16xf32>,
    tpu.vector_store %arg14[%swap3A_265, %swap3A_266], %gather3A_263 {strides = array<i32>} : memref<32x64xf32, #tpu.memory_space<vmem>>, vector<16xf32>,
    %iota3A_268 = tpu.iota {dimensions = array<i32: 0>} : vector<16xi32>
    %add3A_269 = arith.constant 32 : i32
    %add3A_270 = vector.broadcast %add3A_269 : i32 to vector<16xi32>
    %add3A_271 = arith.addi %iota3A_268, %add3A_270 : vector<16xi32>
    %gather3A_272 = tpu.vector_load_idx %arg9[%add3A_271, %broadcast_in_dim3A_249] : memref<64x128xf32, #tpu.memory_space<vmem>>[vector<16xi32>, vector<16xi32>], vector<16xf32>,
    %swap3A_273 = arith.constant 3 : i32
    %swap3A_274 = arith.index_cast %swap3A_273 : i32 to index
    %swap3A_275 = arith.constant 32 : index
    %swap3A_276 = tpu.vector_load %arg14[%swap3A_274, %swap3A_275] {strides = array<i32>} : memref<32x64xf32, #tpu.memory_space<vmem>>, vector<16xf32>,
    tpu.vector_store %arg14[%swap3A_274, %swap3A_275], %gather3A_272 {strides = array<i32>} : memref<32x64xf32, #tpu.memory_space<vmem>>, vector<16xf32>,
    %iota3A_277 = tpu.iota {dimensions = array<i32: 0>} : vector<16xi32>
    %add3A_278 = arith.constant 48 : i32
    %add3A_279 = vector.broadcast %add3A_278 : i32 to vector<16xi32>
    %add3A_280 = arith.addi %iota3A_277, %add3A_279 : vector<16xi32>
    %gather3A_281 = tpu.vector_load_idx %arg9[%add3A_280, %broadcast_in_dim3A_249] : memref<64x128xf32, #tpu.memory_space<vmem>>[vector<16xi32>, vector<16xi32>], vector<16xf32>,
    %swap3A_282 = arith.constant 3 : i32
    %swap3A_283 = arith.index_cast %swap3A_282 : i32 to index
    %swap3A_284 = arith.constant 48 : index
    %swap3A_285 = tpu.vector_load %arg14[%swap3A_283, %swap3A_284] {strides = array<i32>} : memref<32x64xf32, #tpu.memory_space<vmem>>, vector<16xf32>,
    tpu.vector_store %arg14[%swap3A_283, %swap3A_284], %gather3A_281 {strides = array<i32>} : memref<32x64xf32, #tpu.memory_space<vmem>>, vector<16xf32>,
    %slice3A_286 = vector.extract_strided_slice %get3A_3 {offsets = [11], sizes = [1], strides = [1]} : vector<16xi32> to vector<1xi32>
    %squeeze3A_287 = vector.extract %slice3A_286[0] : i32 from vector<1xi32>
    %shift_right_logical3A_288 = arith.constant 7 : i32
    %shift_right_logical3A_289 = arith.shrui %squeeze3A_287, %shift_right_logical3A_288 : i32
    %mul3A_290 = arith.constant 128 : i32
    %mul3A_291 = arith.muli %shift_right_logical3A_289, %mul3A_290 : i32
    %dma_start3A_292 = arith.constant 0 : i32
    %dma_start3A_293 = tpu.memref_slice %arg3[%dma_start3A_292, %mul3A_291] : memref<64x100000xf32, #tpu.memory_space<hbm>> -> memref<64x128xf32, #tpu.memory_space<hbm>>
    %dma_start3A_294 = arith.constant 0 : i32
    %dma_start3A_295 = tpu.memref_slice %arg3[%dma_start3A_294, %mul3A_291] : memref<64x100000xf32, #tpu.memory_space<hbm>> -> memref<64x128xf32, #tpu.memory_space<hbm>>
    tpu.enqueue_dma source(%dma_start3A_295 : memref<64x128xf32, #tpu.memory_space<hbm>>) target(%arg9 : memref<64x128xf32, #tpu.memory_space<vmem>>) target_semaphore(%arg18 : memref<!tpu.dma_semaphore, #tpu.memory_space<semaphore_mem>>)
    %dma_wait3A_296 = arith.constant 0 : i32
    %dma_wait3A_297 = tpu.memref_slice %arg3[%dma_wait3A_296, %mul3A_47] : memref<64x100000xf32, #tpu.memory_space<hbm>> -> memref<64x128xf32, #tpu.memory_space<hbm>>
    %dma_wait3A_298 = arith.constant 0 : i32
    %dma_wait3A_299 = tpu.memref_slice %arg3[%dma_wait3A_298, %mul3A_47] : memref<64x100000xf32, #tpu.memory_space<hbm>> -> memref<64x128xf32, #tpu.memory_space<hbm>>
    tpu.wait_dma2 semaphore(%arg19 : memref<!tpu.dma_semaphore, #tpu.memory_space<semaphore_mem>>) src(%dma_wait3A_299 : memref<64x128xf32, #tpu.memory_space<hbm>>) dst(%arg10 : memref<64x128xf32, #tpu.memory_space<vmem>>)
    %slice3A_300 = vector.extract_strided_slice %get3A_3 {offsets = [4], sizes = [1], strides = [1]} : vector<16xi32> to vector<1xi32>
    %squeeze3A_301 = vector.extract %slice3A_300[0] : i32 from vector<1xi32>
    %and3A_302 = arith.constant 127 : i32
    %and3A_303 = arith.andi %squeeze3A_301, %and3A_302 : i32
    %broadcast_in_dim3A_304 = vector.broadcast %and3A_303 : i32 to vector<16xi32>
    %iota3A_305 = tpu.iota {dimensions = array<i32: 0>} : vector<16xi32>
    %add3A_306 = arith.constant 0 : i32
    %add3A_307 = vector.broadcast %add3A_306 : i32 to vector<16xi32>
    %add3A_308 = arith.addi %iota3A_305, %add3A_307 : vector<16xi32>
    %gather3A_309 = tpu.vector_load_idx %arg10[%add3A_308, %broadcast_in_dim3A_304] : memref<64x128xf32, #tpu.memory_space<vmem>>[vector<16xi32>, vector<16xi32>], vector<16xf32>,
    %swap3A_310 = arith.constant 4 : i32
    %swap3A_311 = arith.index_cast %swap3A_310 : i32 to index
    %swap3A_312 = arith.constant 0 : index
    %swap3A_313 = tpu.vector_load %arg14[%swap3A_311, %swap3A_312] {strides = array<i32>} : memref<32x64xf32, #tpu.memory_space<vmem>>, vector<16xf32>,
    tpu.vector_store %arg14[%swap3A_311, %swap3A_312], %gather3A_309 {strides = array<i32>} : memref<32x64xf32, #tpu.memory_space<vmem>>, vector<16xf32>,
    %iota3A_314 = tpu.iota {dimensions = array<i32: 0>} : vector<16xi32>
    %add3A_315 = arith.constant 16 : i32
    %add3A_316 = vector.broadcast %add3A_315 : i32 to vector<16xi32>
    %add3A_317 = arith.addi %iota3A_314, %add3A_316 : vector<16xi32>
    %gather3A_318 = tpu.vector_load_idx %arg10[%add3A_317, %broadcast_in_dim3A_304] : memref<64x128xf32, #tpu.memory_space<vmem>>[vector<16xi32>, vector<16xi32>], vector<16xf32>,
    %swap3A_319 = arith.constant 4 : i32
    %swap3A_320 = arith.index_cast %swap3A_319 : i32 to index
    %swap3A_321 = arith.constant 16 : index
    %swap3A_322 = tpu.vector_load %arg14[%swap3A_320, %swap3A_321] {strides = array<i32>} : memref<32x64xf32, #tpu.memory_space<vmem>>, vector<16xf32>,
    tpu.vector_store %arg14[%swap3A_320, %swap3A_321], %gather3A_318 {strides = array<i32>} : memref<32x64xf32, #tpu.memory_space<vmem>>, vector<16xf32>,
    %iota3A_323 = tpu.iota {dimensions = array<i32: 0>} : vector<16xi32>
    %add3A_324 = arith.constant 32 : i32
    %add3A_325 = vector.broadcast %add3A_324 : i32 to vector<16xi32>
    %add3A_326 = arith.addi %iota3A_323, %add3A_325 : vector<16xi32>
    %gather3A_327 = tpu.vector_load_idx %arg10[%add3A_326, %broadcast_in_dim3A_304] : memref<64x128xf32, #tpu.memory_space<vmem>>[vector<16xi32>, vector<16xi32>], vector<16xf32>,
    %swap3A_328 = arith.constant 4 : i32
    %swap3A_329 = arith.index_cast %swap3A_328 : i32 to index
    %swap3A_330 = arith.constant 32 : index
    %swap3A_331 = tpu.vector_load %arg14[%swap3A_329, %swap3A_330] {strides = array<i32>} : memref<32x64xf32, #tpu.memory_space<vmem>>, vector<16xf32>,
    tpu.vector_store %arg14[%swap3A_329, %swap3A_330], %gather3A_327 {strides = array<i32>} : memref<32x64xf32, #tpu.memory_space<vmem>>, vector<16xf32>,
    %iota3A_332 = tpu.iota {dimensions = array<i32: 0>} : vector<16xi32>
    %add3A_333 = arith.constant 48 : i32
    %add3A_334 = vector.broadcast %add3A_333 : i32 to vector<16xi32>
    %add3A_335 = arith.addi %iota3A_332, %add3A_334 : vector<16xi32>
    %gather3A_336 = tpu.vector_load_idx %arg10[%add3A_335, %broadcast_in_dim3A_304] : memref<64x128xf32, #tpu.memory_space<vmem>>[vector<16xi32>, vector<16xi32>], vector<16xf32>,
    %swap3A_337 = arith.constant 4 : i32
    %swap3A_338 = arith.index_cast %swap3A_337 : i32 to index
    %swap3A_339 = arith.constant 48 : index
    %swap3A_340 = tpu.vector_load %arg14[%swap3A_338, %swap3A_339] {strides = array<i32>} : memref<32x64xf32, #tpu.memory_space<vmem>>, vector<16xf32>,
    tpu.vector_store %arg14[%swap3A_338, %swap3A_339], %gather3A_336 {strides = array<i32>} : memref<32x64xf32, #tpu.memory_space<vmem>>, vector<16xf32>,
    %slice3A_341 = vector.extract_strided_slice %get3A_3 {offsets = [12], sizes = [1], strides = [1]} : vector<16xi32> to vector<1xi32>
    %squeeze3A_342 = vector.extract %slice3A_341[0] : i32 from vector<1xi32>
    %shift_right_logical3A_343 = arith.constant 7 : i32
    %shift_right_logical3A_344 = arith.shrui %squeeze3A_342, %shift_right_logical3A_343 : i32
    %mul3A_345 = arith.constant 128 : i32
    %mul3A_346 = arith.muli %shift_right_logical3A_344, %mul3A_345 : i32
    %dma_start3A_347 = arith.constant 0 : i32
    %dma_start3A_348 = tpu.memref_slice %arg3[%dma_start3A_347, %mul3A_346] : memref<64x100000xf32, #tpu.memory_space<hbm>> -> memref<64x128xf32, #tpu.memory_space<hbm>>
    %dma_start3A_349 = arith.constant 0 : i32
    %dma_start3A_350 = tpu.memref_slice %arg3[%dma_start3A_349, %mul3A_346] : memref<64x100000xf32, #tpu.memory_space<hbm>> -> memref<64x128xf32, #tpu.memory_space<hbm>>
    tpu.enqueue_dma source(%dma_start3A_350 : memref<64x128xf32, #tpu.memory_space<hbm>>) target(%arg10 : memref<64x128xf32, #tpu.memory_space<vmem>>) target_semaphore(%arg19 : memref<!tpu.dma_semaphore, #tpu.memory_space<semaphore_mem>>)
    %dma_wait3A_351 = arith.constant 0 : i32
    %dma_wait3A_352 = tpu.memref_slice %arg3[%dma_wait3A_351, %mul3A_57] : memref<64x100000xf32, #tpu.memory_space<hbm>> -> memref<64x128xf32, #tpu.memory_space<hbm>>
    %dma_wait3A_353 = arith.constant 0 : i32
    %dma_wait3A_354 = tpu.memref_slice %arg3[%dma_wait3A_353, %mul3A_57] : memref<64x100000xf32, #tpu.memory_space<hbm>> -> memref<64x128xf32, #tpu.memory_space<hbm>>
    tpu.wait_dma2 semaphore(%arg20 : memref<!tpu.dma_semaphore, #tpu.memory_space<semaphore_mem>>) src(%dma_wait3A_354 : memref<64x128xf32, #tpu.memory_space<hbm>>) dst(%arg11 : memref<64x128xf32, #tpu.memory_space<vmem>>)
    %slice3A_355 = vector.extract_strided_slice %get3A_3 {offsets = [5], sizes = [1], strides = [1]} : vector<16xi32> to vector<1xi32>
    %squeeze3A_356 = vector.extract %slice3A_355[0] : i32 from vector<1xi32>
    %and3A_357 = arith.constant 127 : i32
    %and3A_358 = arith.andi %squeeze3A_356, %and3A_357 : i32
    %broadcast_in_dim3A_359 = vector.broadcast %and3A_358 : i32 to vector<16xi32>
    %iota3A_360 = tpu.iota {dimensions = array<i32: 0>} : vector<16xi32>
    %add3A_361 = arith.constant 0 : i32
    %add3A_362 = vector.broadcast %add3A_361 : i32 to vector<16xi32>
    %add3A_363 = arith.addi %iota3A_360, %add3A_362 : vector<16xi32>
    %gather3A_364 = tpu.vector_load_idx %arg11[%add3A_363, %broadcast_in_dim3A_359] : memref<64x128xf32, #tpu.memory_space<vmem>>[vector<16xi32>, vector<16xi32>], vector<16xf32>,
    %swap3A_365 = arith.constant 5 : i32
    %swap3A_366 = arith.index_cast %swap3A_365 : i32 to index
    %swap3A_367 = arith.constant 0 : index
    %swap3A_368 = tpu.vector_load %arg14[%swap3A_366, %swap3A_367] {strides = array<i32>} : memref<32x64xf32, #tpu.memory_space<vmem>>, vector<16xf32>,
    tpu.vector_store %arg14[%swap3A_366, %swap3A_367], %gather3A_364 {strides = array<i32>} : memref<32x64xf32, #tpu.memory_space<vmem>>, vector<16xf32>,
    %iota3A_369 = tpu.iota {dimensions = array<i32: 0>} : vector<16xi32>
    %add3A_370 = arith.constant 16 : i32
    %add3A_371 = vector.broadcast %add3A_370 : i32 to vector<16xi32>
    %add3A_372 = arith.addi %iota3A_369, %add3A_371 : vector<16xi32>
    %gather3A_373 = tpu.vector_load_idx %arg11[%add3A_372, %broadcast_in_dim3A_359] : memref<64x128xf32, #tpu.memory_space<vmem>>[vector<16xi32>, vector<16xi32>], vector<16xf32>,
    %swap3A_374 = arith.constant 5 : i32
    %swap3A_375 = arith.index_cast %swap3A_374 : i32 to index
    %swap3A_376 = arith.constant 16 : index
    %swap3A_377 = tpu.vector_load %arg14[%swap3A_375, %swap3A_376] {strides = array<i32>} : memref<32x64xf32, #tpu.memory_space<vmem>>, vector<16xf32>,
    tpu.vector_store %arg14[%swap3A_375, %swap3A_376], %gather3A_373 {strides = array<i32>} : memref<32x64xf32, #tpu.memory_space<vmem>>, vector<16xf32>,
    %iota3A_378 = tpu.iota {dimensions = array<i32: 0>} : vector<16xi32>
    %add3A_379 = arith.constant 32 : i32
    %add3A_380 = vector.broadcast %add3A_379 : i32 to vector<16xi32>
    %add3A_381 = arith.addi %iota3A_378, %add3A_380 : vector<16xi32>
    %gather3A_382 = tpu.vector_load_idx %arg11[%add3A_381, %broadcast_in_dim3A_359] : memref<64x128xf32, #tpu.memory_space<vmem>>[vector<16xi32>, vector<16xi32>], vector<16xf32>,
    %swap3A_383 = arith.constant 5 : i32
    %swap3A_384 = arith.index_cast %swap3A_383 : i32 to index
    %swap3A_385 = arith.constant 32 : index
    %swap3A_386 = tpu.vector_load %arg14[%swap3A_384, %swap3A_385] {strides = array<i32>} : memref<32x64xf32, #tpu.memory_space<vmem>>, vector<16xf32>,
    tpu.vector_store %arg14[%swap3A_384, %swap3A_385], %gather3A_382 {strides = array<i32>} : memref<32x64xf32, #tpu.memory_space<vmem>>, vector<16xf32>,
    %iota3A_387 = tpu.iota {dimensions = array<i32: 0>} : vector<16xi32>
    %add3A_388 = arith.constant 48 : i32
    %add3A_389 = vector.broadcast %add3A_388 : i32 to vector<16xi32>
    %add3A_390 = arith.addi %iota3A_387, %add3A_389 : vector<16xi32>
    %gather3A_391 = tpu.vector_load_idx %arg11[%add3A_390, %broadcast_in_dim3A_359] : memref<64x128xf32, #tpu.memory_space<vmem>>[vector<16xi32>, vector<16xi32>], vector<16xf32>,
    %swap3A_392 = arith.constant 5 : i32
    %swap3A_393 = arith.index_cast %swap3A_392 : i32 to index
    %swap3A_394 = arith.constant 48 : index
    %swap3A_395 = tpu.vector_load %arg14[%swap3A_393, %swap3A_394] {strides = array<i32>} : memref<32x64xf32, #tpu.memory_space<vmem>>, vector<16xf32>,
    tpu.vector_store %arg14[%swap3A_393, %swap3A_394], %gather3A_391 {strides = array<i32>} : memref<32x64xf32, #tpu.memory_space<vmem>>, vector<16xf32>,
    %slice3A_396 = vector.extract_strided_slice %get3A_3 {offsets = [13], sizes = [1], strides = [1]} : vector<16xi32> to vector<1xi32>
    %squeeze3A_397 = vector.extract %slice3A_396[0] : i32 from vector<1xi32>
    %shift_right_logical3A_398 = arith.constant 7 : i32
    %shift_right_logical3A_399 = arith.shrui %squeeze3A_397, %shift_right_logical3A_398 : i32
    %mul3A_400 = arith.constant 128 : i32
    %mul3A_401 = arith.muli %shift_right_logical3A_399, %mul3A_400 : i32
    %dma_start3A_402 = arith.constant 0 : i32
    %dma_start3A_403 = tpu.memref_slice %arg3[%dma_start3A_402, %mul3A_401] : memref<64x100000xf32, #tpu.memory_space<hbm>> -> memref<64x128xf32, #tpu.memory_space<hbm>>
    %dma_start3A_404 = arith.constant 0 : i32
    %dma_start3A_405 = tpu.memref_slice %arg3[%dma_start3A_404, %mul3A_401] : memref<64x100000xf32, #tpu.memory_space<hbm>> -> memref<64x128xf32, #tpu.memory_space<hbm>>
    tpu.enqueue_dma source(%dma_start3A_405 : memref<64x128xf32, #tpu.memory_space<hbm>>) target(%arg11 : memref<64x128xf32, #tpu.memory_space<vmem>>) target_semaphore(%arg20 : memref<!tpu.dma_semaphore, #tpu.memory_space<semaphore_mem>>)
    %dma_wait3A_406 = arith.constant 0 : i32
    %dma_wait3A_407 = tpu.memref_slice %arg3[%dma_wait3A_406, %mul3A_67] : memref<64x100000xf32, #tpu.memory_space<hbm>> -> memref<64x128xf32, #tpu.memory_space<hbm>>
    %dma_wait3A_408 = arith.constant 0 : i32
    %dma_wait3A_409 = tpu.memref_slice %arg3[%dma_wait3A_408, %mul3A_67] : memref<64x100000xf32, #tpu.memory_space<hbm>> -> memref<64x128xf32, #tpu.memory_space<hbm>>
    tpu.wait_dma2 semaphore(%arg21 : memref<!tpu.dma_semaphore, #tpu.memory_space<semaphore_mem>>) src(%dma_wait3A_409 : memref<64x128xf32, #tpu.memory_space<hbm>>) dst(%arg12 : memref<64x128xf32, #tpu.memory_space<vmem>>)
    %slice3A_410 = vector.extract_strided_slice %get3A_3 {offsets = [6], sizes = [1], strides = [1]} : vector<16xi32> to vector<1xi32>
    %squeeze3A_411 = vector.extract %slice3A_410[0] : i32 from vector<1xi32>
    %and3A_412 = arith.constant 127 : i32
    %and3A_413 = arith.andi %squeeze3A_411, %and3A_412 : i32
    %broadcast_in_dim3A_414 = vector.broadcast %and3A_413 : i32 to vector<16xi32>
    %iota3A_415 = tpu.iota {dimensions = array<i32: 0>} : vector<16xi32>
    %add3A_416 = arith.constant 0 : i32
    %add3A_417 = vector.broadcast %add3A_416 : i32 to vector<16xi32>
    %add3A_418 = arith.addi %iota3A_415, %add3A_417 : vector<16xi32>
    %gather3A_419 = tpu.vector_load_idx %arg12[%add3A_418, %broadcast_in_dim3A_414] : memref<64x128xf32, #tpu.memory_space<vmem>>[vector<16xi32>, vector<16xi32>], vector<16xf32>,
    %swap3A_420 = arith.constant 6 : i32
    %swap3A_421 = arith.index_cast %swap3A_420 : i32 to index
    %swap3A_422 = arith.constant 0 : index
    %swap3A_423 = tpu.vector_load %arg14[%swap3A_421, %swap3A_422] {strides = array<i32>} : memref<32x64xf32, #tpu.memory_space<vmem>>, vector<16xf32>,
    tpu.vector_store %arg14[%swap3A_421, %swap3A_422], %gather3A_419 {strides = array<i32>} : memref<32x64xf32, #tpu.memory_space<vmem>>, vector<16xf32>,
    %iota3A_424 = tpu.iota {dimensions = array<i32: 0>} : vector<16xi32>
    %add3A_425 = arith.constant 16 : i32
    %add3A_426 = vector.broadcast %add3A_425 : i32 to vector<16xi32>
    %add3A_427 = arith.addi %iota3A_424, %add3A_426 : vector<16xi32>
    %gather3A_428 = tpu.vector_load_idx %arg12[%add3A_427, %broadcast_in_dim3A_414] : memref<64x128xf32, #tpu.memory_space<vmem>>[vector<16xi32>, vector<16xi32>], vector<16xf32>,
    %swap3A_429 = arith.constant 6 : i32
    %swap3A_430 = arith.index_cast %swap3A_429 : i32 to index
    %swap3A_431 = arith.constant 16 : index
    %swap3A_432 = tpu.vector_load %arg14[%swap3A_430, %swap3A_431] {strides = array<i32>} : memref<32x64xf32, #tpu.memory_space<vmem>>, vector<16xf32>,
    tpu.vector_store %arg14[%swap3A_430, %swap3A_431], %gather3A_428 {strides = array<i32>} : memref<32x64xf32, #tpu.memory_space<vmem>>, vector<16xf32>,
    %iota3A_433 = tpu.iota {dimensions = array<i32: 0>} : vector<16xi32>
    %add3A_434 = arith.constant 32 : i32
    %add3A_435 = vector.broadcast %add3A_434 : i32 to vector<16xi32>
    %add3A_436 = arith.addi %iota3A_433, %add3A_435 : vector<16xi32>
    %gather3A_437 = tpu.vector_load_idx %arg12[%add3A_436, %broadcast_in_dim3A_414] : memref<64x128xf32, #tpu.memory_space<vmem>>[vector<16xi32>, vector<16xi32>], vector<16xf32>,
    %swap3A_438 = arith.constant 6 : i32
    %swap3A_439 = arith.index_cast %swap3A_438 : i32 to index
    %swap3A_440 = arith.constant 32 : index
    %swap3A_441 = tpu.vector_load %arg14[%swap3A_439, %swap3A_440] {strides = array<i32>} : memref<32x64xf32, #tpu.memory_space<vmem>>, vector<16xf32>,
    tpu.vector_store %arg14[%swap3A_439, %swap3A_440], %gather3A_437 {strides = array<i32>} : memref<32x64xf32, #tpu.memory_space<vmem>>, vector<16xf32>,
    %iota3A_442 = tpu.iota {dimensions = array<i32: 0>} : vector<16xi32>
    %add3A_443 = arith.constant 48 : i32
    %add3A_444 = vector.broadcast %add3A_443 : i32 to vector<16xi32>
    %add3A_445 = arith.addi %iota3A_442, %add3A_444 : vector<16xi32>
    %gather3A_446 = tpu.vector_load_idx %arg12[%add3A_445, %broadcast_in_dim3A_414] : memref<64x128xf32, #tpu.memory_space<vmem>>[vector<16xi32>, vector<16xi32>], vector<16xf32>,
    %swap3A_447 = arith.constant 6 : i32
    %swap3A_448 = arith.index_cast %swap3A_447 : i32 to index
    %swap3A_449 = arith.constant 48 : index
    %swap3A_450 = tpu.vector_load %arg14[%swap3A_448, %swap3A_449] {strides = array<i32>} : memref<32x64xf32, #tpu.memory_space<vmem>>, vector<16xf32>,
    tpu.vector_store %arg14[%swap3A_448, %swap3A_449], %gather3A_446 {strides = array<i32>} : memref<32x64xf32, #tpu.memory_space<vmem>>, vector<16xf32>,
    %slice3A_451 = vector.extract_strided_slice %get3A_3 {offsets = [14], sizes = [1], strides = [1]} : vector<16xi32> to vector<1xi32>
    %squeeze3A_452 = vector.extract %slice3A_451[0] : i32 from vector<1xi32>
    %shift_right_logical3A_453 = arith.constant 7 : i32
    %shift_right_logical3A_454 = arith.shrui %squeeze3A_452, %shift_right_logical3A_453 : i32
    %mul3A_455 = arith.constant 128 : i32
    %mul3A_456 = arith.muli %shift_right_logical3A_454, %mul3A_455 : i32
    %dma_start3A_457 = arith.constant 0 : i32
    %dma_start3A_458 = tpu.memref_slice %arg3[%dma_start3A_457, %mul3A_456] : memref<64x100000xf32, #tpu.memory_space<hbm>> -> memref<64x128xf32, #tpu.memory_space<hbm>>
    %dma_start3A_459 = arith.constant 0 : i32
    %dma_start3A_460 = tpu.memref_slice %arg3[%dma_start3A_459, %mul3A_456] : memref<64x100000xf32, #tpu.memory_space<hbm>> -> memref<64x128xf32, #tpu.memory_space<hbm>>
    tpu.enqueue_dma source(%dma_start3A_460 : memref<64x128xf32, #tpu.memory_space<hbm>>) target(%arg12 : memref<64x128xf32, #tpu.memory_space<vmem>>) target_semaphore(%arg21 : memref<!tpu.dma_semaphore, #tpu.memory_space<semaphore_mem>>)
    %dma_wait3A_461 = arith.constant 0 : i32
    %dma_wait3A_462 = tpu.memref_slice %arg3[%dma_wait3A_461, %mul3A_77] : memref<64x100000xf32, #tpu.memory_space<hbm>> -> memref<64x128xf32, #tpu.memory_space<hbm>>
    %dma_wait3A_463 = arith.constant 0 : i32
    %dma_wait3A_464 = tpu.memref_slice %arg3[%dma_wait3A_463, %mul3A_77] : memref<64x100000xf32, #tpu.memory_space<hbm>> -> memref<64x128xf32, #tpu.memory_space<hbm>>
    tpu.wait_dma2 semaphore(%arg22 : memref<!tpu.dma_semaphore, #tpu.memory_space<semaphore_mem>>) src(%dma_wait3A_464 : memref<64x128xf32, #tpu.memory_space<hbm>>) dst(%arg13 : memref<64x128xf32, #tpu.memory_space<vmem>>)
    %slice3A_465 = vector.extract_strided_slice %get3A_3 {offsets = [7], sizes = [1], strides = [1]} : vector<16xi32> to vector<1xi32>
    %squeeze3A_466 = vector.extract %slice3A_465[0] : i32 from vector<1xi32>
    %and3A_467 = arith.constant 127 : i32
    %and3A_468 = arith.andi %squeeze3A_466, %and3A_467 : i32
    %broadcast_in_dim3A_469 = vector.broadcast %and3A_468 : i32 to vector<16xi32>
    %iota3A_470 = tpu.iota {dimensions = array<i32: 0>} : vector<16xi32>
    %add3A_471 = arith.constant 0 : i32
    %add3A_472 = vector.broadcast %add3A_471 : i32 to vector<16xi32>
    %add3A_473 = arith.addi %iota3A_470, %add3A_472 : vector<16xi32>
    %gather3A_474 = tpu.vector_load_idx %arg13[%add3A_473, %broadcast_in_dim3A_469] : memref<64x128xf32, #tpu.memory_space<vmem>>[vector<16xi32>, vector<16xi32>], vector<16xf32>,
    %swap3A_475 = arith.constant 7 : i32
    %swap3A_476 = arith.index_cast %swap3A_475 : i32 to index
    %swap3A_477 = arith.constant 0 : index
    %swap3A_478 = tpu.vector_load %arg14[%swap3A_476, %swap3A_477] {strides = array<i32>} : memref<32x64xf32, #tpu.memory_space<vmem>>, vector<16xf32>,
    tpu.vector_store %arg14[%swap3A_476, %swap3A_477], %gather3A_474 {strides = array<i32>} : memref<32x64xf32, #tpu.memory_space<vmem>>, vector<16xf32>,
    %iota3A_479 = tpu.iota {dimensions = array<i32: 0>} : vector<16xi32>
    %add3A_480 = arith.constant 16 : i32
    %add3A_481 = vector.broadcast %add3A_480 : i32 to vector<16xi32>
    %add3A_482 = arith.addi %iota3A_479, %add3A_481 : vector<16xi32>
    %gather3A_483 = tpu.vector_load_idx %arg13[%add3A_482, %broadcast_in_dim3A_469] : memref<64x128xf32, #tpu.memory_space<vmem>>[vector<16xi32>, vector<16xi32>], vector<16xf32>,
    %swap3A_484 = arith.constant 7 : i32
    %swap3A_485 = arith.index_cast %swap3A_484 : i32 to index
    %swap3A_486 = arith.constant 16 : index
    %swap3A_487 = tpu.vector_load %arg14[%swap3A_485, %swap3A_486] {strides = array<i32>} : memref<32x64xf32, #tpu.memory_space<vmem>>, vector<16xf32>,
    tpu.vector_store %arg14[%swap3A_485, %swap3A_486], %gather3A_483 {strides = array<i32>} : memref<32x64xf32, #tpu.memory_space<vmem>>, vector<16xf32>,
    %iota3A_488 = tpu.iota {dimensions = array<i32: 0>} : vector<16xi32>
    %add3A_489 = arith.constant 32 : i32
    %add3A_490 = vector.broadcast %add3A_489 : i32 to vector<16xi32>
    %add3A_491 = arith.addi %iota3A_488, %add3A_490 : vector<16xi32>
    %gather3A_492 = tpu.vector_load_idx %arg13[%add3A_491, %broadcast_in_dim3A_469] : memref<64x128xf32, #tpu.memory_space<vmem>>[vector<16xi32>, vector<16xi32>], vector<16xf32>,
    %swap3A_493 = arith.constant 7 : i32
    %swap3A_494 = arith.index_cast %swap3A_493 : i32 to index
    %swap3A_495 = arith.constant 32 : index
    %swap3A_496 = tpu.vector_load %arg14[%swap3A_494, %swap3A_495] {strides = array<i32>} : memref<32x64xf32, #tpu.memory_space<vmem>>, vector<16xf32>,
    tpu.vector_store %arg14[%swap3A_494, %swap3A_495], %gather3A_492 {strides = array<i32>} : memref<32x64xf32, #tpu.memory_space<vmem>>, vector<16xf32>,
    %iota3A_497 = tpu.iota {dimensions = array<i32: 0>} : vector<16xi32>
    %add3A_498 = arith.constant 48 : i32
    %add3A_499 = vector.broadcast %add3A_498 : i32 to vector<16xi32>
    %add3A_500 = arith.addi %iota3A_497, %add3A_499 : vector<16xi32>
    %gather3A_501 = tpu.vector_load_idx %arg13[%add3A_500, %broadcast_in_dim3A_469] : memref<64x128xf32, #tpu.memory_space<vmem>>[vector<16xi32>, vector<16xi32>], vector<16xf32>,
    %swap3A_502 = arith.constant 7 : i32
    %swap3A_503 = arith.index_cast %swap3A_502 : i32 to index
    %swap3A_504 = arith.constant 48 : index
    %swap3A_505 = tpu.vector_load %arg14[%swap3A_503, %swap3A_504] {strides = array<i32>} : memref<32x64xf32, #tpu.memory_space<vmem>>, vector<16xf32>,
    tpu.vector_store %arg14[%swap3A_503, %swap3A_504], %gather3A_501 {strides = array<i32>} : memref<32x64xf32, #tpu.memory_space<vmem>>, vector<16xf32>,
    %slice3A_506 = vector.extract_strided_slice %get3A_3 {offsets = [15], sizes = [1], strides = [1]} : vector<16xi32> to vector<1xi32>
    %squeeze3A_507 = vector.extract %slice3A_506[0] : i32 from vector<1xi32>
    %shift_right_logical3A_508 = arith.constant 7 : i32
    %shift_right_logical3A_509 = arith.shrui %squeeze3A_507, %shift_right_logical3A_508 : i32
    %mul3A_510 = arith.constant 128 : i32
    %mul3A_511 = arith.muli %shift_right_logical3A_509, %mul3A_510 : i32
    %dma_start3A_512 = arith.constant 0 : i32
    %dma_start3A_513 = tpu.memref_slice %arg3[%dma_start3A_512, %mul3A_511] : memref<64x100000xf32, #tpu.memory_space<hbm>> -> memref<64x128xf32, #tpu.memory_space<hbm>>
    %dma_start3A_514 = arith.constant 0 : i32
    %dma_start3A_515 = tpu.memref_slice %arg3[%dma_start3A_514, %mul3A_511] : memref<64x100000xf32, #tpu.memory_space<hbm>> -> memref<64x128xf32, #tpu.memory_space<hbm>>
    tpu.enqueue_dma source(%dma_start3A_515 : memref<64x128xf32, #tpu.memory_space<hbm>>) target(%arg13 : memref<64x128xf32, #tpu.memory_space<vmem>>) target_semaphore(%arg22 : memref<!tpu.dma_semaphore, #tpu.memory_space<semaphore_mem>>)
    %dma_wait3A_516 = arith.constant 0 : i32
    %dma_wait3A_517 = tpu.memref_slice %arg3[%dma_wait3A_516, %mul3A_126] : memref<64x100000xf32, #tpu.memory_space<hbm>> -> memref<64x128xf32, #tpu.memory_space<hbm>>
    %dma_wait3A_518 = arith.constant 0 : i32
    %dma_wait3A_519 = tpu.memref_slice %arg3[%dma_wait3A_518, %mul3A_126] : memref<64x100000xf32, #tpu.memory_space<hbm>> -> memref<64x128xf32, #tpu.memory_space<hbm>>
    tpu.wait_dma2 semaphore(%arg15 : memref<!tpu.dma_semaphore, #tpu.memory_space<semaphore_mem>>) src(%dma_wait3A_519 : memref<64x128xf32, #tpu.memory_space<hbm>>) dst(%arg6 : memref<64x128xf32, #tpu.memory_space<vmem>>)
    %slice3A_520 = vector.extract_strided_slice %get3A_3 {offsets = [8], sizes = [1], strides = [1]} : vector<16xi32> to vector<1xi32>
    %squeeze3A_521 = vector.extract %slice3A_520[0] : i32 from vector<1xi32>
    %and3A_522 = arith.constant 127 : i32
    %and3A_523 = arith.andi %squeeze3A_521, %and3A_522 : i32
    %broadcast_in_dim3A_524 = vector.broadcast %and3A_523 : i32 to vector<16xi32>
    %iota3A_525 = tpu.iota {dimensions = array<i32: 0>} : vector<16xi32>
    %add3A_526 = arith.constant 0 : i32
    %add3A_527 = vector.broadcast %add3A_526 : i32 to vector<16xi32>
    %add3A_528 = arith.addi %iota3A_525, %add3A_527 : vector<16xi32>
    %gather3A_529 = tpu.vector_load_idx %arg6[%add3A_528, %broadcast_in_dim3A_524] : memref<64x128xf32, #tpu.memory_space<vmem>>[vector<16xi32>, vector<16xi32>], vector<16xf32>,
    %swap3A_530 = arith.constant 8 : i32
    %swap3A_531 = arith.index_cast %swap3A_530 : i32 to index
    %swap3A_532 = arith.constant 0 : index
    %swap3A_533 = tpu.vector_load %arg14[%swap3A_531, %swap3A_532] {strides = array<i32>} : memref<32x64xf32, #tpu.memory_space<vmem>>, vector<16xf32>,
    tpu.vector_store %arg14[%swap3A_531, %swap3A_532], %gather3A_529 {strides = array<i32>} : memref<32x64xf32, #tpu.memory_space<vmem>>, vector<16xf32>,
    %iota3A_534 = tpu.iota {dimensions = array<i32: 0>} : vector<16xi32>
    %add3A_535 = arith.constant 16 : i32
    %add3A_536 = vector.broadcast %add3A_535 : i32 to vector<16xi32>
    %add3A_537 = arith.addi %iota3A_534, %add3A_536 : vector<16xi32>
    %gather3A_538 = tpu.vector_load_idx %arg6[%add3A_537, %broadcast_in_dim3A_524] : memref<64x128xf32, #tpu.memory_space<vmem>>[vector<16xi32>, vector<16xi32>], vector<16xf32>,
    %swap3A_539 = arith.constant 8 : i32
    %swap3A_540 = arith.index_cast %swap3A_539 : i32 to index
    %swap3A_541 = arith.constant 16 : index
    %swap3A_542 = tpu.vector_load %arg14[%swap3A_540, %swap3A_541] {strides = array<i32>} : memref<32x64xf32, #tpu.memory_space<vmem>>, vector<16xf32>,
    tpu.vector_store %arg14[%swap3A_540, %swap3A_541], %gather3A_538 {strides = array<i32>} : memref<32x64xf32, #tpu.memory_space<vmem>>, vector<16xf32>,
    %iota3A_543 = tpu.iota {dimensions = array<i32: 0>} : vector<16xi32>
    %add3A_544 = arith.constant 32 : i32
    %add3A_545 = vector.broadcast %add3A_544 : i32 to vector<16xi32>
    %add3A_546 = arith.addi %iota3A_543, %add3A_545 : vector<16xi32>
    %gather3A_547 = tpu.vector_load_idx %arg6[%add3A_546, %broadcast_in_dim3A_524] : memref<64x128xf32, #tpu.memory_space<vmem>>[vector<16xi32>, vector<16xi32>], vector<16xf32>,
    %swap3A_548 = arith.constant 8 : i32
    %swap3A_549 = arith.index_cast %swap3A_548 : i32 to index
    %swap3A_550 = arith.constant 32 : index
    %swap3A_551 = tpu.vector_load %arg14[%swap3A_549, %swap3A_550] {strides = array<i32>} : memref<32x64xf32, #tpu.memory_space<vmem>>, vector<16xf32>,
    tpu.vector_store %arg14[%swap3A_549, %swap3A_550], %gather3A_547 {strides = array<i32>} : memref<32x64xf32, #tpu.memory_space<vmem>>, vector<16xf32>,
    %iota3A_552 = tpu.iota {dimensions = array<i32: 0>} : vector<16xi32>
    %add3A_553 = arith.constant 48 : i32
    %add3A_554 = vector.broadcast %add3A_553 : i32 to vector<16xi32>
    %add3A_555 = arith.addi %iota3A_552, %add3A_554 : vector<16xi32>
    %gather3A_556 = tpu.vector_load_idx %arg6[%add3A_555, %broadcast_in_dim3A_524] : memref<64x128xf32, #tpu.memory_space<vmem>>[vector<16xi32>, vector<16xi32>], vector<16xf32>,
    %swap3A_557 = arith.constant 8 : i32
    %swap3A_558 = arith.index_cast %swap3A_557 : i32 to index
    %swap3A_559 = arith.constant 48 : index
    %swap3A_560 = tpu.vector_load %arg14[%swap3A_558, %swap3A_559] {strides = array<i32>} : memref<32x64xf32, #tpu.memory_space<vmem>>, vector<16xf32>,
    tpu.vector_store %arg14[%swap3A_558, %swap3A_559], %gather3A_556 {strides = array<i32>} : memref<32x64xf32, #tpu.memory_space<vmem>>, vector<16xf32>,
    %slice3A_561 = vector.extract_strided_slice %get3A_5 {offsets = [0], sizes = [1], strides = [1]} : vector<16xi32> to vector<1xi32>
    %squeeze3A_562 = vector.extract %slice3A_561[0] : i32 from vector<1xi32>
    %shift_right_logical3A_563 = arith.constant 7 : i32
    %shift_right_logical3A_564 = arith.shrui %squeeze3A_562, %shift_right_logical3A_563 : i32
    %mul3A_565 = arith.constant 128 : i32
    %mul3A_566 = arith.muli %shift_right_logical3A_564, %mul3A_565 : i32
    %dma_start3A_567 = arith.constant 0 : i32
    %dma_start3A_568 = tpu.memref_slice %arg3[%dma_start3A_567, %mul3A_566] : memref<64x100000xf32, #tpu.memory_space<hbm>> -> memref<64x128xf32, #tpu.memory_space<hbm>>
    %dma_start3A_569 = arith.constant 0 : i32
    %dma_start3A_570 = tpu.memref_slice %arg3[%dma_start3A_569, %mul3A_566] : memref<64x100000xf32, #tpu.memory_space<hbm>> -> memref<64x128xf32, #tpu.memory_space<hbm>>
    tpu.enqueue_dma source(%dma_start3A_570 : memref<64x128xf32, #tpu.memory_space<hbm>>) target(%arg6 : memref<64x128xf32, #tpu.memory_space<vmem>>) target_semaphore(%arg15 : memref<!tpu.dma_semaphore, #tpu.memory_space<semaphore_mem>>)
    %dma_wait3A_571 = arith.constant 0 : i32
    %dma_wait3A_572 = tpu.memref_slice %arg3[%dma_wait3A_571, %mul3A_181] : memref<64x100000xf32, #tpu.memory_space<hbm>> -> memref<64x128xf32, #tpu.memory_space<hbm>>
    %dma_wait3A_573 = arith.constant 0 : i32
    %dma_wait3A_574 = tpu.memref_slice %arg3[%dma_wait3A_573, %mul3A_181] : memref<64x100000xf32, #tpu.memory_space<hbm>> -> memref<64x128xf32, #tpu.memory_space<hbm>>
    tpu.wait_dma2 semaphore(%arg16 : memref<!tpu.dma_semaphore, #tpu.memory_space<semaphore_mem>>) src(%dma_wait3A_574 : memref<64x128xf32, #tpu.memory_space<hbm>>) dst(%arg7 : memref<64x128xf32, #tpu.memory_space<vmem>>)
    %slice3A_575 = vector.extract_strided_slice %get3A_3 {offsets = [9], sizes = [1], strides = [1]} : vector<16xi32> to vector<1xi32>
    %squeeze3A_576 = vector.extract %slice3A_575[0] : i32 from vector<1xi32>
    %and3A_577 = arith.constant 127 : i32
    %and3A_578 = arith.andi %squeeze3A_576, %and3A_577 : i32
    %broadcast_in_dim3A_579 = vector.broadcast %and3A_578 : i32 to vector<16xi32>
    %iota3A_580 = tpu.iota {dimensions = array<i32: 0>} : vector<16xi32>
    %add3A_581 = arith.constant 0 : i32
    %add3A_582 = vector.broadcast %add3A_581 : i32 to vector<16xi32>
    %add3A_583 = arith.addi %iota3A_580, %add3A_582 : vector<16xi32>
    %gather3A_584 = tpu.vector_load_idx %arg7[%add3A_583, %broadcast_in_dim3A_579] : memref<64x128xf32, #tpu.memory_space<vmem>>[vector<16xi32>, vector<16xi32>], vector<16xf32>,
    %swap3A_585 = arith.constant 9 : i32
    %swap3A_586 = arith.index_cast %swap3A_585 : i32 to index
    %swap3A_587 = arith.constant 0 : index
    %swap3A_588 = tpu.vector_load %arg14[%swap3A_586, %swap3A_587] {strides = array<i32>} : memref<32x64xf32, #tpu.memory_space<vmem>>, vector<16xf32>,
    tpu.vector_store %arg14[%swap3A_586, %swap3A_587], %gather3A_584 {strides = array<i32>} : memref<32x64xf32, #tpu.memory_space<vmem>>, vector<16xf32>,
    %iota3A_589 = tpu.iota {dimensions = array<i32: 0>} : vector<16xi32>
    %add3A_590 = arith.constant 16 : i32
    %add3A_591 = vector.broadcast %add3A_590 : i32 to vector<16xi32>
    %add3A_592 = arith.addi %iota3A_589, %add3A_591 : vector<16xi32>
    %gather3A_593 = tpu.vector_load_idx %arg7[%add3A_592, %broadcast_in_dim3A_579] : memref<64x128xf32, #tpu.memory_space<vmem>>[vector<16xi32>, vector<16xi32>], vector<16xf32>,
    %swap3A_594 = arith.constant 9 : i32
    %swap3A_595 = arith.index_cast %swap3A_594 : i32 to index
    %swap3A_596 = arith.constant 16 : index
    %swap3A_597 = tpu.vector_load %arg14[%swap3A_595, %swap3A_596] {strides = array<i32>} : memref<32x64xf32, #tpu.memory_space<vmem>>, vector<16xf32>,
    tpu.vector_store %arg14[%swap3A_595, %swap3A_596], %gather3A_593 {strides = array<i32>} : memref<32x64xf32, #tpu.memory_space<vmem>>, vector<16xf32>,
    %iota3A_598 = tpu.iota {dimensions = array<i32: 0>} : vector<16xi32>
    %add3A_599 = arith.constant 32 : i32
    %add3A_600 = vector.broadcast %add3A_599 : i32 to vector<16xi32>
    %add3A_601 = arith.addi %iota3A_598, %add3A_600 : vector<16xi32>
    %gather3A_602 = tpu.vector_load_idx %arg7[%add3A_601, %broadcast_in_dim3A_579] : memref<64x128xf32, #tpu.memory_space<vmem>>[vector<16xi32>, vector<16xi32>], vector<16xf32>,
    %swap3A_603 = arith.constant 9 : i32
    %swap3A_604 = arith.index_cast %swap3A_603 : i32 to index
    %swap3A_605 = arith.constant 32 : index
    %swap3A_606 = tpu.vector_load %arg14[%swap3A_604, %swap3A_605] {strides = array<i32>} : memref<32x64xf32, #tpu.memory_space<vmem>>, vector<16xf32>,
    tpu.vector_store %arg14[%swap3A_604, %swap3A_605], %gather3A_602 {strides = array<i32>} : memref<32x64xf32, #tpu.memory_space<vmem>>, vector<16xf32>,
    %iota3A_607 = tpu.iota {dimensions = array<i32: 0>} : vector<16xi32>
    %add3A_608 = arith.constant 48 : i32
    %add3A_609 = vector.broadcast %add3A_608 : i32 to vector<16xi32>
    %add3A_610 = arith.addi %iota3A_607, %add3A_609 : vector<16xi32>
    %gather3A_611 = tpu.vector_load_idx %arg7[%add3A_610, %broadcast_in_dim3A_579] : memref<64x128xf32, #tpu.memory_space<vmem>>[vector<16xi32>, vector<16xi32>], vector<16xf32>,
    %swap3A_612 = arith.constant 9 : i32
    %swap3A_613 = arith.index_cast %swap3A_612 : i32 to index
    %swap3A_614 = arith.constant 48 : index
    %swap3A_615 = tpu.vector_load %arg14[%swap3A_613, %swap3A_614] {strides = array<i32>} : memref<32x64xf32, #tpu.memory_space<vmem>>, vector<16xf32>,
    tpu.vector_store %arg14[%swap3A_613, %swap3A_614], %gather3A_611 {strides = array<i32>} : memref<32x64xf32, #tpu.memory_space<vmem>>, vector<16xf32>,
    %slice3A_616 = vector.extract_strided_slice %get3A_5 {offsets = [1], sizes = [1], strides = [1]} : vector<16xi32> to vector<1xi32>
    %squeeze3A_617 = vector.extract %slice3A_616[0] : i32 from vector<1xi32>
    %shift_right_logical3A_618 = arith.constant 7 : i32
    %shift_right_logical3A_619 = arith.shrui %squeeze3A_617, %shift_right_logical3A_618 : i32
    %mul3A_620 = arith.constant 128 : i32
    %mul3A_621 = arith.muli %shift_right_logical3A_619, %mul3A_620 : i32
    %dma_start3A_622 = arith.constant 0 : i32
    %dma_start3A_623 = tpu.memref_slice %arg3[%dma_start3A_622, %mul3A_621] : memref<64x100000xf32, #tpu.memory_space<hbm>> -> memref<64x128xf32, #tpu.memory_space<hbm>>
    %dma_start3A_624 = arith.constant 0 : i32
    %dma_start3A_625 = tpu.memref_slice %arg3[%dma_start3A_624, %mul3A_621] : memref<64x100000xf32, #tpu.memory_space<hbm>> -> memref<64x128xf32, #tpu.memory_space<hbm>>
    tpu.enqueue_dma source(%dma_start3A_625 : memref<64x128xf32, #tpu.memory_space<hbm>>) target(%arg7 : memref<64x128xf32, #tpu.memory_space<vmem>>) target_semaphore(%arg16 : memref<!tpu.dma_semaphore, #tpu.memory_space<semaphore_mem>>)
    %dma_wait3A_626 = arith.constant 0 : i32
    %dma_wait3A_627 = tpu.memref_slice %arg3[%dma_wait3A_626, %mul3A_236] : memref<64x100000xf32, #tpu.memory_space<hbm>> -> memref<64x128xf32, #tpu.memory_space<hbm>>
    %dma_wait3A_628 = arith.constant 0 : i32
    %dma_wait3A_629 = tpu.memref_slice %arg3[%dma_wait3A_628, %mul3A_236] : memref<64x100000xf32, #tpu.memory_space<hbm>> -> memref<64x128xf32, #tpu.memory_space<hbm>>
    tpu.wait_dma2 semaphore(%arg17 : memref<!tpu.dma_semaphore, #tpu.memory_space<semaphore_mem>>) src(%dma_wait3A_629 : memref<64x128xf32, #tpu.memory_space<hbm>>) dst(%arg8 : memref<64x128xf32, #tpu.memory_space<vmem>>)
    %slice3A_630 = vector.extract_strided_slice %get3A_3 {offsets = [10], sizes = [1], strides = [1]} : vector<16xi32> to vector<1xi32>
    %squeeze3A_631 = vector.extract %slice3A_630[0] : i32 from vector<1xi32>
    %and3A_632 = arith.constant 127 : i32
    %and3A_633 = arith.andi %squeeze3A_631, %and3A_632 : i32
    %broadcast_in_dim3A_634 = vector.broadcast %and3A_633 : i32 to vector<16xi32>
    %iota3A_635 = tpu.iota {dimensions = array<i32: 0>} : vector<16xi32>
    %add3A_636 = arith.constant 0 : i32
    %add3A_637 = vector.broadcast %add3A_636 : i32 to vector<16xi32>
    %add3A_638 = arith.addi %iota3A_635, %add3A_637 : vector<16xi32>
    %gather3A_639 = tpu.vector_load_idx %arg8[%add3A_638, %broadcast_in_dim3A_634] : memref<64x128xf32, #tpu.memory_space<vmem>>[vector<16xi32>, vector<16xi32>], vector<16xf32>,
    %swap3A_640 = arith.constant 10 : i32
    %swap3A_641 = arith.index_cast %swap3A_640 : i32 to index
    %swap3A_642 = arith.constant 0 : index
    %swap3A_643 = tpu.vector_load %arg14[%swap3A_641, %swap3A_642] {strides = array<i32>} : memref<32x64xf32, #tpu.memory_space<vmem>>, vector<16xf32>,
    tpu.vector_store %arg14[%swap3A_641, %swap3A_642], %gather3A_639 {strides = array<i32>} : memref<32x64xf32, #tpu.memory_space<vmem>>, vector<16xf32>,
    %iota3A_644 = tpu.iota {dimensions = array<i32: 0>} : vector<16xi32>
    %add3A_645 = arith.constant 16 : i32
    %add3A_646 = vector.broadcast %add3A_645 : i32 to vector<16xi32>
    %add3A_647 = arith.addi %iota3A_644, %add3A_646 : vector<16xi32>
    %gather3A_648 = tpu.vector_load_idx %arg8[%add3A_647, %broadcast_in_dim3A_634] : memref<64x128xf32, #tpu.memory_space<vmem>>[vector<16xi32>, vector<16xi32>], vector<16xf32>,
    %swap3A_649 = arith.constant 10 : i32
    %swap3A_650 = arith.index_cast %swap3A_649 : i32 to index
    %swap3A_651 = arith.constant 16 : index
    %swap3A_652 = tpu.vector_load %arg14[%swap3A_650, %swap3A_651] {strides = array<i32>} : memref<32x64xf32, #tpu.memory_space<vmem>>, vector<16xf32>,
    tpu.vector_store %arg14[%swap3A_650, %swap3A_651], %gather3A_648 {strides = array<i32>} : memref<32x64xf32, #tpu.memory_space<vmem>>, vector<16xf32>,
    %iota3A_653 = tpu.iota {dimensions = array<i32: 0>} : vector<16xi32>
    %add3A_654 = arith.constant 32 : i32
    %add3A_655 = vector.broadcast %add3A_654 : i32 to vector<16xi32>
    %add3A_656 = arith.addi %iota3A_653, %add3A_655 : vector<16xi32>
    %gather3A_657 = tpu.vector_load_idx %arg8[%add3A_656, %broadcast_in_dim3A_634] : memref<64x128xf32, #tpu.memory_space<vmem>>[vector<16xi32>, vector<16xi32>], vector<16xf32>,
    %swap3A_658 = arith.constant 10 : i32
    %swap3A_659 = arith.index_cast %swap3A_658 : i32 to index
    %swap3A_660 = arith.constant 32 : index
    %swap3A_661 = tpu.vector_load %arg14[%swap3A_659, %swap3A_660] {strides = array<i32>} : memref<32x64xf32, #tpu.memory_space<vmem>>, vector<16xf32>,
    tpu.vector_store %arg14[%swap3A_659, %swap3A_660], %gather3A_657 {strides = array<i32>} : memref<32x64xf32, #tpu.memory_space<vmem>>, vector<16xf32>,
    %iota3A_662 = tpu.iota {dimensions = array<i32: 0>} : vector<16xi32>
    %add3A_663 = arith.constant 48 : i32
    %add3A_664 = vector.broadcast %add3A_663 : i32 to vector<16xi32>
    %add3A_665 = arith.addi %iota3A_662, %add3A_664 : vector<16xi32>
    %gather3A_666 = tpu.vector_load_idx %arg8[%add3A_665, %broadcast_in_dim3A_634] : memref<64x128xf32, #tpu.memory_space<vmem>>[vector<16xi32>, vector<16xi32>], vector<16xf32>,
    %swap3A_667 = arith.constant 10 : i32
    %swap3A_668 = arith.index_cast %swap3A_667 : i32 to index
    %swap3A_669 = arith.constant 48 : index
    %swap3A_670 = tpu.vector_load %arg14[%swap3A_668, %swap3A_669] {strides = array<i32>} : memref<32x64xf32, #tpu.memory_space<vmem>>, vector<16xf32>,
    tpu.vector_store %arg14[%swap3A_668, %swap3A_669], %gather3A_666 {strides = array<i32>} : memref<32x64xf32, #tpu.memory_space<vmem>>, vector<16xf32>,
    %slice3A_671 = vector.extract_strided_slice %get3A_5 {offsets = [2], sizes = [1], strides = [1]} : vector<16xi32> to vector<1xi32>
    %squeeze3A_672 = vector.extract %slice3A_671[0] : i32 from vector<1xi32>
    %shift_right_logical3A_673 = arith.constant 7 : i32
    %shift_right_logical3A_674 = arith.shrui %squeeze3A_672, %shift_right_logical3A_673 : i32
    %mul3A_675 = arith.constant 128 : i32
    %mul3A_676 = arith.muli %shift_right_logical3A_674, %mul3A_675 : i32
    %dma_start3A_677 = arith.constant 0 : i32
    %dma_start3A_678 = tpu.memref_slice %arg3[%dma_start3A_677, %mul3A_676] : memref<64x100000xf32, #tpu.memory_space<hbm>> -> memref<64x128xf32, #tpu.memory_space<hbm>>
    %dma_start3A_679 = arith.constant 0 : i32
    %dma_start3A_680 = tpu.memref_slice %arg3[%dma_start3A_679, %mul3A_676] : memref<64x100000xf32, #tpu.memory_space<hbm>> -> memref<64x128xf32, #tpu.memory_space<hbm>>
    tpu.enqueue_dma source(%dma_start3A_680 : memref<64x128xf32, #tpu.memory_space<hbm>>) target(%arg8 : memref<64x128xf32, #tpu.memory_space<vmem>>) target_semaphore(%arg17 : memref<!tpu.dma_semaphore, #tpu.memory_space<semaphore_mem>>)
    %dma_wait3A_681 = arith.constant 0 : i32
    %dma_wait3A_682 = tpu.memref_slice %arg3[%dma_wait3A_681, %mul3A_291] : memref<64x100000xf32, #tpu.memory_space<hbm>> -> memref<64x128xf32, #tpu.memory_space<hbm>>
    %dma_wait3A_683 = arith.constant 0 : i32
    %dma_wait3A_684 = tpu.memref_slice %arg3[%dma_wait3A_683, %mul3A_291] : memref<64x100000xf32, #tpu.memory_space<hbm>> -> memref<64x128xf32, #tpu.memory_space<hbm>>
    tpu.wait_dma2 semaphore(%arg18 : memref<!tpu.dma_semaphore, #tpu.memory_space<semaphore_mem>>) src(%dma_wait3A_684 : memref<64x128xf32, #tpu.memory_space<hbm>>) dst(%arg9 : memref<64x128xf32, #tpu.memory_space<vmem>>)
    %slice3A_685 = vector.extract_strided_slice %get3A_3 {offsets = [11], sizes = [1], strides = [1]} : vector<16xi32> to vector<1xi32>
    %squeeze3A_686 = vector.extract %slice3A_685[0] : i32 from vector<1xi32>
    %and3A_687 = arith.constant 127 : i32
    %and3A_688 = arith.andi %squeeze3A_686, %and3A_687 : i32
    %broadcast_in_dim3A_689 = vector.broadcast %and3A_688 : i32 to vector<16xi32>
    %iota3A_690 = tpu.iota {dimensions = array<i32: 0>} : vector<16xi32>
    %add3A_691 = arith.constant 0 : i32
    %add3A_692 = vector.broadcast %add3A_691 : i32 to vector<16xi32>
    %add3A_693 = arith.addi %iota3A_690, %add3A_692 : vector<16xi32>
    %gather3A_694 = tpu.vector_load_idx %arg9[%add3A_693, %broadcast_in_dim3A_689] : memref<64x128xf32, #tpu.memory_space<vmem>>[vector<16xi32>, vector<16xi32>], vector<16xf32>,
    %swap3A_695 = arith.constant 11 : i32
    %swap3A_696 = arith.index_cast %swap3A_695 : i32 to index
    %swap3A_697 = arith.constant 0 : index
    %swap3A_698 = tpu.vector_load %arg14[%swap3A_696, %swap3A_697] {strides = array<i32>} : memref<32x64xf32, #tpu.memory_space<vmem>>, vector<16xf32>,
    tpu.vector_store %arg14[%swap3A_696, %swap3A_697], %gather3A_694 {strides = array<i32>} : memref<32x64xf32, #tpu.memory_space<vmem>>, vector<16xf32>,
    %iota3A_699 = tpu.iota {dimensions = array<i32: 0>} : vector<16xi32>
    %add3A_700 = arith.constant 16 : i32
    %add3A_701 = vector.broadcast %add3A_700 : i32 to vector<16xi32>
    %add3A_702 = arith.addi %iota3A_699, %add3A_701 : vector<16xi32>
    %gather3A_703 = tpu.vector_load_idx %arg9[%add3A_702, %broadcast_in_dim3A_689] : memref<64x128xf32, #tpu.memory_space<vmem>>[vector<16xi32>, vector<16xi32>], vector<16xf32>,
    %swap3A_704 = arith.constant 11 : i32
    %swap3A_705 = arith.index_cast %swap3A_704 : i32 to index
    %swap3A_706 = arith.constant 16 : index
    %swap3A_707 = tpu.vector_load %arg14[%swap3A_705, %swap3A_706] {strides = array<i32>} : memref<32x64xf32, #tpu.memory_space<vmem>>, vector<16xf32>,
    tpu.vector_store %arg14[%swap3A_705, %swap3A_706], %gather3A_703 {strides = array<i32>} : memref<32x64xf32, #tpu.memory_space<vmem>>, vector<16xf32>,
    %iota3A_708 = tpu.iota {dimensions = array<i32: 0>} : vector<16xi32>
    %add3A_709 = arith.constant 32 : i32
    %add3A_710 = vector.broadcast %add3A_709 : i32 to vector<16xi32>
    %add3A_711 = arith.addi %iota3A_708, %add3A_710 : vector<16xi32>
    %gather3A_712 = tpu.vector_load_idx %arg9[%add3A_711, %broadcast_in_dim3A_689] : memref<64x128xf32, #tpu.memory_space<vmem>>[vector<16xi32>, vector<16xi32>], vector<16xf32>,
    %swap3A_713 = arith.constant 11 : i32
    %swap3A_714 = arith.index_cast %swap3A_713 : i32 to index
    %swap3A_715 = arith.constant 32 : index
    %swap3A_716 = tpu.vector_load %arg14[%swap3A_714, %swap3A_715] {strides = array<i32>} : memref<32x64xf32, #tpu.memory_space<vmem>>, vector<16xf32>,
    tpu.vector_store %arg14[%swap3A_714, %swap3A_715], %gather3A_712 {strides = array<i32>} : memref<32x64xf32, #tpu.memory_space<vmem>>, vector<16xf32>,
    %iota3A_717 = tpu.iota {dimensions = array<i32: 0>} : vector<16xi32>
    %add3A_718 = arith.constant 48 : i32
    %add3A_719 = vector.broadcast %add3A_718 : i32 to vector<16xi32>
    %add3A_720 = arith.addi %iota3A_717, %add3A_719 : vector<16xi32>
    %gather3A_721 = tpu.vector_load_idx %arg9[%add3A_720, %broadcast_in_dim3A_689] : memref<64x128xf32, #tpu.memory_space<vmem>>[vector<16xi32>, vector<16xi32>], vector<16xf32>,
    %swap3A_722 = arith.constant 11 : i32
    %swap3A_723 = arith.index_cast %swap3A_722 : i32 to index
    %swap3A_724 = arith.constant 48 : index
    %swap3A_725 = tpu.vector_load %arg14[%swap3A_723, %swap3A_724] {strides = array<i32>} : memref<32x64xf32, #tpu.memory_space<vmem>>, vector<16xf32>,
    tpu.vector_store %arg14[%swap3A_723, %swap3A_724], %gather3A_721 {strides = array<i32>} : memref<32x64xf32, #tpu.memory_space<vmem>>, vector<16xf32>,
    %slice3A_726 = vector.extract_strided_slice %get3A_5 {offsets = [3], sizes = [1], strides = [1]} : vector<16xi32> to vector<1xi32>
    %squeeze3A_727 = vector.extract %slice3A_726[0] : i32 from vector<1xi32>
    %shift_right_logical3A_728 = arith.constant 7 : i32
    %shift_right_logical3A_729 = arith.shrui %squeeze3A_727, %shift_right_logical3A_728 : i32
    %mul3A_730 = arith.constant 128 : i32
    %mul3A_731 = arith.muli %shift_right_logical3A_729, %mul3A_730 : i32
    %dma_start3A_732 = arith.constant 0 : i32
    %dma_start3A_733 = tpu.memref_slice %arg3[%dma_start3A_732, %mul3A_731] : memref<64x100000xf32, #tpu.memory_space<hbm>> -> memref<64x128xf32, #tpu.memory_space<hbm>>
    %dma_start3A_734 = arith.constant 0 : i32
    %dma_start3A_735 = tpu.memref_slice %arg3[%dma_start3A_734, %mul3A_731] : memref<64x100000xf32, #tpu.memory_space<hbm>> -> memref<64x128xf32, #tpu.memory_space<hbm>>
    tpu.enqueue_dma source(%dma_start3A_735 : memref<64x128xf32, #tpu.memory_space<hbm>>) target(%arg9 : memref<64x128xf32, #tpu.memory_space<vmem>>) target_semaphore(%arg18 : memref<!tpu.dma_semaphore, #tpu.memory_space<semaphore_mem>>)
    %dma_wait3A_736 = arith.constant 0 : i32
    %dma_wait3A_737 = tpu.memref_slice %arg3[%dma_wait3A_736, %mul3A_346] : memref<64x100000xf32, #tpu.memory_space<hbm>> -> memref<64x128xf32, #tpu.memory_space<hbm>>
    %dma_wait3A_738 = arith.constant 0 : i32
    %dma_wait3A_739 = tpu.memref_slice %arg3[%dma_wait3A_738, %mul3A_346] : memref<64x100000xf32, #tpu.memory_space<hbm>> -> memref<64x128xf32, #tpu.memory_space<hbm>>
    tpu.wait_dma2 semaphore(%arg19 : memref<!tpu.dma_semaphore, #tpu.memory_space<semaphore_mem>>) src(%dma_wait3A_739 : memref<64x128xf32, #tpu.memory_space<hbm>>) dst(%arg10 : memref<64x128xf32, #tpu.memory_space<vmem>>)
    %slice3A_740 = vector.extract_strided_slice %get3A_3 {offsets = [12], sizes = [1], strides = [1]} : vector<16xi32> to vector<1xi32>
    %squeeze3A_741 = vector.extract %slice3A_740[0] : i32 from vector<1xi32>
    %and3A_742 = arith.constant 127 : i32
    %and3A_743 = arith.andi %squeeze3A_741, %and3A_742 : i32
    %broadcast_in_dim3A_744 = vector.broadcast %and3A_743 : i32 to vector<16xi32>
    %iota3A_745 = tpu.iota {dimensions = array<i32: 0>} : vector<16xi32>
    %add3A_746 = arith.constant 0 : i32
    %add3A_747 = vector.broadcast %add3A_746 : i32 to vector<16xi32>
    %add3A_748 = arith.addi %iota3A_745, %add3A_747 : vector<16xi32>
    %gather3A_749 = tpu.vector_load_idx %arg10[%add3A_748, %broadcast_in_dim3A_744] : memref<64x128xf32, #tpu.memory_space<vmem>>[vector<16xi32>, vector<16xi32>], vector<16xf32>,
    %swap3A_750 = arith.constant 12 : i32
    %swap3A_751 = arith.index_cast %swap3A_750 : i32 to index
    %swap3A_752 = arith.constant 0 : index
    %swap3A_753 = tpu.vector_load %arg14[%swap3A_751, %swap3A_752] {strides = array<i32>} : memref<32x64xf32, #tpu.memory_space<vmem>>, vector<16xf32>,
    tpu.vector_store %arg14[%swap3A_751, %swap3A_752], %gather3A_749 {strides = array<i32>} : memref<32x64xf32, #tpu.memory_space<vmem>>, vector<16xf32>,
    %iota3A_754 = tpu.iota {dimensions = array<i32: 0>} : vector<16xi32>
    %add3A_755 = arith.constant 16 : i32
    %add3A_756 = vector.broadcast %add3A_755 : i32 to vector<16xi32>
    %add3A_757 = arith.addi %iota3A_754, %add3A_756 : vector<16xi32>
    %gather3A_758 = tpu.vector_load_idx %arg10[%add3A_757, %broadcast_in_dim3A_744] : memref<64x128xf32, #tpu.memory_space<vmem>>[vector<16xi32>, vector<16xi32>], vector<16xf32>,
    %swap3A_759 = arith.constant 12 : i32
    %swap3A_760 = arith.index_cast %swap3A_759 : i32 to index
    %swap3A_761 = arith.constant 16 : index
    %swap3A_762 = tpu.vector_load %arg14[%swap3A_760, %swap3A_761] {strides = array<i32>} : memref<32x64xf32, #tpu.memory_space<vmem>>, vector<16xf32>,
    tpu.vector_store %arg14[%swap3A_760, %swap3A_761], %gather3A_758 {strides = array<i32>} : memref<32x64xf32, #tpu.memory_space<vmem>>, vector<16xf32>,
    %iota3A_763 = tpu.iota {dimensions = array<i32: 0>} : vector<16xi32>
    %add3A_764 = arith.constant 32 : i32
    %add3A_765 = vector.broadcast %add3A_764 : i32 to vector<16xi32>
    %add3A_766 = arith.addi %iota3A_763, %add3A_765 : vector<16xi32>
    %gather3A_767 = tpu.vector_load_idx %arg10[%add3A_766, %broadcast_in_dim3A_744] : memref<64x128xf32, #tpu.memory_space<vmem>>[vector<16xi32>, vector<16xi32>], vector<16xf32>,
    %swap3A_768 = arith.constant 12 : i32
    %swap3A_769 = arith.index_cast %swap3A_768 : i32 to index
    %swap3A_770 = arith.constant 32 : index
    %swap3A_771 = tpu.vector_load %arg14[%swap3A_769, %swap3A_770] {strides = array<i32>} : memref<32x64xf32, #tpu.memory_space<vmem>>, vector<16xf32>,
    tpu.vector_store %arg14[%swap3A_769, %swap3A_770], %gather3A_767 {strides = array<i32>} : memref<32x64xf32, #tpu.memory_space<vmem>>, vector<16xf32>,
    %iota3A_772 = tpu.iota {dimensions = array<i32: 0>} : vector<16xi32>
    %add3A_773 = arith.constant 48 : i32
    %add3A_774 = vector.broadcast %add3A_773 : i32 to vector<16xi32>
    %add3A_775 = arith.addi %iota3A_772, %add3A_774 : vector<16xi32>
    %gather3A_776 = tpu.vector_load_idx %arg10[%add3A_775, %broadcast_in_dim3A_744] : memref<64x128xf32, #tpu.memory_space<vmem>>[vector<16xi32>, vector<16xi32>], vector<16xf32>,
    %swap3A_777 = arith.constant 12 : i32
    %swap3A_778 = arith.index_cast %swap3A_777 : i32 to index
    %swap3A_779 = arith.constant 48 : index
    %swap3A_780 = tpu.vector_load %arg14[%swap3A_778, %swap3A_779] {strides = array<i32>} : memref<32x64xf32, #tpu.memory_space<vmem>>, vector<16xf32>,
    tpu.vector_store %arg14[%swap3A_778, %swap3A_779], %gather3A_776 {strides = array<i32>} : memref<32x64xf32, #tpu.memory_space<vmem>>, vector<16xf32>,
    %slice3A_781 = vector.extract_strided_slice %get3A_5 {offsets = [4], sizes = [1], strides = [1]} : vector<16xi32> to vector<1xi32>
    %squeeze3A_782 = vector.extract %slice3A_781[0] : i32 from vector<1xi32>
    %shift_right_logical3A_783 = arith.constant 7 : i32
    %shift_right_logical3A_784 = arith.shrui %squeeze3A_782, %shift_right_logical3A_783 : i32
    %mul3A_785 = arith.constant 128 : i32
    %mul3A_786 = arith.muli %shift_right_logical3A_784, %mul3A_785 : i32
    %dma_start3A_787 = arith.constant 0 : i32
    %dma_start3A_788 = tpu.memref_slice %arg3[%dma_start3A_787, %mul3A_786] : memref<64x100000xf32, #tpu.memory_space<hbm>> -> memref<64x128xf32, #tpu.memory_space<hbm>>
    %dma_start3A_789 = arith.constant 0 : i32
    %dma_start3A_790 = tpu.memref_slice %arg3[%dma_start3A_789, %mul3A_786] : memref<64x100000xf32, #tpu.memory_space<hbm>> -> memref<64x128xf32, #tpu.memory_space<hbm>>
    tpu.enqueue_dma source(%dma_start3A_790 : memref<64x128xf32, #tpu.memory_space<hbm>>) target(%arg10 : memref<64x128xf32, #tpu.memory_space<vmem>>) target_semaphore(%arg19 : memref<!tpu.dma_semaphore, #tpu.memory_space<semaphore_mem>>)
    %dma_wait3A_791 = arith.constant 0 : i32
    %dma_wait3A_792 = tpu.memref_slice %arg3[%dma_wait3A_791, %mul3A_401] : memref<64x100000xf32, #tpu.memory_space<hbm>> -> memref<64x128xf32, #tpu.memory_space<hbm>>
    %dma_wait3A_793 = arith.constant 0 : i32
    %dma_wait3A_794 = tpu.memref_slice %arg3[%dma_wait3A_793, %mul3A_401] : memref<64x100000xf32, #tpu.memory_space<hbm>> -> memref<64x128xf32, #tpu.memory_space<hbm>>
    tpu.wait_dma2 semaphore(%arg20 : memref<!tpu.dma_semaphore, #tpu.memory_space<semaphore_mem>>) src(%dma_wait3A_794 : memref<64x128xf32, #tpu.memory_space<hbm>>) dst(%arg11 : memref<64x128xf32, #tpu.memory_space<vmem>>)
    %slice3A_795 = vector.extract_strided_slice %get3A_3 {offsets = [13], sizes = [1], strides = [1]} : vector<16xi32> to vector<1xi32>
    %squeeze3A_796 = vector.extract %slice3A_795[0] : i32 from vector<1xi32>
    %and3A_797 = arith.constant 127 : i32
    %and3A_798 = arith.andi %squeeze3A_796, %and3A_797 : i32
    %broadcast_in_dim3A_799 = vector.broadcast %and3A_798 : i32 to vector<16xi32>
    %iota3A_800 = tpu.iota {dimensions = array<i32: 0>} : vector<16xi32>
    %add3A_801 = arith.constant 0 : i32
    %add3A_802 = vector.broadcast %add3A_801 : i32 to vector<16xi32>
    %add3A_803 = arith.addi %iota3A_800, %add3A_802 : vector<16xi32>
    %gather3A_804 = tpu.vector_load_idx %arg11[%add3A_803, %broadcast_in_dim3A_799] : memref<64x128xf32, #tpu.memory_space<vmem>>[vector<16xi32>, vector<16xi32>], vector<16xf32>,
    %swap3A_805 = arith.constant 13 : i32
    %swap3A_806 = arith.index_cast %swap3A_805 : i32 to index
    %swap3A_807 = arith.constant 0 : index
    %swap3A_808 = tpu.vector_load %arg14[%swap3A_806, %swap3A_807] {strides = array<i32>} : memref<32x64xf32, #tpu.memory_space<vmem>>, vector<16xf32>,
    tpu.vector_store %arg14[%swap3A_806, %swap3A_807], %gather3A_804 {strides = array<i32>} : memref<32x64xf32, #tpu.memory_space<vmem>>, vector<16xf32>,
    %iota3A_809 = tpu.iota {dimensions = array<i32: 0>} : vector<16xi32>
    %add3A_810 = arith.constant 16 : i32
    %add3A_811 = vector.broadcast %add3A_810 : i32 to vector<16xi32>
    %add3A_812 = arith.addi %iota3A_809, %add3A_811 : vector<16xi32>
    %gather3A_813 = tpu.vector_load_idx %arg11[%add3A_812, %broadcast_in_dim3A_799] : memref<64x128xf32, #tpu.memory_space<vmem>>[vector<16xi32>, vector<16xi32>], vector<16xf32>,
    %swap3A_814 = arith.constant 13 : i32
    %swap3A_815 = arith.index_cast %swap3A_814 : i32 to index
    %swap3A_816 = arith.constant 16 : index
    %swap3A_817 = tpu.vector_load %arg14[%swap3A_815, %swap3A_816] {strides = array<i32>} : memref<32x64xf32, #tpu.memory_space<vmem>>, vector<16xf32>,
    tpu.vector_store %arg14[%swap3A_815, %swap3A_816], %gather3A_813 {strides = array<i32>} : memref<32x64xf32, #tpu.memory_space<vmem>>, vector<16xf32>,
    %iota3A_818 = tpu.iota {dimensions = array<i32: 0>} : vector<16xi32>
    %add3A_819 = arith.constant 32 : i32
    %add3A_820 = vector.broadcast %add3A_819 : i32 to vector<16xi32>
    %add3A_821 = arith.addi %iota3A_818, %add3A_820 : vector<16xi32>
    %gather3A_822 = tpu.vector_load_idx %arg11[%add3A_821, %broadcast_in_dim3A_799] : memref<64x128xf32, #tpu.memory_space<vmem>>[vector<16xi32>, vector<16xi32>], vector<16xf32>,
    %swap3A_823 = arith.constant 13 : i32
    %swap3A_824 = arith.index_cast %swap3A_823 : i32 to index
    %swap3A_825 = arith.constant 32 : index
    %swap3A_826 = tpu.vector_load %arg14[%swap3A_824, %swap3A_825] {strides = array<i32>} : memref<32x64xf32, #tpu.memory_space<vmem>>, vector<16xf32>,
    tpu.vector_store %arg14[%swap3A_824, %swap3A_825], %gather3A_822 {strides = array<i32>} : memref<32x64xf32, #tpu.memory_space<vmem>>, vector<16xf32>,
    %iota3A_827 = tpu.iota {dimensions = array<i32: 0>} : vector<16xi32>
    %add3A_828 = arith.constant 48 : i32
    %add3A_829 = vector.broadcast %add3A_828 : i32 to vector<16xi32>
    %add3A_830 = arith.addi %iota3A_827, %add3A_829 : vector<16xi32>
    %gather3A_831 = tpu.vector_load_idx %arg11[%add3A_830, %broadcast_in_dim3A_799] : memref<64x128xf32, #tpu.memory_space<vmem>>[vector<16xi32>, vector<16xi32>], vector<16xf32>,
    %swap3A_832 = arith.constant 13 : i32
    %swap3A_833 = arith.index_cast %swap3A_832 : i32 to index
    %swap3A_834 = arith.constant 48 : index
    %swap3A_835 = tpu.vector_load %arg14[%swap3A_833, %swap3A_834] {strides = array<i32>} : memref<32x64xf32, #tpu.memory_space<vmem>>, vector<16xf32>,
    tpu.vector_store %arg14[%swap3A_833, %swap3A_834], %gather3A_831 {strides = array<i32>} : memref<32x64xf32, #tpu.memory_space<vmem>>, vector<16xf32>,
    %slice3A_836 = vector.extract_strided_slice %get3A_5 {offsets = [5], sizes = [1], strides = [1]} : vector<16xi32> to vector<1xi32>
    %squeeze3A_837 = vector.extract %slice3A_836[0] : i32 from vector<1xi32>
    %shift_right_logical3A_838 = arith.constant 7 : i32
    %shift_right_logical3A_839 = arith.shrui %squeeze3A_837, %shift_right_logical3A_838 : i32
    %mul3A_840 = arith.constant 128 : i32
    %mul3A_841 = arith.muli %shift_right_logical3A_839, %mul3A_840 : i32
    %dma_start3A_842 = arith.constant 0 : i32
    %dma_start3A_843 = tpu.memref_slice %arg3[%dma_start3A_842, %mul3A_841] : memref<64x100000xf32, #tpu.memory_space<hbm>> -> memref<64x128xf32, #tpu.memory_space<hbm>>
    %dma_start3A_844 = arith.constant 0 : i32
    %dma_start3A_845 = tpu.memref_slice %arg3[%dma_start3A_844, %mul3A_841] : memref<64x100000xf32, #tpu.memory_space<hbm>> -> memref<64x128xf32, #tpu.memory_space<hbm>>
    tpu.enqueue_dma source(%dma_start3A_845 : memref<64x128xf32, #tpu.memory_space<hbm>>) target(%arg11 : memref<64x128xf32, #tpu.memory_space<vmem>>) target_semaphore(%arg20 : memref<!tpu.dma_semaphore, #tpu.memory_space<semaphore_mem>>)
    %dma_wait3A_846 = arith.constant 0 : i32
    %dma_wait3A_847 = tpu.memref_slice %arg3[%dma_wait3A_846, %mul3A_456] : memref<64x100000xf32, #tpu.memory_space<hbm>> -> memref<64x128xf32, #tpu.memory_space<hbm>>
    %dma_wait3A_848 = arith.constant 0 : i32
    %dma_wait3A_849 = tpu.memref_slice %arg3[%dma_wait3A_848, %mul3A_456] : memref<64x100000xf32, #tpu.memory_space<hbm>> -> memref<64x128xf32, #tpu.memory_space<hbm>>
    tpu.wait_dma2 semaphore(%arg21 : memref<!tpu.dma_semaphore, #tpu.memory_space<semaphore_mem>>) src(%dma_wait3A_849 : memref<64x128xf32, #tpu.memory_space<hbm>>) dst(%arg12 : memref<64x128xf32, #tpu.memory_space<vmem>>)
    %slice3A_850 = vector.extract_strided_slice %get3A_3 {offsets = [14], sizes = [1], strides = [1]} : vector<16xi32> to vector<1xi32>
    %squeeze3A_851 = vector.extract %slice3A_850[0] : i32 from vector<1xi32>
    %and3A_852 = arith.constant 127 : i32
    %and3A_853 = arith.andi %squeeze3A_851, %and3A_852 : i32
    %broadcast_in_dim3A_854 = vector.broadcast %and3A_853 : i32 to vector<16xi32>
    %iota3A_855 = tpu.iota {dimensions = array<i32: 0>} : vector<16xi32>
    %add3A_856 = arith.constant 0 : i32
    %add3A_857 = vector.broadcast %add3A_856 : i32 to vector<16xi32>
    %add3A_858 = arith.addi %iota3A_855, %add3A_857 : vector<16xi32>
    %gather3A_859 = tpu.vector_load_idx %arg12[%add3A_858, %broadcast_in_dim3A_854] : memref<64x128xf32, #tpu.memory_space<vmem>>[vector<16xi32>, vector<16xi32>], vector<16xf32>,
    %swap3A_860 = arith.constant 14 : i32
    %swap3A_861 = arith.index_cast %swap3A_860 : i32 to index
    %swap3A_862 = arith.constant 0 : index
    %swap3A_863 = tpu.vector_load %arg14[%swap3A_861, %swap3A_862] {strides = array<i32>} : memref<32x64xf32, #tpu.memory_space<vmem>>, vector<16xf32>,
    tpu.vector_store %arg14[%swap3A_861, %swap3A_862], %gather3A_859 {strides = array<i32>} : memref<32x64xf32, #tpu.memory_space<vmem>>, vector<16xf32>,
    %iota3A_864 = tpu.iota {dimensions = array<i32: 0>} : vector<16xi32>
    %add3A_865 = arith.constant 16 : i32
    %add3A_866 = vector.broadcast %add3A_865 : i32 to vector<16xi32>
    %add3A_867 = arith.addi %iota3A_864, %add3A_866 : vector<16xi32>
    %gather3A_868 = tpu.vector_load_idx %arg12[%add3A_867, %broadcast_in_dim3A_854] : memref<64x128xf32, #tpu.memory_space<vmem>>[vector<16xi32>, vector<16xi32>], vector<16xf32>,
    %swap3A_869 = arith.constant 14 : i32
    %swap3A_870 = arith.index_cast %swap3A_869 : i32 to index
    %swap3A_871 = arith.constant 16 : index
    %swap3A_872 = tpu.vector_load %arg14[%swap3A_870, %swap3A_871] {strides = array<i32>} : memref<32x64xf32, #tpu.memory_space<vmem>>, vector<16xf32>,
    tpu.vector_store %arg14[%swap3A_870, %swap3A_871], %gather3A_868 {strides = array<i32>} : memref<32x64xf32, #tpu.memory_space<vmem>>, vector<16xf32>,
    %iota3A_873 = tpu.iota {dimensions = array<i32: 0>} : vector<16xi32>
    %add3A_874 = arith.constant 32 : i32
    %add3A_875 = vector.broadcast %add3A_874 : i32 to vector<16xi32>
    %add3A_876 = arith.addi %iota3A_873, %add3A_875 : vector<16xi32>
    %gather3A_877 = tpu.vector_load_idx %arg12[%add3A_876, %broadcast_in_dim3A_854] : memref<64x128xf32, #tpu.memory_space<vmem>>[vector<16xi32>, vector<16xi32>], vector<16xf32>,
    %swap3A_878 = arith.constant 14 : i32
    %swap3A_879 = arith.index_cast %swap3A_878 : i32 to index
    %swap3A_880 = arith.constant 32 : index
    %swap3A_881 = tpu.vector_load %arg14[%swap3A_879, %swap3A_880] {strides = array<i32>} : memref<32x64xf32, #tpu.memory_space<vmem>>, vector<16xf32>,
    tpu.vector_store %arg14[%swap3A_879, %swap3A_880], %gather3A_877 {strides = array<i32>} : memref<32x64xf32, #tpu.memory_space<vmem>>, vector<16xf32>,
    %iota3A_882 = tpu.iota {dimensions = array<i32: 0>} : vector<16xi32>
    %add3A_883 = arith.constant 48 : i32
    %add3A_884 = vector.broadcast %add3A_883 : i32 to vector<16xi32>
    %add3A_885 = arith.addi %iota3A_882, %add3A_884 : vector<16xi32>
    %gather3A_886 = tpu.vector_load_idx %arg12[%add3A_885, %broadcast_in_dim3A_854] : memref<64x128xf32, #tpu.memory_space<vmem>>[vector<16xi32>, vector<16xi32>], vector<16xf32>,
    %swap3A_887 = arith.constant 14 : i32
    %swap3A_888 = arith.index_cast %swap3A_887 : i32 to index
    %swap3A_889 = arith.constant 48 : index
    %swap3A_890 = tpu.vector_load %arg14[%swap3A_888, %swap3A_889] {strides = array<i32>} : memref<32x64xf32, #tpu.memory_space<vmem>>, vector<16xf32>,
    tpu.vector_store %arg14[%swap3A_888, %swap3A_889], %gather3A_886 {strides = array<i32>} : memref<32x64xf32, #tpu.memory_space<vmem>>, vector<16xf32>,
    %slice3A_891 = vector.extract_strided_slice %get3A_5 {offsets = [6], sizes = [1], strides = [1]} : vector<16xi32> to vector<1xi32>
    %squeeze3A_892 = vector.extract %slice3A_891[0] : i32 from vector<1xi32>
    %shift_right_logical3A_893 = arith.constant 7 : i32
    %shift_right_logical3A_894 = arith.shrui %squeeze3A_892, %shift_right_logical3A_893 : i32
    %mul3A_895 = arith.constant 128 : i32
    %mul3A_896 = arith.muli %shift_right_logical3A_894, %mul3A_895 : i32
    %dma_start3A_897 = arith.constant 0 : i32
    %dma_start3A_898 = tpu.memref_slice %arg3[%dma_start3A_897, %mul3A_896] : memref<64x100000xf32, #tpu.memory_space<hbm>> -> memref<64x128xf32, #tpu.memory_space<hbm>>
    %dma_start3A_899 = arith.constant 0 : i32
    %dma_start3A_900 = tpu.memref_slice %arg3[%dma_start3A_899, %mul3A_896] : memref<64x100000xf32, #tpu.memory_space<hbm>> -> memref<64x128xf32, #tpu.memory_space<hbm>>
    tpu.enqueue_dma source(%dma_start3A_900 : memref<64x128xf32, #tpu.memory_space<hbm>>) target(%arg12 : memref<64x128xf32, #tpu.memory_space<vmem>>) target_semaphore(%arg21 : memref<!tpu.dma_semaphore, #tpu.memory_space<semaphore_mem>>)
    %dma_wait3A_901 = arith.constant 0 : i32
    %dma_wait3A_902 = tpu.memref_slice %arg3[%dma_wait3A_901, %mul3A_511] : memref<64x100000xf32, #tpu.memory_space<hbm>> -> memref<64x128xf32, #tpu.memory_space<hbm>>
    %dma_wait3A_903 = arith.constant 0 : i32
    %dma_wait3A_904 = tpu.memref_slice %arg3[%dma_wait3A_903, %mul3A_511] : memref<64x100000xf32, #tpu.memory_space<hbm>> -> memref<64x128xf32, #tpu.memory_space<hbm>>
    tpu.wait_dma2 semaphore(%arg22 : memref<!tpu.dma_semaphore, #tpu.memory_space<semaphore_mem>>) src(%dma_wait3A_904 : memref<64x128xf32, #tpu.memory_space<hbm>>) dst(%arg13 : memref<64x128xf32, #tpu.memory_space<vmem>>)
    %slice3A_905 = vector.extract_strided_slice %get3A_3 {offsets = [15], sizes = [1], strides = [1]} : vector<16xi32> to vector<1xi32>
    %squeeze3A_906 = vector.extract %slice3A_905[0] : i32 from vector<1xi32>
    %and3A_907 = arith.constant 127 : i32
    %and3A_908 = arith.andi %squeeze3A_906, %and3A_907 : i32
    %broadcast_in_dim3A_909 = vector.broadcast %and3A_908 : i32 to vector<16xi32>
    %iota3A_910 = tpu.iota {dimensions = array<i32: 0>} : vector<16xi32>
    %add3A_911 = arith.constant 0 : i32
    %add3A_912 = vector.broadcast %add3A_911 : i32 to vector<16xi32>
    %add3A_913 = arith.addi %iota3A_910, %add3A_912 : vector<16xi32>
    %gather3A_914 = tpu.vector_load_idx %arg13[%add3A_913, %broadcast_in_dim3A_909] : memref<64x128xf32, #tpu.memory_space<vmem>>[vector<16xi32>, vector<16xi32>], vector<16xf32>,
    %swap3A_915 = arith.constant 15 : i32
    %swap3A_916 = arith.index_cast %swap3A_915 : i32 to index
    %swap3A_917 = arith.constant 0 : index
    %swap3A_918 = tpu.vector_load %arg14[%swap3A_916, %swap3A_917] {strides = array<i32>} : memref<32x64xf32, #tpu.memory_space<vmem>>, vector<16xf32>,
    tpu.vector_store %arg14[%swap3A_916, %swap3A_917], %gather3A_914 {strides = array<i32>} : memref<32x64xf32, #tpu.memory_space<vmem>>, vector<16xf32>,
    %iota3A_919 = tpu.iota {dimensions = array<i32: 0>} : vector<16xi32>
    %add3A_920 = arith.constant 16 : i32
    %add3A_921 = vector.broadcast %add3A_920 : i32 to vector<16xi32>
    %add3A_922 = arith.addi %iota3A_919, %add3A_921 : vector<16xi32>
    %gather3A_923 = tpu.vector_load_idx %arg13[%add3A_922, %broadcast_in_dim3A_909] : memref<64x128xf32, #tpu.memory_space<vmem>>[vector<16xi32>, vector<16xi32>], vector<16xf32>,
    %swap3A_924 = arith.constant 15 : i32
    %swap3A_925 = arith.index_cast %swap3A_924 : i32 to index
    %swap3A_926 = arith.constant 16 : index
    %swap3A_927 = tpu.vector_load %arg14[%swap3A_925, %swap3A_926] {strides = array<i32>} : memref<32x64xf32, #tpu.memory_space<vmem>>, vector<16xf32>,
    tpu.vector_store %arg14[%swap3A_925, %swap3A_926], %gather3A_923 {strides = array<i32>} : memref<32x64xf32, #tpu.memory_space<vmem>>, vector<16xf32>,
    %iota3A_928 = tpu.iota {dimensions = array<i32: 0>} : vector<16xi32>
    %add3A_929 = arith.constant 32 : i32
    %add3A_930 = vector.broadcast %add3A_929 : i32 to vector<16xi32>
    %add3A_931 = arith.addi %iota3A_928, %add3A_930 : vector<16xi32>
    %gather3A_932 = tpu.vector_load_idx %arg13[%add3A_931, %broadcast_in_dim3A_909] : memref<64x128xf32, #tpu.memory_space<vmem>>[vector<16xi32>, vector<16xi32>], vector<16xf32>,
    %swap3A_933 = arith.constant 15 : i32
    %swap3A_934 = arith.index_cast %swap3A_933 : i32 to index
    %swap3A_935 = arith.constant 32 : index
    %swap3A_936 = tpu.vector_load %arg14[%swap3A_934, %swap3A_935] {strides = array<i32>} : memref<32x64xf32, #tpu.memory_space<vmem>>, vector<16xf32>,
    tpu.vector_store %arg14[%swap3A_934, %swap3A_935], %gather3A_932 {strides = array<i32>} : memref<32x64xf32, #tpu.memory_space<vmem>>, vector<16xf32>,
    %iota3A_937 = tpu.iota {dimensions = array<i32: 0>} : vector<16xi32>
    %add3A_938 = arith.constant 48 : i32
    %add3A_939 = vector.broadcast %add3A_938 : i32 to vector<16xi32>
    %add3A_940 = arith.addi %iota3A_937, %add3A_939 : vector<16xi32>
    %gather3A_941 = tpu.vector_load_idx %arg13[%add3A_940, %broadcast_in_dim3A_909] : memref<64x128xf32, #tpu.memory_space<vmem>>[vector<16xi32>, vector<16xi32>], vector<16xf32>,
    %swap3A_942 = arith.constant 15 : i32
    %swap3A_943 = arith.index_cast %swap3A_942 : i32 to index
    %swap3A_944 = arith.constant 48 : index
    %swap3A_945 = tpu.vector_load %arg14[%swap3A_943, %swap3A_944] {strides = array<i32>} : memref<32x64xf32, #tpu.memory_space<vmem>>, vector<16xf32>,
    tpu.vector_store %arg14[%swap3A_943, %swap3A_944], %gather3A_941 {strides = array<i32>} : memref<32x64xf32, #tpu.memory_space<vmem>>, vector<16xf32>,
    %slice3A_946 = vector.extract_strided_slice %get3A_5 {offsets = [7], sizes = [1], strides = [1]} : vector<16xi32> to vector<1xi32>
    %squeeze3A_947 = vector.extract %slice3A_946[0] : i32 from vector<1xi32>
    %shift_right_logical3A_948 = arith.constant 7 : i32
    %shift_right_logical3A_949 = arith.shrui %squeeze3A_947, %shift_right_logical3A_948 : i32
    %mul3A_950 = arith.constant 128 : i32
    %mul3A_951 = arith.muli %shift_right_logical3A_949, %mul3A_950 : i32
    %dma_start3A_952 = arith.constant 0 : i32
    %dma_start3A_953 = tpu.memref_slice %arg3[%dma_start3A_952, %mul3A_951] : memref<64x100000xf32, #tpu.memory_space<hbm>> -> memref<64x128xf32, #tpu.memory_space<hbm>>
    %dma_start3A_954 = arith.constant 0 : i32
    %dma_start3A_955 = tpu.memref_slice %arg3[%dma_start3A_954, %mul3A_951] : memref<64x100000xf32, #tpu.memory_space<hbm>> -> memref<64x128xf32, #tpu.memory_space<hbm>>
    tpu.enqueue_dma source(%dma_start3A_955 : memref<64x128xf32, #tpu.memory_space<hbm>>) target(%arg13 : memref<64x128xf32, #tpu.memory_space<vmem>>) target_semaphore(%arg22 : memref<!tpu.dma_semaphore, #tpu.memory_space<semaphore_mem>>)
    %dma_wait3A_956 = arith.constant 0 : i32
    %dma_wait3A_957 = tpu.memref_slice %arg3[%dma_wait3A_956, %mul3A_566] : memref<64x100000xf32, #tpu.memory_space<hbm>> -> memref<64x128xf32, #tpu.memory_space<hbm>>
    %dma_wait3A_958 = arith.constant 0 : i32
    %dma_wait3A_959 = tpu.memref_slice %arg3[%dma_wait3A_958, %mul3A_566] : memref<64x100000xf32, #tpu.memory_space<hbm>> -> memref<64x128xf32, #tpu.memory_space<hbm>>
    tpu.wait_dma2 semaphore(%arg15 : memref<!tpu.dma_semaphore, #tpu.memory_space<semaphore_mem>>) src(%dma_wait3A_959 : memref<64x128xf32, #tpu.memory_space<hbm>>) dst(%arg6 : memref<64x128xf32, #tpu.memory_space<vmem>>)
    %slice3A_960 = vector.extract_strided_slice %get3A_5 {offsets = [0], sizes = [1], strides = [1]} : vector<16xi32> to vector<1xi32>
    %squeeze3A_961 = vector.extract %slice3A_960[0] : i32 from vector<1xi32>
    %and3A_962 = arith.constant 127 : i32
    %and3A_963 = arith.andi %squeeze3A_961, %and3A_962 : i32
    %broadcast_in_dim3A_964 = vector.broadcast %and3A_963 : i32 to vector<16xi32>
    %iota3A_965 = tpu.iota {dimensions = array<i32: 0>} : vector<16xi32>
    %add3A_966 = arith.constant 0 : i32
    %add3A_967 = vector.broadcast %add3A_966 : i32 to vector<16xi32>
    %add3A_968 = arith.addi %iota3A_965, %add3A_967 : vector<16xi32>
    %gather3A_969 = tpu.vector_load_idx %arg6[%add3A_968, %broadcast_in_dim3A_964] : memref<64x128xf32, #tpu.memory_space<vmem>>[vector<16xi32>, vector<16xi32>], vector<16xf32>,
    %swap3A_970 = arith.constant 16 : i32
    %swap3A_971 = arith.index_cast %swap3A_970 : i32 to index
    %swap3A_972 = arith.constant 0 : index
    %swap3A_973 = tpu.vector_load %arg14[%swap3A_971, %swap3A_972] {strides = array<i32>} : memref<32x64xf32, #tpu.memory_space<vmem>>, vector<16xf32>,
    tpu.vector_store %arg14[%swap3A_971, %swap3A_972], %gather3A_969 {strides = array<i32>} : memref<32x64xf32, #tpu.memory_space<vmem>>, vector<16xf32>,
    %iota3A_974 = tpu.iota {dimensions = array<i32: 0>} : vector<16xi32>
    %add3A_975 = arith.constant 16 : i32
    %add3A_976 = vector.broadcast %add3A_975 : i32 to vector<16xi32>
    %add3A_977 = arith.addi %iota3A_974, %add3A_976 : vector<16xi32>
    %gather3A_978 = tpu.vector_load_idx %arg6[%add3A_977, %broadcast_in_dim3A_964] : memref<64x128xf32, #tpu.memory_space<vmem>>[vector<16xi32>, vector<16xi32>], vector<16xf32>,
    %swap3A_979 = arith.constant 16 : i32
    %swap3A_980 = arith.index_cast %swap3A_979 : i32 to index
    %swap3A_981 = arith.constant 16 : index
    %swap3A_982 = tpu.vector_load %arg14[%swap3A_980, %swap3A_981] {strides = array<i32>} : memref<32x64xf32, #tpu.memory_space<vmem>>, vector<16xf32>,
    tpu.vector_store %arg14[%swap3A_980, %swap3A_981], %gather3A_978 {strides = array<i32>} : memref<32x64xf32, #tpu.memory_space<vmem>>, vector<16xf32>,
    %iota3A_983 = tpu.iota {dimensions = array<i32: 0>} : vector<16xi32>
    %add3A_984 = arith.constant 32 : i32
    %add3A_985 = vector.broadcast %add3A_984 : i32 to vector<16xi32>
    %add3A_986 = arith.addi %iota3A_983, %add3A_985 : vector<16xi32>
    %gather3A_987 = tpu.vector_load_idx %arg6[%add3A_986, %broadcast_in_dim3A_964] : memref<64x128xf32, #tpu.memory_space<vmem>>[vector<16xi32>, vector<16xi32>], vector<16xf32>,
    %swap3A_988 = arith.constant 16 : i32
    %swap3A_989 = arith.index_cast %swap3A_988 : i32 to index
    %swap3A_990 = arith.constant 32 : index
    %swap3A_991 = tpu.vector_load %arg14[%swap3A_989, %swap3A_990] {strides = array<i32>} : memref<32x64xf32, #tpu.memory_space<vmem>>, vector<16xf32>,
    tpu.vector_store %arg14[%swap3A_989, %swap3A_990], %gather3A_987 {strides = array<i32>} : memref<32x64xf32, #tpu.memory_space<vmem>>, vector<16xf32>,
    %iota3A_992 = tpu.iota {dimensions = array<i32: 0>} : vector<16xi32>
    %add3A_993 = arith.constant 48 : i32
    %add3A_994 = vector.broadcast %add3A_993 : i32 to vector<16xi32>
    %add3A_995 = arith.addi %iota3A_992, %add3A_994 : vector<16xi32>
    %gather3A_996 = tpu.vector_load_idx %arg6[%add3A_995, %broadcast_in_dim3A_964] : memref<64x128xf32, #tpu.memory_space<vmem>>[vector<16xi32>, vector<16xi32>], vector<16xf32>,
    %swap3A_997 = arith.constant 16 : i32
    %swap3A_998 = arith.index_cast %swap3A_997 : i32 to index
    %swap3A_999 = arith.constant 48 : index
    %swap3A_1000 = tpu.vector_load %arg14[%swap3A_998, %swap3A_999] {strides = array<i32>} : memref<32x64xf32, #tpu.memory_space<vmem>>, vector<16xf32>,
    tpu.vector_store %arg14[%swap3A_998, %swap3A_999], %gather3A_996 {strides = array<i32>} : memref<32x64xf32, #tpu.memory_space<vmem>>, vector<16xf32>,
    %slice3A_1001 = vector.extract_strided_slice %get3A_5 {offsets = [8], sizes = [1], strides = [1]} : vector<16xi32> to vector<1xi32>
    %squeeze3A_1002 = vector.extract %slice3A_1001[0] : i32 from vector<1xi32>
    %shift_right_logical3A_1003 = arith.constant 7 : i32
    %shift_right_logical3A_1004 = arith.shrui %squeeze3A_1002, %shift_right_logical3A_1003 : i32
    %mul3A_1005 = arith.constant 128 : i32
    %mul3A_1006 = arith.muli %shift_right_logical3A_1004, %mul3A_1005 : i32
    %dma_start3A_1007 = arith.constant 0 : i32
    %dma_start3A_1008 = tpu.memref_slice %arg3[%dma_start3A_1007, %mul3A_1006] : memref<64x100000xf32, #tpu.memory_space<hbm>> -> memref<64x128xf32, #tpu.memory_space<hbm>>
    %dma_start3A_1009 = arith.constant 0 : i32
    %dma_start3A_1010 = tpu.memref_slice %arg3[%dma_start3A_1009, %mul3A_1006] : memref<64x100000xf32, #tpu.memory_space<hbm>> -> memref<64x128xf32, #tpu.memory_space<hbm>>
    tpu.enqueue_dma source(%dma_start3A_1010 : memref<64x128xf32, #tpu.memory_space<hbm>>) target(%arg6 : memref<64x128xf32, #tpu.memory_space<vmem>>) target_semaphore(%arg15 : memref<!tpu.dma_semaphore, #tpu.memory_space<semaphore_mem>>)
    %dma_wait3A_1011 = arith.constant 0 : i32
    %dma_wait3A_1012 = tpu.memref_slice %arg3[%dma_wait3A_1011, %mul3A_621] : memref<64x100000xf32, #tpu.memory_space<hbm>> -> memref<64x128xf32, #tpu.memory_space<hbm>>
    %dma_wait3A_1013 = arith.constant 0 : i32
    %dma_wait3A_1014 = tpu.memref_slice %arg3[%dma_wait3A_1013, %mul3A_621] : memref<64x100000xf32, #tpu.memory_space<hbm>> -> memref<64x128xf32, #tpu.memory_space<hbm>>
    tpu.wait_dma2 semaphore(%arg16 : memref<!tpu.dma_semaphore, #tpu.memory_space<semaphore_mem>>) src(%dma_wait3A_1014 : memref<64x128xf32, #tpu.memory_space<hbm>>) dst(%arg7 : memref<64x128xf32, #tpu.memory_space<vmem>>)
    %slice3A_1015 = vector.extract_strided_slice %get3A_5 {offsets = [1], sizes = [1], strides = [1]} : vector<16xi32> to vector<1xi32>
    %squeeze3A_1016 = vector.extract %slice3A_1015[0] : i32 from vector<1xi32>
    %and3A_1017 = arith.constant 127 : i32
    %and3A_1018 = arith.andi %squeeze3A_1016, %and3A_1017 : i32
    %broadcast_in_dim3A_1019 = vector.broadcast %and3A_1018 : i32 to vector<16xi32>
    %iota3A_1020 = tpu.iota {dimensions = array<i32: 0>} : vector<16xi32>
    %add3A_1021 = arith.constant 0 : i32
    %add3A_1022 = vector.broadcast %add3A_1021 : i32 to vector<16xi32>
    %add3A_1023 = arith.addi %iota3A_1020, %add3A_1022 : vector<16xi32>
    %gather3A_1024 = tpu.vector_load_idx %arg7[%add3A_1023, %broadcast_in_dim3A_1019] : memref<64x128xf32, #tpu.memory_space<vmem>>[vector<16xi32>, vector<16xi32>], vector<16xf32>,
    %swap3A_1025 = arith.constant 17 : i32
    %swap3A_1026 = arith.index_cast %swap3A_1025 : i32 to index
    %swap3A_1027 = arith.constant 0 : index
    %swap3A_1028 = tpu.vector_load %arg14[%swap3A_1026, %swap3A_1027] {strides = array<i32>} : memref<32x64xf32, #tpu.memory_space<vmem>>, vector<16xf32>,
    tpu.vector_store %arg14[%swap3A_1026, %swap3A_1027], %gather3A_1024 {strides = array<i32>} : memref<32x64xf32, #tpu.memory_space<vmem>>, vector<16xf32>,
    %iota3A_1029 = tpu.iota {dimensions = array<i32: 0>} : vector<16xi32>
    %add3A_1030 = arith.constant 16 : i32
    %add3A_1031 = vector.broadcast %add3A_1030 : i32 to vector<16xi32>
    %add3A_1032 = arith.addi %iota3A_1029, %add3A_1031 : vector<16xi32>
    %gather3A_1033 = tpu.vector_load_idx %arg7[%add3A_1032, %broadcast_in_dim3A_1019] : memref<64x128xf32, #tpu.memory_space<vmem>>[vector<16xi32>, vector<16xi32>], vector<16xf32>,
    %swap3A_1034 = arith.constant 17 : i32
    %swap3A_1035 = arith.index_cast %swap3A_1034 : i32 to index
    %swap3A_1036 = arith.constant 16 : index
    %swap3A_1037 = tpu.vector_load %arg14[%swap3A_1035, %swap3A_1036] {strides = array<i32>} : memref<32x64xf32, #tpu.memory_space<vmem>>, vector<16xf32>,
    tpu.vector_store %arg14[%swap3A_1035, %swap3A_1036], %gather3A_1033 {strides = array<i32>} : memref<32x64xf32, #tpu.memory_space<vmem>>, vector<16xf32>,
    %iota3A_1038 = tpu.iota {dimensions = array<i32: 0>} : vector<16xi32>
    %add3A_1039 = arith.constant 32 : i32
    %add3A_1040 = vector.broadcast %add3A_1039 : i32 to vector<16xi32>
    %add3A_1041 = arith.addi %iota3A_1038, %add3A_1040 : vector<16xi32>
    %gather3A_1042 = tpu.vector_load_idx %arg7[%add3A_1041, %broadcast_in_dim3A_1019] : memref<64x128xf32, #tpu.memory_space<vmem>>[vector<16xi32>, vector<16xi32>], vector<16xf32>,
    %swap3A_1043 = arith.constant 17 : i32
    %swap3A_1044 = arith.index_cast %swap3A_1043 : i32 to index
    %swap3A_1045 = arith.constant 32 : index
    %swap3A_1046 = tpu.vector_load %arg14[%swap3A_1044, %swap3A_1045] {strides = array<i32>} : memref<32x64xf32, #tpu.memory_space<vmem>>, vector<16xf32>,
    tpu.vector_store %arg14[%swap3A_1044, %swap3A_1045], %gather3A_1042 {strides = array<i32>} : memref<32x64xf32, #tpu.memory_space<vmem>>, vector<16xf32>,
    %iota3A_1047 = tpu.iota {dimensions = array<i32: 0>} : vector<16xi32>
    %add3A_1048 = arith.constant 48 : i32
    %add3A_1049 = vector.broadcast %add3A_1048 : i32 to vector<16xi32>
    %add3A_1050 = arith.addi %iota3A_1047, %add3A_1049 : vector<16xi32>
    %gather3A_1051 = tpu.vector_load_idx %arg7[%add3A_1050, %broadcast_in_dim3A_1019] : memref<64x128xf32, #tpu.memory_space<vmem>>[vector<16xi32>, vector<16xi32>], vector<16xf32>,
    %swap3A_1052 = arith.constant 17 : i32
    %swap3A_1053 = arith.index_cast %swap3A_1052 : i32 to index
    %swap3A_1054 = arith.constant 48 : index
    %swap3A_1055 = tpu.vector_load %arg14[%swap3A_1053, %swap3A_1054] {strides = array<i32>} : memref<32x64xf32, #tpu.memory_space<vmem>>, vector<16xf32>,
    tpu.vector_store %arg14[%swap3A_1053, %swap3A_1054], %gather3A_1051 {strides = array<i32>} : memref<32x64xf32, #tpu.memory_space<vmem>>, vector<16xf32>,
    %slice3A_1056 = vector.extract_strided_slice %get3A_5 {offsets = [9], sizes = [1], strides = [1]} : vector<16xi32> to vector<1xi32>
    %squeeze3A_1057 = vector.extract %slice3A_1056[0] : i32 from vector<1xi32>
    %shift_right_logical3A_1058 = arith.constant 7 : i32
    %shift_right_logical3A_1059 = arith.shrui %squeeze3A_1057, %shift_right_logical3A_1058 : i32
    %mul3A_1060 = arith.constant 128 : i32
    %mul3A_1061 = arith.muli %shift_right_logical3A_1059, %mul3A_1060 : i32
    %dma_start3A_1062 = arith.constant 0 : i32
    %dma_start3A_1063 = tpu.memref_slice %arg3[%dma_start3A_1062, %mul3A_1061] : memref<64x100000xf32, #tpu.memory_space<hbm>> -> memref<64x128xf32, #tpu.memory_space<hbm>>
    %dma_start3A_1064 = arith.constant 0 : i32
    %dma_start3A_1065 = tpu.memref_slice %arg3[%dma_start3A_1064, %mul3A_1061] : memref<64x100000xf32, #tpu.memory_space<hbm>> -> memref<64x128xf32, #tpu.memory_space<hbm>>
    tpu.enqueue_dma source(%dma_start3A_1065 : memref<64x128xf32, #tpu.memory_space<hbm>>) target(%arg7 : memref<64x128xf32, #tpu.memory_space<vmem>>) target_semaphore(%arg16 : memref<!tpu.dma_semaphore, #tpu.memory_space<semaphore_mem>>)
    %dma_wait3A_1066 = arith.constant 0 : i32
    %dma_wait3A_1067 = tpu.memref_slice %arg3[%dma_wait3A_1066, %mul3A_676] : memref<64x100000xf32, #tpu.memory_space<hbm>> -> memref<64x128xf32, #tpu.memory_space<hbm>>
    %dma_wait3A_1068 = arith.constant 0 : i32
    %dma_wait3A_1069 = tpu.memref_slice %arg3[%dma_wait3A_1068, %mul3A_676] : memref<64x100000xf32, #tpu.memory_space<hbm>> -> memref<64x128xf32, #tpu.memory_space<hbm>>
    tpu.wait_dma2 semaphore(%arg17 : memref<!tpu.dma_semaphore, #tpu.memory_space<semaphore_mem>>) src(%dma_wait3A_1069 : memref<64x128xf32, #tpu.memory_space<hbm>>) dst(%arg8 : memref<64x128xf32, #tpu.memory_space<vmem>>)
    %slice3A_1070 = vector.extract_strided_slice %get3A_5 {offsets = [2], sizes = [1], strides = [1]} : vector<16xi32> to vector<1xi32>
    %squeeze3A_1071 = vector.extract %slice3A_1070[0] : i32 from vector<1xi32>
    %and3A_1072 = arith.constant 127 : i32
    %and3A_1073 = arith.andi %squeeze3A_1071, %and3A_1072 : i32
    %broadcast_in_dim3A_1074 = vector.broadcast %and3A_1073 : i32 to vector<16xi32>
    %iota3A_1075 = tpu.iota {dimensions = array<i32: 0>} : vector<16xi32>
    %add3A_1076 = arith.constant 0 : i32
    %add3A_1077 = vector.broadcast %add3A_1076 : i32 to vector<16xi32>
    %add3A_1078 = arith.addi %iota3A_1075, %add3A_1077 : vector<16xi32>
    %gather3A_1079 = tpu.vector_load_idx %arg8[%add3A_1078, %broadcast_in_dim3A_1074] : memref<64x128xf32, #tpu.memory_space<vmem>>[vector<16xi32>, vector<16xi32>], vector<16xf32>,
    %swap3A_1080 = arith.constant 18 : i32
    %swap3A_1081 = arith.index_cast %swap3A_1080 : i32 to index
    %swap3A_1082 = arith.constant 0 : index
    %swap3A_1083 = tpu.vector_load %arg14[%swap3A_1081, %swap3A_1082] {strides = array<i32>} : memref<32x64xf32, #tpu.memory_space<vmem>>, vector<16xf32>,
    tpu.vector_store %arg14[%swap3A_1081, %swap3A_1082], %gather3A_1079 {strides = array<i32>} : memref<32x64xf32, #tpu.memory_space<vmem>>, vector<16xf32>,
    %iota3A_1084 = tpu.iota {dimensions = array<i32: 0>} : vector<16xi32>
    %add3A_1085 = arith.constant 16 : i32
    %add3A_1086 = vector.broadcast %add3A_1085 : i32 to vector<16xi32>
    %add3A_1087 = arith.addi %iota3A_1084, %add3A_1086 : vector<16xi32>
    %gather3A_1088 = tpu.vector_load_idx %arg8[%add3A_1087, %broadcast_in_dim3A_1074] : memref<64x128xf32, #tpu.memory_space<vmem>>[vector<16xi32>, vector<16xi32>], vector<16xf32>,
    %swap3A_1089 = arith.constant 18 : i32
    %swap3A_1090 = arith.index_cast %swap3A_1089 : i32 to index
    %swap3A_1091 = arith.constant 16 : index
    %swap3A_1092 = tpu.vector_load %arg14[%swap3A_1090, %swap3A_1091] {strides = array<i32>} : memref<32x64xf32, #tpu.memory_space<vmem>>, vector<16xf32>,
    tpu.vector_store %arg14[%swap3A_1090, %swap3A_1091], %gather3A_1088 {strides = array<i32>} : memref<32x64xf32, #tpu.memory_space<vmem>>, vector<16xf32>,
    %iota3A_1093 = tpu.iota {dimensions = array<i32: 0>} : vector<16xi32>
    %add3A_1094 = arith.constant 32 : i32
    %add3A_1095 = vector.broadcast %add3A_1094 : i32 to vector<16xi32>
    %add3A_1096 = arith.addi %iota3A_1093, %add3A_1095 : vector<16xi32>
    %gather3A_1097 = tpu.vector_load_idx %arg8[%add3A_1096, %broadcast_in_dim3A_1074] : memref<64x128xf32, #tpu.memory_space<vmem>>[vector<16xi32>, vector<16xi32>], vector<16xf32>,
    %swap3A_1098 = arith.constant 18 : i32
    %swap3A_1099 = arith.index_cast %swap3A_1098 : i32 to index
    %swap3A_1100 = arith.constant 32 : index
    %swap3A_1101 = tpu.vector_load %arg14[%swap3A_1099, %swap3A_1100] {strides = array<i32>} : memref<32x64xf32, #tpu.memory_space<vmem>>, vector<16xf32>,
    tpu.vector_store %arg14[%swap3A_1099, %swap3A_1100], %gather3A_1097 {strides = array<i32>} : memref<32x64xf32, #tpu.memory_space<vmem>>, vector<16xf32>,
    %iota3A_1102 = tpu.iota {dimensions = array<i32: 0>} : vector<16xi32>
    %add3A_1103 = arith.constant 48 : i32
    %add3A_1104 = vector.broadcast %add3A_1103 : i32 to vector<16xi32>
    %add3A_1105 = arith.addi %iota3A_1102, %add3A_1104 : vector<16xi32>
    %gather3A_1106 = tpu.vector_load_idx %arg8[%add3A_1105, %broadcast_in_dim3A_1074] : memref<64x128xf32, #tpu.memory_space<vmem>>[vector<16xi32>, vector<16xi32>], vector<16xf32>,
    %swap3A_1107 = arith.constant 18 : i32
    %swap3A_1108 = arith.index_cast %swap3A_1107 : i32 to index
    %swap3A_1109 = arith.constant 48 : index
    %swap3A_1110 = tpu.vector_load %arg14[%swap3A_1108, %swap3A_1109] {strides = array<i32>} : memref<32x64xf32, #tpu.memory_space<vmem>>, vector<16xf32>,
    tpu.vector_store %arg14[%swap3A_1108, %swap3A_1109], %gather3A_1106 {strides = array<i32>} : memref<32x64xf32, #tpu.memory_space<vmem>>, vector<16xf32>,
    %slice3A_1111 = vector.extract_strided_slice %get3A_5 {offsets = [10], sizes = [1], strides = [1]} : vector<16xi32> to vector<1xi32>
    %squeeze3A_1112 = vector.extract %slice3A_1111[0] : i32 from vector<1xi32>
    %shift_right_logical3A_1113 = arith.constant 7 : i32
    %shift_right_logical3A_1114 = arith.shrui %squeeze3A_1112, %shift_right_logical3A_1113 : i32
    %mul3A_1115 = arith.constant 128 : i32
    %mul3A_1116 = arith.muli %shift_right_logical3A_1114, %mul3A_1115 : i32
    %dma_start3A_1117 = arith.constant 0 : i32
    %dma_start3A_1118 = tpu.memref_slice %arg3[%dma_start3A_1117, %mul3A_1116] : memref<64x100000xf32, #tpu.memory_space<hbm>> -> memref<64x128xf32, #tpu.memory_space<hbm>>
    %dma_start3A_1119 = arith.constant 0 : i32
    %dma_start3A_1120 = tpu.memref_slice %arg3[%dma_start3A_1119, %mul3A_1116] : memref<64x100000xf32, #tpu.memory_space<hbm>> -> memref<64x128xf32, #tpu.memory_space<hbm>>
    tpu.enqueue_dma source(%dma_start3A_1120 : memref<64x128xf32, #tpu.memory_space<hbm>>) target(%arg8 : memref<64x128xf32, #tpu.memory_space<vmem>>) target_semaphore(%arg17 : memref<!tpu.dma_semaphore, #tpu.memory_space<semaphore_mem>>)
    %dma_wait3A_1121 = arith.constant 0 : i32
    %dma_wait3A_1122 = tpu.memref_slice %arg3[%dma_wait3A_1121, %mul3A_731] : memref<64x100000xf32, #tpu.memory_space<hbm>> -> memref<64x128xf32, #tpu.memory_space<hbm>>
    %dma_wait3A_1123 = arith.constant 0 : i32
    %dma_wait3A_1124 = tpu.memref_slice %arg3[%dma_wait3A_1123, %mul3A_731] : memref<64x100000xf32, #tpu.memory_space<hbm>> -> memref<64x128xf32, #tpu.memory_space<hbm>>
    tpu.wait_dma2 semaphore(%arg18 : memref<!tpu.dma_semaphore, #tpu.memory_space<semaphore_mem>>) src(%dma_wait3A_1124 : memref<64x128xf32, #tpu.memory_space<hbm>>) dst(%arg9 : memref<64x128xf32, #tpu.memory_space<vmem>>)
    %slice3A_1125 = vector.extract_strided_slice %get3A_5 {offsets = [3], sizes = [1], strides = [1]} : vector<16xi32> to vector<1xi32>
    %squeeze3A_1126 = vector.extract %slice3A_1125[0] : i32 from vector<1xi32>
    %and3A_1127 = arith.constant 127 : i32
    %and3A_1128 = arith.andi %squeeze3A_1126, %and3A_1127 : i32
    %broadcast_in_dim3A_1129 = vector.broadcast %and3A_1128 : i32 to vector<16xi32>
    %iota3A_1130 = tpu.iota {dimensions = array<i32: 0>} : vector<16xi32>
    %add3A_1131 = arith.constant 0 : i32
    %add3A_1132 = vector.broadcast %add3A_1131 : i32 to vector<16xi32>
    %add3A_1133 = arith.addi %iota3A_1130, %add3A_1132 : vector<16xi32>
    %gather3A_1134 = tpu.vector_load_idx %arg9[%add3A_1133, %broadcast_in_dim3A_1129] : memref<64x128xf32, #tpu.memory_space<vmem>>[vector<16xi32>, vector<16xi32>], vector<16xf32>,
    %swap3A_1135 = arith.constant 19 : i32
    %swap3A_1136 = arith.index_cast %swap3A_1135 : i32 to index
    %swap3A_1137 = arith.constant 0 : index
    %swap3A_1138 = tpu.vector_load %arg14[%swap3A_1136, %swap3A_1137] {strides = array<i32>} : memref<32x64xf32, #tpu.memory_space<vmem>>, vector<16xf32>,
    tpu.vector_store %arg14[%swap3A_1136, %swap3A_1137], %gather3A_1134 {strides = array<i32>} : memref<32x64xf32, #tpu.memory_space<vmem>>, vector<16xf32>,
    %iota3A_1139 = tpu.iota {dimensions = array<i32: 0>} : vector<16xi32>
    %add3A_1140 = arith.constant 16 : i32
    %add3A_1141 = vector.broadcast %add3A_1140 : i32 to vector<16xi32>
    %add3A_1142 = arith.addi %iota3A_1139, %add3A_1141 : vector<16xi32>
    %gather3A_1143 = tpu.vector_load_idx %arg9[%add3A_1142, %broadcast_in_dim3A_1129] : memref<64x128xf32, #tpu.memory_space<vmem>>[vector<16xi32>, vector<16xi32>], vector<16xf32>,
    %swap3A_1144 = arith.constant 19 : i32
    %swap3A_1145 = arith.index_cast %swap3A_1144 : i32 to index
    %swap3A_1146 = arith.constant 16 : index
    %swap3A_1147 = tpu.vector_load %arg14[%swap3A_1145, %swap3A_1146] {strides = array<i32>} : memref<32x64xf32, #tpu.memory_space<vmem>>, vector<16xf32>,
    tpu.vector_store %arg14[%swap3A_1145, %swap3A_1146], %gather3A_1143 {strides = array<i32>} : memref<32x64xf32, #tpu.memory_space<vmem>>, vector<16xf32>,
    %iota3A_1148 = tpu.iota {dimensions = array<i32: 0>} : vector<16xi32>
    %add3A_1149 = arith.constant 32 : i32
    %add3A_1150 = vector.broadcast %add3A_1149 : i32 to vector<16xi32>
    %add3A_1151 = arith.addi %iota3A_1148, %add3A_1150 : vector<16xi32>
    %gather3A_1152 = tpu.vector_load_idx %arg9[%add3A_1151, %broadcast_in_dim3A_1129] : memref<64x128xf32, #tpu.memory_space<vmem>>[vector<16xi32>, vector<16xi32>], vector<16xf32>,
    %swap3A_1153 = arith.constant 19 : i32
    %swap3A_1154 = arith.index_cast %swap3A_1153 : i32 to index
    %swap3A_1155 = arith.constant 32 : index
    %swap3A_1156 = tpu.vector_load %arg14[%swap3A_1154, %swap3A_1155] {strides = array<i32>} : memref<32x64xf32, #tpu.memory_space<vmem>>, vector<16xf32>,
    tpu.vector_store %arg14[%swap3A_1154, %swap3A_1155], %gather3A_1152 {strides = array<i32>} : memref<32x64xf32, #tpu.memory_space<vmem>>, vector<16xf32>,
    %iota3A_1157 = tpu.iota {dimensions = array<i32: 0>} : vector<16xi32>
    %add3A_1158 = arith.constant 48 : i32
    %add3A_1159 = vector.broadcast %add3A_1158 : i32 to vector<16xi32>
    %add3A_1160 = arith.addi %iota3A_1157, %add3A_1159 : vector<16xi32>
    %gather3A_1161 = tpu.vector_load_idx %arg9[%add3A_1160, %broadcast_in_dim3A_1129] : memref<64x128xf32, #tpu.memory_space<vmem>>[vector<16xi32>, vector<16xi32>], vector<16xf32>,
    %swap3A_1162 = arith.constant 19 : i32
    %swap3A_1163 = arith.index_cast %swap3A_1162 : i32 to index
    %swap3A_1164 = arith.constant 48 : index
    %swap3A_1165 = tpu.vector_load %arg14[%swap3A_1163, %swap3A_1164] {strides = array<i32>} : memref<32x64xf32, #tpu.memory_space<vmem>>, vector<16xf32>,
    tpu.vector_store %arg14[%swap3A_1163, %swap3A_1164], %gather3A_1161 {strides = array<i32>} : memref<32x64xf32, #tpu.memory_space<vmem>>, vector<16xf32>,
    %slice3A_1166 = vector.extract_strided_slice %get3A_5 {offsets = [11], sizes = [1], strides = [1]} : vector<16xi32> to vector<1xi32>
    %squeeze3A_1167 = vector.extract %slice3A_1166[0] : i32 from vector<1xi32>
    %shift_right_logical3A_1168 = arith.constant 7 : i32
    %shift_right_logical3A_1169 = arith.shrui %squeeze3A_1167, %shift_right_logical3A_1168 : i32
    %mul3A_1170 = arith.constant 128 : i32
    %mul3A_1171 = arith.muli %shift_right_logical3A_1169, %mul3A_1170 : i32
    %dma_start3A_1172 = arith.constant 0 : i32
    %dma_start3A_1173 = tpu.memref_slice %arg3[%dma_start3A_1172, %mul3A_1171] : memref<64x100000xf32, #tpu.memory_space<hbm>> -> memref<64x128xf32, #tpu.memory_space<hbm>>
    %dma_start3A_1174 = arith.constant 0 : i32
    %dma_start3A_1175 = tpu.memref_slice %arg3[%dma_start3A_1174, %mul3A_1171] : memref<64x100000xf32, #tpu.memory_space<hbm>> -> memref<64x128xf32, #tpu.memory_space<hbm>>
    tpu.enqueue_dma source(%dma_start3A_1175 : memref<64x128xf32, #tpu.memory_space<hbm>>) target(%arg9 : memref<64x128xf32, #tpu.memory_space<vmem>>) target_semaphore(%arg18 : memref<!tpu.dma_semaphore, #tpu.memory_space<semaphore_mem>>)
    %dma_wait3A_1176 = arith.constant 0 : i32
    %dma_wait3A_1177 = tpu.memref_slice %arg3[%dma_wait3A_1176, %mul3A_786] : memref<64x100000xf32, #tpu.memory_space<hbm>> -> memref<64x128xf32, #tpu.memory_space<hbm>>
    %dma_wait3A_1178 = arith.constant 0 : i32
    %dma_wait3A_1179 = tpu.memref_slice %arg3[%dma_wait3A_1178, %mul3A_786] : memref<64x100000xf32, #tpu.memory_space<hbm>> -> memref<64x128xf32, #tpu.memory_space<hbm>>
    tpu.wait_dma2 semaphore(%arg19 : memref<!tpu.dma_semaphore, #tpu.memory_space<semaphore_mem>>) src(%dma_wait3A_1179 : memref<64x128xf32, #tpu.memory_space<hbm>>) dst(%arg10 : memref<64x128xf32, #tpu.memory_space<vmem>>)
    %slice3A_1180 = vector.extract_strided_slice %get3A_5 {offsets = [4], sizes = [1], strides = [1]} : vector<16xi32> to vector<1xi32>
    %squeeze3A_1181 = vector.extract %slice3A_1180[0] : i32 from vector<1xi32>
    %and3A_1182 = arith.constant 127 : i32
    %and3A_1183 = arith.andi %squeeze3A_1181, %and3A_1182 : i32
    %broadcast_in_dim3A_1184 = vector.broadcast %and3A_1183 : i32 to vector<16xi32>
    %iota3A_1185 = tpu.iota {dimensions = array<i32: 0>} : vector<16xi32>
    %add3A_1186 = arith.constant 0 : i32
    %add3A_1187 = vector.broadcast %add3A_1186 : i32 to vector<16xi32>
    %add3A_1188 = arith.addi %iota3A_1185, %add3A_1187 : vector<16xi32>
    %gather3A_1189 = tpu.vector_load_idx %arg10[%add3A_1188, %broadcast_in_dim3A_1184] : memref<64x128xf32, #tpu.memory_space<vmem>>[vector<16xi32>, vector<16xi32>], vector<16xf32>,
    %swap3A_1190 = arith.constant 20 : i32
    %swap3A_1191 = arith.index_cast %swap3A_1190 : i32 to index
    %swap3A_1192 = arith.constant 0 : index
    %swap3A_1193 = tpu.vector_load %arg14[%swap3A_1191, %swap3A_1192] {strides = array<i32>} : memref<32x64xf32, #tpu.memory_space<vmem>>, vector<16xf32>,
    tpu.vector_store %arg14[%swap3A_1191, %swap3A_1192], %gather3A_1189 {strides = array<i32>} : memref<32x64xf32, #tpu.memory_space<vmem>>, vector<16xf32>,
    %iota3A_1194 = tpu.iota {dimensions = array<i32: 0>} : vector<16xi32>
    %add3A_1195 = arith.constant 16 : i32
    %add3A_1196 = vector.broadcast %add3A_1195 : i32 to vector<16xi32>
    %add3A_1197 = arith.addi %iota3A_1194, %add3A_1196 : vector<16xi32>
    %gather3A_1198 = tpu.vector_load_idx %arg10[%add3A_1197, %broadcast_in_dim3A_1184] : memref<64x128xf32, #tpu.memory_space<vmem>>[vector<16xi32>, vector<16xi32>], vector<16xf32>,
    %swap3A_1199 = arith.constant 20 : i32
    %swap3A_1200 = arith.index_cast %swap3A_1199 : i32 to index
    %swap3A_1201 = arith.constant 16 : index
    %swap3A_1202 = tpu.vector_load %arg14[%swap3A_1200, %swap3A_1201] {strides = array<i32>} : memref<32x64xf32, #tpu.memory_space<vmem>>, vector<16xf32>,
    tpu.vector_store %arg14[%swap3A_1200, %swap3A_1201], %gather3A_1198 {strides = array<i32>} : memref<32x64xf32, #tpu.memory_space<vmem>>, vector<16xf32>,
    %iota3A_1203 = tpu.iota {dimensions = array<i32: 0>} : vector<16xi32>
    %add3A_1204 = arith.constant 32 : i32
    %add3A_1205 = vector.broadcast %add3A_1204 : i32 to vector<16xi32>
    %add3A_1206 = arith.addi %iota3A_1203, %add3A_1205 : vector<16xi32>
    %gather3A_1207 = tpu.vector_load_idx %arg10[%add3A_1206, %broadcast_in_dim3A_1184] : memref<64x128xf32, #tpu.memory_space<vmem>>[vector<16xi32>, vector<16xi32>], vector<16xf32>,
    %swap3A_1208 = arith.constant 20 : i32
    %swap3A_1209 = arith.index_cast %swap3A_1208 : i32 to index
    %swap3A_1210 = arith.constant 32 : index
    %swap3A_1211 = tpu.vector_load %arg14[%swap3A_1209, %swap3A_1210] {strides = array<i32>} : memref<32x64xf32, #tpu.memory_space<vmem>>, vector<16xf32>,
    tpu.vector_store %arg14[%swap3A_1209, %swap3A_1210], %gather3A_1207 {strides = array<i32>} : memref<32x64xf32, #tpu.memory_space<vmem>>, vector<16xf32>,
    %iota3A_1212 = tpu.iota {dimensions = array<i32: 0>} : vector<16xi32>
    %add3A_1213 = arith.constant 48 : i32
    %add3A_1214 = vector.broadcast %add3A_1213 : i32 to vector<16xi32>
    %add3A_1215 = arith.addi %iota3A_1212, %add3A_1214 : vector<16xi32>
    %gather3A_1216 = tpu.vector_load_idx %arg10[%add3A_1215, %broadcast_in_dim3A_1184] : memref<64x128xf32, #tpu.memory_space<vmem>>[vector<16xi32>, vector<16xi32>], vector<16xf32>,
    %swap3A_1217 = arith.constant 20 : i32
    %swap3A_1218 = arith.index_cast %swap3A_1217 : i32 to index
    %swap3A_1219 = arith.constant 48 : index
    %swap3A_1220 = tpu.vector_load %arg14[%swap3A_1218, %swap3A_1219] {strides = array<i32>} : memref<32x64xf32, #tpu.memory_space<vmem>>, vector<16xf32>,
    tpu.vector_store %arg14[%swap3A_1218, %swap3A_1219], %gather3A_1216 {strides = array<i32>} : memref<32x64xf32, #tpu.memory_space<vmem>>, vector<16xf32>,
    %slice3A_1221 = vector.extract_strided_slice %get3A_5 {offsets = [12], sizes = [1], strides = [1]} : vector<16xi32> to vector<1xi32>
    %squeeze3A_1222 = vector.extract %slice3A_1221[0] : i32 from vector<1xi32>
    %shift_right_logical3A_1223 = arith.constant 7 : i32
    %shift_right_logical3A_1224 = arith.shrui %squeeze3A_1222, %shift_right_logical3A_1223 : i32
    %mul3A_1225 = arith.constant 128 : i32
    %mul3A_1226 = arith.muli %shift_right_logical3A_1224, %mul3A_1225 : i32
    %dma_start3A_1227 = arith.constant 0 : i32
    %dma_start3A_1228 = tpu.memref_slice %arg3[%dma_start3A_1227, %mul3A_1226] : memref<64x100000xf32, #tpu.memory_space<hbm>> -> memref<64x128xf32, #tpu.memory_space<hbm>>
    %dma_start3A_1229 = arith.constant 0 : i32
    %dma_start3A_1230 = tpu.memref_slice %arg3[%dma_start3A_1229, %mul3A_1226] : memref<64x100000xf32, #tpu.memory_space<hbm>> -> memref<64x128xf32, #tpu.memory_space<hbm>>
    tpu.enqueue_dma source(%dma_start3A_1230 : memref<64x128xf32, #tpu.memory_space<hbm>>) target(%arg10 : memref<64x128xf32, #tpu.memory_space<vmem>>) target_semaphore(%arg19 : memref<!tpu.dma_semaphore, #tpu.memory_space<semaphore_mem>>)
    %dma_wait3A_1231 = arith.constant 0 : i32
    %dma_wait3A_1232 = tpu.memref_slice %arg3[%dma_wait3A_1231, %mul3A_841] : memref<64x100000xf32, #tpu.memory_space<hbm>> -> memref<64x128xf32, #tpu.memory_space<hbm>>
    %dma_wait3A_1233 = arith.constant 0 : i32
    %dma_wait3A_1234 = tpu.memref_slice %arg3[%dma_wait3A_1233, %mul3A_841] : memref<64x100000xf32, #tpu.memory_space<hbm>> -> memref<64x128xf32, #tpu.memory_space<hbm>>
    tpu.wait_dma2 semaphore(%arg20 : memref<!tpu.dma_semaphore, #tpu.memory_space<semaphore_mem>>) src(%dma_wait3A_1234 : memref<64x128xf32, #tpu.memory_space<hbm>>) dst(%arg11 : memref<64x128xf32, #tpu.memory_space<vmem>>)
    %slice3A_1235 = vector.extract_strided_slice %get3A_5 {offsets = [5], sizes = [1], strides = [1]} : vector<16xi32> to vector<1xi32>
    %squeeze3A_1236 = vector.extract %slice3A_1235[0] : i32 from vector<1xi32>
    %and3A_1237 = arith.constant 127 : i32
    %and3A_1238 = arith.andi %squeeze3A_1236, %and3A_1237 : i32
    %broadcast_in_dim3A_1239 = vector.broadcast %and3A_1238 : i32 to vector<16xi32>
    %iota3A_1240 = tpu.iota {dimensions = array<i32: 0>} : vector<16xi32>
    %add3A_1241 = arith.constant 0 : i32
    %add3A_1242 = vector.broadcast %add3A_1241 : i32 to vector<16xi32>
    %add3A_1243 = arith.addi %iota3A_1240, %add3A_1242 : vector<16xi32>
    %gather3A_1244 = tpu.vector_load_idx %arg11[%add3A_1243, %broadcast_in_dim3A_1239] : memref<64x128xf32, #tpu.memory_space<vmem>>[vector<16xi32>, vector<16xi32>], vector<16xf32>,
    %swap3A_1245 = arith.constant 21 : i32
    %swap3A_1246 = arith.index_cast %swap3A_1245 : i32 to index
    %swap3A_1247 = arith.constant 0 : index
    %swap3A_1248 = tpu.vector_load %arg14[%swap3A_1246, %swap3A_1247] {strides = array<i32>} : memref<32x64xf32, #tpu.memory_space<vmem>>, vector<16xf32>,
    tpu.vector_store %arg14[%swap3A_1246, %swap3A_1247], %gather3A_1244 {strides = array<i32>} : memref<32x64xf32, #tpu.memory_space<vmem>>, vector<16xf32>,
    %iota3A_1249 = tpu.iota {dimensions = array<i32: 0>} : vector<16xi32>
    %add3A_1250 = arith.constant 16 : i32
    %add3A_1251 = vector.broadcast %add3A_1250 : i32 to vector<16xi32>
    %add3A_1252 = arith.addi %iota3A_1249, %add3A_1251 : vector<16xi32>
    %gather3A_1253 = tpu.vector_load_idx %arg11[%add3A_1252, %broadcast_in_dim3A_1239] : memref<64x128xf32, #tpu.memory_space<vmem>>[vector<16xi32>, vector<16xi32>], vector<16xf32>,
    %swap3A_1254 = arith.constant 21 : i32
    %swap3A_1255 = arith.index_cast %swap3A_1254 : i32 to index
    %swap3A_1256 = arith.constant 16 : index
    %swap3A_1257 = tpu.vector_load %arg14[%swap3A_1255, %swap3A_1256] {strides = array<i32>} : memref<32x64xf32, #tpu.memory_space<vmem>>, vector<16xf32>,
    tpu.vector_store %arg14[%swap3A_1255, %swap3A_1256], %gather3A_1253 {strides = array<i32>} : memref<32x64xf32, #tpu.memory_space<vmem>>, vector<16xf32>,
    %iota3A_1258 = tpu.iota {dimensions = array<i32: 0>} : vector<16xi32>
    %add3A_1259 = arith.constant 32 : i32
    %add3A_1260 = vector.broadcast %add3A_1259 : i32 to vector<16xi32>
    %add3A_1261 = arith.addi %iota3A_1258, %add3A_1260 : vector<16xi32>
    %gather3A_1262 = tpu.vector_load_idx %arg11[%add3A_1261, %broadcast_in_dim3A_1239] : memref<64x128xf32, #tpu.memory_space<vmem>>[vector<16xi32>, vector<16xi32>], vector<16xf32>,
    %swap3A_1263 = arith.constant 21 : i32
    %swap3A_1264 = arith.index_cast %swap3A_1263 : i32 to index
    %swap3A_1265 = arith.constant 32 : index
    %swap3A_1266 = tpu.vector_load %arg14[%swap3A_1264, %swap3A_1265] {strides = array<i32>} : memref<32x64xf32, #tpu.memory_space<vmem>>, vector<16xf32>,
    tpu.vector_store %arg14[%swap3A_1264, %swap3A_1265], %gather3A_1262 {strides = array<i32>} : memref<32x64xf32, #tpu.memory_space<vmem>>, vector<16xf32>,
    %iota3A_1267 = tpu.iota {dimensions = array<i32: 0>} : vector<16xi32>
    %add3A_1268 = arith.constant 48 : i32
    %add3A_1269 = vector.broadcast %add3A_1268 : i32 to vector<16xi32>
    %add3A_1270 = arith.addi %iota3A_1267, %add3A_1269 : vector<16xi32>
    %gather3A_1271 = tpu.vector_load_idx %arg11[%add3A_1270, %broadcast_in_dim3A_1239] : memref<64x128xf32, #tpu.memory_space<vmem>>[vector<16xi32>, vector<16xi32>], vector<16xf32>,
    %swap3A_1272 = arith.constant 21 : i32
    %swap3A_1273 = arith.index_cast %swap3A_1272 : i32 to index
    %swap3A_1274 = arith.constant 48 : index
    %swap3A_1275 = tpu.vector_load %arg14[%swap3A_1273, %swap3A_1274] {strides = array<i32>} : memref<32x64xf32, #tpu.memory_space<vmem>>, vector<16xf32>,
    tpu.vector_store %arg14[%swap3A_1273, %swap3A_1274], %gather3A_1271 {strides = array<i32>} : memref<32x64xf32, #tpu.memory_space<vmem>>, vector<16xf32>,
    %slice3A_1276 = vector.extract_strided_slice %get3A_5 {offsets = [13], sizes = [1], strides = [1]} : vector<16xi32> to vector<1xi32>
    %squeeze3A_1277 = vector.extract %slice3A_1276[0] : i32 from vector<1xi32>
    %shift_right_logical3A_1278 = arith.constant 7 : i32
    %shift_right_logical3A_1279 = arith.shrui %squeeze3A_1277, %shift_right_logical3A_1278 : i32
    %mul3A_1280 = arith.constant 128 : i32
    %mul3A_1281 = arith.muli %shift_right_logical3A_1279, %mul3A_1280 : i32
    %dma_start3A_1282 = arith.constant 0 : i32
    %dma_start3A_1283 = tpu.memref_slice %arg3[%dma_start3A_1282, %mul3A_1281] : memref<64x100000xf32, #tpu.memory_space<hbm>> -> memref<64x128xf32, #tpu.memory_space<hbm>>
    %dma_start3A_1284 = arith.constant 0 : i32
    %dma_start3A_1285 = tpu.memref_slice %arg3[%dma_start3A_1284, %mul3A_1281] : memref<64x100000xf32, #tpu.memory_space<hbm>> -> memref<64x128xf32, #tpu.memory_space<hbm>>
    tpu.enqueue_dma source(%dma_start3A_1285 : memref<64x128xf32, #tpu.memory_space<hbm>>) target(%arg11 : memref<64x128xf32, #tpu.memory_space<vmem>>) target_semaphore(%arg20 : memref<!tpu.dma_semaphore, #tpu.memory_space<semaphore_mem>>)
    %dma_wait3A_1286 = arith.constant 0 : i32
    %dma_wait3A_1287 = tpu.memref_slice %arg3[%dma_wait3A_1286, %mul3A_896] : memref<64x100000xf32, #tpu.memory_space<hbm>> -> memref<64x128xf32, #tpu.memory_space<hbm>>
    %dma_wait3A_1288 = arith.constant 0 : i32
    %dma_wait3A_1289 = tpu.memref_slice %arg3[%dma_wait3A_1288, %mul3A_896] : memref<64x100000xf32, #tpu.memory_space<hbm>> -> memref<64x128xf32, #tpu.memory_space<hbm>>
    tpu.wait_dma2 semaphore(%arg21 : memref<!tpu.dma_semaphore, #tpu.memory_space<semaphore_mem>>) src(%dma_wait3A_1289 : memref<64x128xf32, #tpu.memory_space<hbm>>) dst(%arg12 : memref<64x128xf32, #tpu.memory_space<vmem>>)
    %slice3A_1290 = vector.extract_strided_slice %get3A_5 {offsets = [6], sizes = [1], strides = [1]} : vector<16xi32> to vector<1xi32>
    %squeeze3A_1291 = vector.extract %slice3A_1290[0] : i32 from vector<1xi32>
    %and3A_1292 = arith.constant 127 : i32
    %and3A_1293 = arith.andi %squeeze3A_1291, %and3A_1292 : i32
    %broadcast_in_dim3A_1294 = vector.broadcast %and3A_1293 : i32 to vector<16xi32>
    %iota3A_1295 = tpu.iota {dimensions = array<i32: 0>} : vector<16xi32>
    %add3A_1296 = arith.constant 0 : i32
    %add3A_1297 = vector.broadcast %add3A_1296 : i32 to vector<16xi32>
    %add3A_1298 = arith.addi %iota3A_1295, %add3A_1297 : vector<16xi32>
    %gather3A_1299 = tpu.vector_load_idx %arg12[%add3A_1298, %broadcast_in_dim3A_1294] : memref<64x128xf32, #tpu.memory_space<vmem>>[vector<16xi32>, vector<16xi32>], vector<16xf32>,
    %swap3A_1300 = arith.constant 22 : i32
    %swap3A_1301 = arith.index_cast %swap3A_1300 : i32 to index
    %swap3A_1302 = arith.constant 0 : index
    %swap3A_1303 = tpu.vector_load %arg14[%swap3A_1301, %swap3A_1302] {strides = array<i32>} : memref<32x64xf32, #tpu.memory_space<vmem>>, vector<16xf32>,
    tpu.vector_store %arg14[%swap3A_1301, %swap3A_1302], %gather3A_1299 {strides = array<i32>} : memref<32x64xf32, #tpu.memory_space<vmem>>, vector<16xf32>,
    %iota3A_1304 = tpu.iota {dimensions = array<i32: 0>} : vector<16xi32>
    %add3A_1305 = arith.constant 16 : i32
    %add3A_1306 = vector.broadcast %add3A_1305 : i32 to vector<16xi32>
    %add3A_1307 = arith.addi %iota3A_1304, %add3A_1306 : vector<16xi32>
    %gather3A_1308 = tpu.vector_load_idx %arg12[%add3A_1307, %broadcast_in_dim3A_1294] : memref<64x128xf32, #tpu.memory_space<vmem>>[vector<16xi32>, vector<16xi32>], vector<16xf32>,
    %swap3A_1309 = arith.constant 22 : i32
    %swap3A_1310 = arith.index_cast %swap3A_1309 : i32 to index
    %swap3A_1311 = arith.constant 16 : index
    %swap3A_1312 = tpu.vector_load %arg14[%swap3A_1310, %swap3A_1311] {strides = array<i32>} : memref<32x64xf32, #tpu.memory_space<vmem>>, vector<16xf32>,
    tpu.vector_store %arg14[%swap3A_1310, %swap3A_1311], %gather3A_1308 {strides = array<i32>} : memref<32x64xf32, #tpu.memory_space<vmem>>, vector<16xf32>,
    %iota3A_1313 = tpu.iota {dimensions = array<i32: 0>} : vector<16xi32>
    %add3A_1314 = arith.constant 32 : i32
    %add3A_1315 = vector.broadcast %add3A_1314 : i32 to vector<16xi32>
    %add3A_1316 = arith.addi %iota3A_1313, %add3A_1315 : vector<16xi32>
    %gather3A_1317 = tpu.vector_load_idx %arg12[%add3A_1316, %broadcast_in_dim3A_1294] : memref<64x128xf32, #tpu.memory_space<vmem>>[vector<16xi32>, vector<16xi32>], vector<16xf32>,
    %swap3A_1318 = arith.constant 22 : i32
    %swap3A_1319 = arith.index_cast %swap3A_1318 : i32 to index
    %swap3A_1320 = arith.constant 32 : index
    %swap3A_1321 = tpu.vector_load %arg14[%swap3A_1319, %swap3A_1320] {strides = array<i32>} : memref<32x64xf32, #tpu.memory_space<vmem>>, vector<16xf32>,
    tpu.vector_store %arg14[%swap3A_1319, %swap3A_1320], %gather3A_1317 {strides = array<i32>} : memref<32x64xf32, #tpu.memory_space<vmem>>, vector<16xf32>,
    %iota3A_1322 = tpu.iota {dimensions = array<i32: 0>} : vector<16xi32>
    %add3A_1323 = arith.constant 48 : i32
    %add3A_1324 = vector.broadcast %add3A_1323 : i32 to vector<16xi32>
    %add3A_1325 = arith.addi %iota3A_1322, %add3A_1324 : vector<16xi32>
    %gather3A_1326 = tpu.vector_load_idx %arg12[%add3A_1325, %broadcast_in_dim3A_1294] : memref<64x128xf32, #tpu.memory_space<vmem>>[vector<16xi32>, vector<16xi32>], vector<16xf32>,
    %swap3A_1327 = arith.constant 22 : i32
    %swap3A_1328 = arith.index_cast %swap3A_1327 : i32 to index
    %swap3A_1329 = arith.constant 48 : index
    %swap3A_1330 = tpu.vector_load %arg14[%swap3A_1328, %swap3A_1329] {strides = array<i32>} : memref<32x64xf32, #tpu.memory_space<vmem>>, vector<16xf32>,
    tpu.vector_store %arg14[%swap3A_1328, %swap3A_1329], %gather3A_1326 {strides = array<i32>} : memref<32x64xf32, #tpu.memory_space<vmem>>, vector<16xf32>,
    %slice3A_1331 = vector.extract_strided_slice %get3A_5 {offsets = [14], sizes = [1], strides = [1]} : vector<16xi32> to vector<1xi32>
    %squeeze3A_1332 = vector.extract %slice3A_1331[0] : i32 from vector<1xi32>
    %shift_right_logical3A_1333 = arith.constant 7 : i32
    %shift_right_logical3A_1334 = arith.shrui %squeeze3A_1332, %shift_right_logical3A_1333 : i32
    %mul3A_1335 = arith.constant 128 : i32
    %mul3A_1336 = arith.muli %shift_right_logical3A_1334, %mul3A_1335 : i32
    %dma_start3A_1337 = arith.constant 0 : i32
    %dma_start3A_1338 = tpu.memref_slice %arg3[%dma_start3A_1337, %mul3A_1336] : memref<64x100000xf32, #tpu.memory_space<hbm>> -> memref<64x128xf32, #tpu.memory_space<hbm>>
    %dma_start3A_1339 = arith.constant 0 : i32
    %dma_start3A_1340 = tpu.memref_slice %arg3[%dma_start3A_1339, %mul3A_1336] : memref<64x100000xf32, #tpu.memory_space<hbm>> -> memref<64x128xf32, #tpu.memory_space<hbm>>
    tpu.enqueue_dma source(%dma_start3A_1340 : memref<64x128xf32, #tpu.memory_space<hbm>>) target(%arg12 : memref<64x128xf32, #tpu.memory_space<vmem>>) target_semaphore(%arg21 : memref<!tpu.dma_semaphore, #tpu.memory_space<semaphore_mem>>)
    %dma_wait3A_1341 = arith.constant 0 : i32
    %dma_wait3A_1342 = tpu.memref_slice %arg3[%dma_wait3A_1341, %mul3A_951] : memref<64x100000xf32, #tpu.memory_space<hbm>> -> memref<64x128xf32, #tpu.memory_space<hbm>>
    %dma_wait3A_1343 = arith.constant 0 : i32
    %dma_wait3A_1344 = tpu.memref_slice %arg3[%dma_wait3A_1343, %mul3A_951] : memref<64x100000xf32, #tpu.memory_space<hbm>> -> memref<64x128xf32, #tpu.memory_space<hbm>>
    tpu.wait_dma2 semaphore(%arg22 : memref<!tpu.dma_semaphore, #tpu.memory_space<semaphore_mem>>) src(%dma_wait3A_1344 : memref<64x128xf32, #tpu.memory_space<hbm>>) dst(%arg13 : memref<64x128xf32, #tpu.memory_space<vmem>>)
    %slice3A_1345 = vector.extract_strided_slice %get3A_5 {offsets = [7], sizes = [1], strides = [1]} : vector<16xi32> to vector<1xi32>
    %squeeze3A_1346 = vector.extract %slice3A_1345[0] : i32 from vector<1xi32>
    %and3A_1347 = arith.constant 127 : i32
    %and3A_1348 = arith.andi %squeeze3A_1346, %and3A_1347 : i32
    %broadcast_in_dim3A_1349 = vector.broadcast %and3A_1348 : i32 to vector<16xi32>
    %iota3A_1350 = tpu.iota {dimensions = array<i32: 0>} : vector<16xi32>
    %add3A_1351 = arith.constant 0 : i32
    %add3A_1352 = vector.broadcast %add3A_1351 : i32 to vector<16xi32>
    %add3A_1353 = arith.addi %iota3A_1350, %add3A_1352 : vector<16xi32>
    %gather3A_1354 = tpu.vector_load_idx %arg13[%add3A_1353, %broadcast_in_dim3A_1349] : memref<64x128xf32, #tpu.memory_space<vmem>>[vector<16xi32>, vector<16xi32>], vector<16xf32>,
    %swap3A_1355 = arith.constant 23 : i32
    %swap3A_1356 = arith.index_cast %swap3A_1355 : i32 to index
    %swap3A_1357 = arith.constant 0 : index
    %swap3A_1358 = tpu.vector_load %arg14[%swap3A_1356, %swap3A_1357] {strides = array<i32>} : memref<32x64xf32, #tpu.memory_space<vmem>>, vector<16xf32>,
    tpu.vector_store %arg14[%swap3A_1356, %swap3A_1357], %gather3A_1354 {strides = array<i32>} : memref<32x64xf32, #tpu.memory_space<vmem>>, vector<16xf32>,
    %iota3A_1359 = tpu.iota {dimensions = array<i32: 0>} : vector<16xi32>
    %add3A_1360 = arith.constant 16 : i32
    %add3A_1361 = vector.broadcast %add3A_1360 : i32 to vector<16xi32>
    %add3A_1362 = arith.addi %iota3A_1359, %add3A_1361 : vector<16xi32>
    %gather3A_1363 = tpu.vector_load_idx %arg13[%add3A_1362, %broadcast_in_dim3A_1349] : memref<64x128xf32, #tpu.memory_space<vmem>>[vector<16xi32>, vector<16xi32>], vector<16xf32>,
    %swap3A_1364 = arith.constant 23 : i32
    %swap3A_1365 = arith.index_cast %swap3A_1364 : i32 to index
    %swap3A_1366 = arith.constant 16 : index
    %swap3A_1367 = tpu.vector_load %arg14[%swap3A_1365, %swap3A_1366] {strides = array<i32>} : memref<32x64xf32, #tpu.memory_space<vmem>>, vector<16xf32>,
    tpu.vector_store %arg14[%swap3A_1365, %swap3A_1366], %gather3A_1363 {strides = array<i32>} : memref<32x64xf32, #tpu.memory_space<vmem>>, vector<16xf32>,
    %iota3A_1368 = tpu.iota {dimensions = array<i32: 0>} : vector<16xi32>
    %add3A_1369 = arith.constant 32 : i32
    %add3A_1370 = vector.broadcast %add3A_1369 : i32 to vector<16xi32>
    %add3A_1371 = arith.addi %iota3A_1368, %add3A_1370 : vector<16xi32>
    %gather3A_1372 = tpu.vector_load_idx %arg13[%add3A_1371, %broadcast_in_dim3A_1349] : memref<64x128xf32, #tpu.memory_space<vmem>>[vector<16xi32>, vector<16xi32>], vector<16xf32>,
    %swap3A_1373 = arith.constant 23 : i32
    %swap3A_1374 = arith.index_cast %swap3A_1373 : i32 to index
    %swap3A_1375 = arith.constant 32 : index
    %swap3A_1376 = tpu.vector_load %arg14[%swap3A_1374, %swap3A_1375] {strides = array<i32>} : memref<32x64xf32, #tpu.memory_space<vmem>>, vector<16xf32>,
    tpu.vector_store %arg14[%swap3A_1374, %swap3A_1375], %gather3A_1372 {strides = array<i32>} : memref<32x64xf32, #tpu.memory_space<vmem>>, vector<16xf32>,
    %iota3A_1377 = tpu.iota {dimensions = array<i32: 0>} : vector<16xi32>
    %add3A_1378 = arith.constant 48 : i32
    %add3A_1379 = vector.broadcast %add3A_1378 : i32 to vector<16xi32>
    %add3A_1380 = arith.addi %iota3A_1377, %add3A_1379 : vector<16xi32>
    %gather3A_1381 = tpu.vector_load_idx %arg13[%add3A_1380, %broadcast_in_dim3A_1349] : memref<64x128xf32, #tpu.memory_space<vmem>>[vector<16xi32>, vector<16xi32>], vector<16xf32>,
    %swap3A_1382 = arith.constant 23 : i32
    %swap3A_1383 = arith.index_cast %swap3A_1382 : i32 to index
    %swap3A_1384 = arith.constant 48 : index
    %swap3A_1385 = tpu.vector_load %arg14[%swap3A_1383, %swap3A_1384] {strides = array<i32>} : memref<32x64xf32, #tpu.memory_space<vmem>>, vector<16xf32>,
    tpu.vector_store %arg14[%swap3A_1383, %swap3A_1384], %gather3A_1381 {strides = array<i32>} : memref<32x64xf32, #tpu.memory_space<vmem>>, vector<16xf32>,
    %slice3A_1386 = vector.extract_strided_slice %get3A_5 {offsets = [15], sizes = [1], strides = [1]} : vector<16xi32> to vector<1xi32>
    %squeeze3A_1387 = vector.extract %slice3A_1386[0] : i32 from vector<1xi32>
    %shift_right_logical3A_1388 = arith.constant 7 : i32
    %shift_right_logical3A_1389 = arith.shrui %squeeze3A_1387, %shift_right_logical3A_1388 : i32
    %mul3A_1390 = arith.constant 128 : i32
    %mul3A_1391 = arith.muli %shift_right_logical3A_1389, %mul3A_1390 : i32
    %dma_start3A_1392 = arith.constant 0 : i32
    %dma_start3A_1393 = tpu.memref_slice %arg3[%dma_start3A_1392, %mul3A_1391] : memref<64x100000xf32, #tpu.memory_space<hbm>> -> memref<64x128xf32, #tpu.memory_space<hbm>>
    %dma_start3A_1394 = arith.constant 0 : i32
    %dma_start3A_1395 = tpu.memref_slice %arg3[%dma_start3A_1394, %mul3A_1391] : memref<64x100000xf32, #tpu.memory_space<hbm>> -> memref<64x128xf32, #tpu.memory_space<hbm>>
    tpu.enqueue_dma source(%dma_start3A_1395 : memref<64x128xf32, #tpu.memory_space<hbm>>) target(%arg13 : memref<64x128xf32, #tpu.memory_space<vmem>>) target_semaphore(%arg22 : memref<!tpu.dma_semaphore, #tpu.memory_space<semaphore_mem>>)
    %dma_wait3A_1396 = arith.constant 0 : i32
    %dma_wait3A_1397 = tpu.memref_slice %arg3[%dma_wait3A_1396, %mul3A_1006] : memref<64x100000xf32, #tpu.memory_space<hbm>> -> memref<64x128xf32, #tpu.memory_space<hbm>>
    %dma_wait3A_1398 = arith.constant 0 : i32
    %dma_wait3A_1399 = tpu.memref_slice %arg3[%dma_wait3A_1398, %mul3A_1006] : memref<64x100000xf32, #tpu.memory_space<hbm>> -> memref<64x128xf32, #tpu.memory_space<hbm>>
    tpu.wait_dma2 semaphore(%arg15 : memref<!tpu.dma_semaphore, #tpu.memory_space<semaphore_mem>>) src(%dma_wait3A_1399 : memref<64x128xf32, #tpu.memory_space<hbm>>) dst(%arg6 : memref<64x128xf32, #tpu.memory_space<vmem>>)
    %slice3A_1400 = vector.extract_strided_slice %get3A_5 {offsets = [8], sizes = [1], strides = [1]} : vector<16xi32> to vector<1xi32>
    %squeeze3A_1401 = vector.extract %slice3A_1400[0] : i32 from vector<1xi32>
    %and3A_1402 = arith.constant 127 : i32
    %and3A_1403 = arith.andi %squeeze3A_1401, %and3A_1402 : i32
    %broadcast_in_dim3A_1404 = vector.broadcast %and3A_1403 : i32 to vector<16xi32>
    %iota3A_1405 = tpu.iota {dimensions = array<i32: 0>} : vector<16xi32>
    %add3A_1406 = arith.constant 0 : i32
    %add3A_1407 = vector.broadcast %add3A_1406 : i32 to vector<16xi32>
    %add3A_1408 = arith.addi %iota3A_1405, %add3A_1407 : vector<16xi32>
    %gather3A_1409 = tpu.vector_load_idx %arg6[%add3A_1408, %broadcast_in_dim3A_1404] : memref<64x128xf32, #tpu.memory_space<vmem>>[vector<16xi32>, vector<16xi32>], vector<16xf32>,
    %swap3A_1410 = arith.constant 24 : i32
    %swap3A_1411 = arith.index_cast %swap3A_1410 : i32 to index
    %swap3A_1412 = arith.constant 0 : index
    %swap3A_1413 = tpu.vector_load %arg14[%swap3A_1411, %swap3A_1412] {strides = array<i32>} : memref<32x64xf32, #tpu.memory_space<vmem>>, vector<16xf32>,
    tpu.vector_store %arg14[%swap3A_1411, %swap3A_1412], %gather3A_1409 {strides = array<i32>} : memref<32x64xf32, #tpu.memory_space<vmem>>, vector<16xf32>,
    %iota3A_1414 = tpu.iota {dimensions = array<i32: 0>} : vector<16xi32>
    %add3A_1415 = arith.constant 16 : i32
    %add3A_1416 = vector.broadcast %add3A_1415 : i32 to vector<16xi32>
    %add3A_1417 = arith.addi %iota3A_1414, %add3A_1416 : vector<16xi32>
    %gather3A_1418 = tpu.vector_load_idx %arg6[%add3A_1417, %broadcast_in_dim3A_1404] : memref<64x128xf32, #tpu.memory_space<vmem>>[vector<16xi32>, vector<16xi32>], vector<16xf32>,
    %swap3A_1419 = arith.constant 24 : i32
    %swap3A_1420 = arith.index_cast %swap3A_1419 : i32 to index
    %swap3A_1421 = arith.constant 16 : index
    %swap3A_1422 = tpu.vector_load %arg14[%swap3A_1420, %swap3A_1421] {strides = array<i32>} : memref<32x64xf32, #tpu.memory_space<vmem>>, vector<16xf32>,
    tpu.vector_store %arg14[%swap3A_1420, %swap3A_1421], %gather3A_1418 {strides = array<i32>} : memref<32x64xf32, #tpu.memory_space<vmem>>, vector<16xf32>,
    %iota3A_1423 = tpu.iota {dimensions = array<i32: 0>} : vector<16xi32>
    %add3A_1424 = arith.constant 32 : i32
    %add3A_1425 = vector.broadcast %add3A_1424 : i32 to vector<16xi32>
    %add3A_1426 = arith.addi %iota3A_1423, %add3A_1425 : vector<16xi32>
    %gather3A_1427 = tpu.vector_load_idx %arg6[%add3A_1426, %broadcast_in_dim3A_1404] : memref<64x128xf32, #tpu.memory_space<vmem>>[vector<16xi32>, vector<16xi32>], vector<16xf32>,
    %swap3A_1428 = arith.constant 24 : i32
    %swap3A_1429 = arith.index_cast %swap3A_1428 : i32 to index
    %swap3A_1430 = arith.constant 32 : index
    %swap3A_1431 = tpu.vector_load %arg14[%swap3A_1429, %swap3A_1430] {strides = array<i32>} : memref<32x64xf32, #tpu.memory_space<vmem>>, vector<16xf32>,
    tpu.vector_store %arg14[%swap3A_1429, %swap3A_1430], %gather3A_1427 {strides = array<i32>} : memref<32x64xf32, #tpu.memory_space<vmem>>, vector<16xf32>,
    %iota3A_1432 = tpu.iota {dimensions = array<i32: 0>} : vector<16xi32>
    %add3A_1433 = arith.constant 48 : i32
    %add3A_1434 = vector.broadcast %add3A_1433 : i32 to vector<16xi32>
    %add3A_1435 = arith.addi %iota3A_1432, %add3A_1434 : vector<16xi32>
    %gather3A_1436 = tpu.vector_load_idx %arg6[%add3A_1435, %broadcast_in_dim3A_1404] : memref<64x128xf32, #tpu.memory_space<vmem>>[vector<16xi32>, vector<16xi32>], vector<16xf32>,
    %swap3A_1437 = arith.constant 24 : i32
    %swap3A_1438 = arith.index_cast %swap3A_1437 : i32 to index
    %swap3A_1439 = arith.constant 48 : index
    %swap3A_1440 = tpu.vector_load %arg14[%swap3A_1438, %swap3A_1439] {strides = array<i32>} : memref<32x64xf32, #tpu.memory_space<vmem>>, vector<16xf32>,
    tpu.vector_store %arg14[%swap3A_1438, %swap3A_1439], %gather3A_1436 {strides = array<i32>} : memref<32x64xf32, #tpu.memory_space<vmem>>, vector<16xf32>,
    %dma_wait3A_1441 = arith.constant 0 : i32
    %dma_wait3A_1442 = tpu.memref_slice %arg3[%dma_wait3A_1441, %mul3A_1061] : memref<64x100000xf32, #tpu.memory_space<hbm>> -> memref<64x128xf32, #tpu.memory_space<hbm>>
    %dma_wait3A_1443 = arith.constant 0 : i32
    %dma_wait3A_1444 = tpu.memref_slice %arg3[%dma_wait3A_1443, %mul3A_1061] : memref<64x100000xf32, #tpu.memory_space<hbm>> -> memref<64x128xf32, #tpu.memory_space<hbm>>
    tpu.wait_dma2 semaphore(%arg16 : memref<!tpu.dma_semaphore, #tpu.memory_space<semaphore_mem>>) src(%dma_wait3A_1444 : memref<64x128xf32, #tpu.memory_space<hbm>>) dst(%arg7 : memref<64x128xf32, #tpu.memory_space<vmem>>)
    %slice3A_1445 = vector.extract_strided_slice %get3A_5 {offsets = [9], sizes = [1], strides = [1]} : vector<16xi32> to vector<1xi32>
    %squeeze3A_1446 = vector.extract %slice3A_1445[0] : i32 from vector<1xi32>
    %and3A_1447 = arith.constant 127 : i32
    %and3A_1448 = arith.andi %squeeze3A_1446, %and3A_1447 : i32
    %broadcast_in_dim3A_1449 = vector.broadcast %and3A_1448 : i32 to vector<16xi32>
    %iota3A_1450 = tpu.iota {dimensions = array<i32: 0>} : vector<16xi32>
    %add3A_1451 = arith.constant 0 : i32
    %add3A_1452 = vector.broadcast %add3A_1451 : i32 to vector<16xi32>
    %add3A_1453 = arith.addi %iota3A_1450, %add3A_1452 : vector<16xi32>
    %gather3A_1454 = tpu.vector_load_idx %arg7[%add3A_1453, %broadcast_in_dim3A_1449] : memref<64x128xf32, #tpu.memory_space<vmem>>[vector<16xi32>, vector<16xi32>], vector<16xf32>,
    %swap3A_1455 = arith.constant 25 : i32
    %swap3A_1456 = arith.index_cast %swap3A_1455 : i32 to index
    %swap3A_1457 = arith.constant 0 : index
    %swap3A_1458 = tpu.vector_load %arg14[%swap3A_1456, %swap3A_1457] {strides = array<i32>} : memref<32x64xf32, #tpu.memory_space<vmem>>, vector<16xf32>,
    tpu.vector_store %arg14[%swap3A_1456, %swap3A_1457], %gather3A_1454 {strides = array<i32>} : memref<32x64xf32, #tpu.memory_space<vmem>>, vector<16xf32>,
    %iota3A_1459 = tpu.iota {dimensions = array<i32: 0>} : vector<16xi32>
    %add3A_1460 = arith.constant 16 : i32
    %add3A_1461 = vector.broadcast %add3A_1460 : i32 to vector<16xi32>
    %add3A_1462 = arith.addi %iota3A_1459, %add3A_1461 : vector<16xi32>
    %gather3A_1463 = tpu.vector_load_idx %arg7[%add3A_1462, %broadcast_in_dim3A_1449] : memref<64x128xf32, #tpu.memory_space<vmem>>[vector<16xi32>, vector<16xi32>], vector<16xf32>,
    %swap3A_1464 = arith.constant 25 : i32
    %swap3A_1465 = arith.index_cast %swap3A_1464 : i32 to index
    %swap3A_1466 = arith.constant 16 : index
    %swap3A_1467 = tpu.vector_load %arg14[%swap3A_1465, %swap3A_1466] {strides = array<i32>} : memref<32x64xf32, #tpu.memory_space<vmem>>, vector<16xf32>,
    tpu.vector_store %arg14[%swap3A_1465, %swap3A_1466], %gather3A_1463 {strides = array<i32>} : memref<32x64xf32, #tpu.memory_space<vmem>>, vector<16xf32>,
    %iota3A_1468 = tpu.iota {dimensions = array<i32: 0>} : vector<16xi32>
    %add3A_1469 = arith.constant 32 : i32
    %add3A_1470 = vector.broadcast %add3A_1469 : i32 to vector<16xi32>
    %add3A_1471 = arith.addi %iota3A_1468, %add3A_1470 : vector<16xi32>
    %gather3A_1472 = tpu.vector_load_idx %arg7[%add3A_1471, %broadcast_in_dim3A_1449] : memref<64x128xf32, #tpu.memory_space<vmem>>[vector<16xi32>, vector<16xi32>], vector<16xf32>,
    %swap3A_1473 = arith.constant 25 : i32
    %swap3A_1474 = arith.index_cast %swap3A_1473 : i32 to index
    %swap3A_1475 = arith.constant 32 : index
    %swap3A_1476 = tpu.vector_load %arg14[%swap3A_1474, %swap3A_1475] {strides = array<i32>} : memref<32x64xf32, #tpu.memory_space<vmem>>, vector<16xf32>,
    tpu.vector_store %arg14[%swap3A_1474, %swap3A_1475], %gather3A_1472 {strides = array<i32>} : memref<32x64xf32, #tpu.memory_space<vmem>>, vector<16xf32>,
    %iota3A_1477 = tpu.iota {dimensions = array<i32: 0>} : vector<16xi32>
    %add3A_1478 = arith.constant 48 : i32
    %add3A_1479 = vector.broadcast %add3A_1478 : i32 to vector<16xi32>
    %add3A_1480 = arith.addi %iota3A_1477, %add3A_1479 : vector<16xi32>
    %gather3A_1481 = tpu.vector_load_idx %arg7[%add3A_1480, %broadcast_in_dim3A_1449] : memref<64x128xf32, #tpu.memory_space<vmem>>[vector<16xi32>, vector<16xi32>], vector<16xf32>,
    %swap3A_1482 = arith.constant 25 : i32
    %swap3A_1483 = arith.index_cast %swap3A_1482 : i32 to index
    %swap3A_1484 = arith.constant 48 : index
    %swap3A_1485 = tpu.vector_load %arg14[%swap3A_1483, %swap3A_1484] {strides = array<i32>} : memref<32x64xf32, #tpu.memory_space<vmem>>, vector<16xf32>,
    tpu.vector_store %arg14[%swap3A_1483, %swap3A_1484], %gather3A_1481 {strides = array<i32>} : memref<32x64xf32, #tpu.memory_space<vmem>>, vector<16xf32>,
    %dma_wait3A_1486 = arith.constant 0 : i32
    %dma_wait3A_1487 = tpu.memref_slice %arg3[%dma_wait3A_1486, %mul3A_1116] : memref<64x100000xf32, #tpu.memory_space<hbm>> -> memref<64x128xf32, #tpu.memory_space<hbm>>
    %dma_wait3A_1488 = arith.constant 0 : i32
    %dma_wait3A_1489 = tpu.memref_slice %arg3[%dma_wait3A_1488, %mul3A_1116] : memref<64x100000xf32, #tpu.memory_space<hbm>> -> memref<64x128xf32, #tpu.memory_space<hbm>>
    tpu.wait_dma2 semaphore(%arg17 : memref<!tpu.dma_semaphore, #tpu.memory_space<semaphore_mem>>) src(%dma_wait3A_1489 : memref<64x128xf32, #tpu.memory_space<hbm>>) dst(%arg8 : memref<64x128xf32, #tpu.memory_space<vmem>>)
    %slice3A_1490 = vector.extract_strided_slice %get3A_5 {offsets = [10], sizes = [1], strides = [1]} : vector<16xi32> to vector<1xi32>
    %squeeze3A_1491 = vector.extract %slice3A_1490[0] : i32 from vector<1xi32>
    %and3A_1492 = arith.constant 127 : i32
    %and3A_1493 = arith.andi %squeeze3A_1491, %and3A_1492 : i32
    %broadcast_in_dim3A_1494 = vector.broadcast %and3A_1493 : i32 to vector<16xi32>
    %iota3A_1495 = tpu.iota {dimensions = array<i32: 0>} : vector<16xi32>
    %add3A_1496 = arith.constant 0 : i32
    %add3A_1497 = vector.broadcast %add3A_1496 : i32 to vector<16xi32>
    %add3A_1498 = arith.addi %iota3A_1495, %add3A_1497 : vector<16xi32>
    %gather3A_1499 = tpu.vector_load_idx %arg8[%add3A_1498, %broadcast_in_dim3A_1494] : memref<64x128xf32, #tpu.memory_space<vmem>>[vector<16xi32>, vector<16xi32>], vector<16xf32>,
    %swap3A_1500 = arith.constant 26 : i32
    %swap3A_1501 = arith.index_cast %swap3A_1500 : i32 to index
    %swap3A_1502 = arith.constant 0 : index
    %swap3A_1503 = tpu.vector_load %arg14[%swap3A_1501, %swap3A_1502] {strides = array<i32>} : memref<32x64xf32, #tpu.memory_space<vmem>>, vector<16xf32>,
    tpu.vector_store %arg14[%swap3A_1501, %swap3A_1502], %gather3A_1499 {strides = array<i32>} : memref<32x64xf32, #tpu.memory_space<vmem>>, vector<16xf32>,
    %iota3A_1504 = tpu.iota {dimensions = array<i32: 0>} : vector<16xi32>
    %add3A_1505 = arith.constant 16 : i32
    %add3A_1506 = vector.broadcast %add3A_1505 : i32 to vector<16xi32>
    %add3A_1507 = arith.addi %iota3A_1504, %add3A_1506 : vector<16xi32>
    %gather3A_1508 = tpu.vector_load_idx %arg8[%add3A_1507, %broadcast_in_dim3A_1494] : memref<64x128xf32, #tpu.memory_space<vmem>>[vector<16xi32>, vector<16xi32>], vector<16xf32>,
    %swap3A_1509 = arith.constant 26 : i32
    %swap3A_1510 = arith.index_cast %swap3A_1509 : i32 to index
    %swap3A_1511 = arith.constant 16 : index
    %swap3A_1512 = tpu.vector_load %arg14[%swap3A_1510, %swap3A_1511] {strides = array<i32>} : memref<32x64xf32, #tpu.memory_space<vmem>>, vector<16xf32>,
    tpu.vector_store %arg14[%swap3A_1510, %swap3A_1511], %gather3A_1508 {strides = array<i32>} : memref<32x64xf32, #tpu.memory_space<vmem>>, vector<16xf32>,
    %iota3A_1513 = tpu.iota {dimensions = array<i32: 0>} : vector<16xi32>
    %add3A_1514 = arith.constant 32 : i32
    %add3A_1515 = vector.broadcast %add3A_1514 : i32 to vector<16xi32>
    %add3A_1516 = arith.addi %iota3A_1513, %add3A_1515 : vector<16xi32>
    %gather3A_1517 = tpu.vector_load_idx %arg8[%add3A_1516, %broadcast_in_dim3A_1494] : memref<64x128xf32, #tpu.memory_space<vmem>>[vector<16xi32>, vector<16xi32>], vector<16xf32>,
    %swap3A_1518 = arith.constant 26 : i32
    %swap3A_1519 = arith.index_cast %swap3A_1518 : i32 to index
    %swap3A_1520 = arith.constant 32 : index
    %swap3A_1521 = tpu.vector_load %arg14[%swap3A_1519, %swap3A_1520] {strides = array<i32>} : memref<32x64xf32, #tpu.memory_space<vmem>>, vector<16xf32>,
    tpu.vector_store %arg14[%swap3A_1519, %swap3A_1520], %gather3A_1517 {strides = array<i32>} : memref<32x64xf32, #tpu.memory_space<vmem>>, vector<16xf32>,
    %iota3A_1522 = tpu.iota {dimensions = array<i32: 0>} : vector<16xi32>
    %add3A_1523 = arith.constant 48 : i32
    %add3A_1524 = vector.broadcast %add3A_1523 : i32 to vector<16xi32>
    %add3A_1525 = arith.addi %iota3A_1522, %add3A_1524 : vector<16xi32>
    %gather3A_1526 = tpu.vector_load_idx %arg8[%add3A_1525, %broadcast_in_dim3A_1494] : memref<64x128xf32, #tpu.memory_space<vmem>>[vector<16xi32>, vector<16xi32>], vector<16xf32>,
    %swap3A_1527 = arith.constant 26 : i32
    %swap3A_1528 = arith.index_cast %swap3A_1527 : i32 to index
    %swap3A_1529 = arith.constant 48 : index
    %swap3A_1530 = tpu.vector_load %arg14[%swap3A_1528, %swap3A_1529] {strides = array<i32>} : memref<32x64xf32, #tpu.memory_space<vmem>>, vector<16xf32>,
    tpu.vector_store %arg14[%swap3A_1528, %swap3A_1529], %gather3A_1526 {strides = array<i32>} : memref<32x64xf32, #tpu.memory_space<vmem>>, vector<16xf32>,
    %dma_wait3A_1531 = arith.constant 0 : i32
    %dma_wait3A_1532 = tpu.memref_slice %arg3[%dma_wait3A_1531, %mul3A_1171] : memref<64x100000xf32, #tpu.memory_space<hbm>> -> memref<64x128xf32, #tpu.memory_space<hbm>>
    %dma_wait3A_1533 = arith.constant 0 : i32
    %dma_wait3A_1534 = tpu.memref_slice %arg3[%dma_wait3A_1533, %mul3A_1171] : memref<64x100000xf32, #tpu.memory_space<hbm>> -> memref<64x128xf32, #tpu.memory_space<hbm>>
    tpu.wait_dma2 semaphore(%arg18 : memref<!tpu.dma_semaphore, #tpu.memory_space<semaphore_mem>>) src(%dma_wait3A_1534 : memref<64x128xf32, #tpu.memory_space<hbm>>) dst(%arg9 : memref<64x128xf32, #tpu.memory_space<vmem>>)
    %slice3A_1535 = vector.extract_strided_slice %get3A_5 {offsets = [11], sizes = [1], strides = [1]} : vector<16xi32> to vector<1xi32>
    %squeeze3A_1536 = vector.extract %slice3A_1535[0] : i32 from vector<1xi32>
    %and3A_1537 = arith.constant 127 : i32
    %and3A_1538 = arith.andi %squeeze3A_1536, %and3A_1537 : i32
    %broadcast_in_dim3A_1539 = vector.broadcast %and3A_1538 : i32 to vector<16xi32>
    %iota3A_1540 = tpu.iota {dimensions = array<i32: 0>} : vector<16xi32>
    %add3A_1541 = arith.constant 0 : i32
    %add3A_1542 = vector.broadcast %add3A_1541 : i32 to vector<16xi32>
    %add3A_1543 = arith.addi %iota3A_1540, %add3A_1542 : vector<16xi32>
    %gather3A_1544 = tpu.vector_load_idx %arg9[%add3A_1543, %broadcast_in_dim3A_1539] : memref<64x128xf32, #tpu.memory_space<vmem>>[vector<16xi32>, vector<16xi32>], vector<16xf32>,
    %swap3A_1545 = arith.constant 27 : i32
    %swap3A_1546 = arith.index_cast %swap3A_1545 : i32 to index
    %swap3A_1547 = arith.constant 0 : index
    %swap3A_1548 = tpu.vector_load %arg14[%swap3A_1546, %swap3A_1547] {strides = array<i32>} : memref<32x64xf32, #tpu.memory_space<vmem>>, vector<16xf32>,
    tpu.vector_store %arg14[%swap3A_1546, %swap3A_1547], %gather3A_1544 {strides = array<i32>} : memref<32x64xf32, #tpu.memory_space<vmem>>, vector<16xf32>,
    %iota3A_1549 = tpu.iota {dimensions = array<i32: 0>} : vector<16xi32>
    %add3A_1550 = arith.constant 16 : i32
    %add3A_1551 = vector.broadcast %add3A_1550 : i32 to vector<16xi32>
    %add3A_1552 = arith.addi %iota3A_1549, %add3A_1551 : vector<16xi32>
    %gather3A_1553 = tpu.vector_load_idx %arg9[%add3A_1552, %broadcast_in_dim3A_1539] : memref<64x128xf32, #tpu.memory_space<vmem>>[vector<16xi32>, vector<16xi32>], vector<16xf32>,
    %swap3A_1554 = arith.constant 27 : i32
    %swap3A_1555 = arith.index_cast %swap3A_1554 : i32 to index
    %swap3A_1556 = arith.constant 16 : index
    %swap3A_1557 = tpu.vector_load %arg14[%swap3A_1555, %swap3A_1556] {strides = array<i32>} : memref<32x64xf32, #tpu.memory_space<vmem>>, vector<16xf32>,
    tpu.vector_store %arg14[%swap3A_1555, %swap3A_1556], %gather3A_1553 {strides = array<i32>} : memref<32x64xf32, #tpu.memory_space<vmem>>, vector<16xf32>,
    %iota3A_1558 = tpu.iota {dimensions = array<i32: 0>} : vector<16xi32>
    %add3A_1559 = arith.constant 32 : i32
    %add3A_1560 = vector.broadcast %add3A_1559 : i32 to vector<16xi32>
    %add3A_1561 = arith.addi %iota3A_1558, %add3A_1560 : vector<16xi32>
    %gather3A_1562 = tpu.vector_load_idx %arg9[%add3A_1561, %broadcast_in_dim3A_1539] : memref<64x128xf32, #tpu.memory_space<vmem>>[vector<16xi32>, vector<16xi32>], vector<16xf32>,
    %swap3A_1563 = arith.constant 27 : i32
    %swap3A_1564 = arith.index_cast %swap3A_1563 : i32 to index
    %swap3A_1565 = arith.constant 32 : index
    %swap3A_1566 = tpu.vector_load %arg14[%swap3A_1564, %swap3A_1565] {strides = array<i32>} : memref<32x64xf32, #tpu.memory_space<vmem>>, vector<16xf32>,
    tpu.vector_store %arg14[%swap3A_1564, %swap3A_1565], %gather3A_1562 {strides = array<i32>} : memref<32x64xf32, #tpu.memory_space<vmem>>, vector<16xf32>,
    %iota3A_1567 = tpu.iota {dimensions = array<i32: 0>} : vector<16xi32>
    %add3A_1568 = arith.constant 48 : i32
    %add3A_1569 = vector.broadcast %add3A_1568 : i32 to vector<16xi32>
    %add3A_1570 = arith.addi %iota3A_1567, %add3A_1569 : vector<16xi32>
    %gather3A_1571 = tpu.vector_load_idx %arg9[%add3A_1570, %broadcast_in_dim3A_1539] : memref<64x128xf32, #tpu.memory_space<vmem>>[vector<16xi32>, vector<16xi32>], vector<16xf32>,
    %swap3A_1572 = arith.constant 27 : i32
    %swap3A_1573 = arith.index_cast %swap3A_1572 : i32 to index
    %swap3A_1574 = arith.constant 48 : index
    %swap3A_1575 = tpu.vector_load %arg14[%swap3A_1573, %swap3A_1574] {strides = array<i32>} : memref<32x64xf32, #tpu.memory_space<vmem>>, vector<16xf32>,
    tpu.vector_store %arg14[%swap3A_1573, %swap3A_1574], %gather3A_1571 {strides = array<i32>} : memref<32x64xf32, #tpu.memory_space<vmem>>, vector<16xf32>,
    %dma_wait3A_1576 = arith.constant 0 : i32
    %dma_wait3A_1577 = tpu.memref_slice %arg3[%dma_wait3A_1576, %mul3A_1226] : memref<64x100000xf32, #tpu.memory_space<hbm>> -> memref<64x128xf32, #tpu.memory_space<hbm>>
    %dma_wait3A_1578 = arith.constant 0 : i32
    %dma_wait3A_1579 = tpu.memref_slice %arg3[%dma_wait3A_1578, %mul3A_1226] : memref<64x100000xf32, #tpu.memory_space<hbm>> -> memref<64x128xf32, #tpu.memory_space<hbm>>
    tpu.wait_dma2 semaphore(%arg19 : memref<!tpu.dma_semaphore, #tpu.memory_space<semaphore_mem>>) src(%dma_wait3A_1579 : memref<64x128xf32, #tpu.memory_space<hbm>>) dst(%arg10 : memref<64x128xf32, #tpu.memory_space<vmem>>)
    %slice3A_1580 = vector.extract_strided_slice %get3A_5 {offsets = [12], sizes = [1], strides = [1]} : vector<16xi32> to vector<1xi32>
    %squeeze3A_1581 = vector.extract %slice3A_1580[0] : i32 from vector<1xi32>
    %and3A_1582 = arith.constant 127 : i32
    %and3A_1583 = arith.andi %squeeze3A_1581, %and3A_1582 : i32
    %broadcast_in_dim3A_1584 = vector.broadcast %and3A_1583 : i32 to vector<16xi32>
    %iota3A_1585 = tpu.iota {dimensions = array<i32: 0>} : vector<16xi32>
    %add3A_1586 = arith.constant 0 : i32
    %add3A_1587 = vector.broadcast %add3A_1586 : i32 to vector<16xi32>
    %add3A_1588 = arith.addi %iota3A_1585, %add3A_1587 : vector<16xi32>
    %gather3A_1589 = tpu.vector_load_idx %arg10[%add3A_1588, %broadcast_in_dim3A_1584] : memref<64x128xf32, #tpu.memory_space<vmem>>[vector<16xi32>, vector<16xi32>], vector<16xf32>,
    %swap3A_1590 = arith.constant 28 : i32
    %swap3A_1591 = arith.index_cast %swap3A_1590 : i32 to index
    %swap3A_1592 = arith.constant 0 : index
    %swap3A_1593 = tpu.vector_load %arg14[%swap3A_1591, %swap3A_1592] {strides = array<i32>} : memref<32x64xf32, #tpu.memory_space<vmem>>, vector<16xf32>,
    tpu.vector_store %arg14[%swap3A_1591, %swap3A_1592], %gather3A_1589 {strides = array<i32>} : memref<32x64xf32, #tpu.memory_space<vmem>>, vector<16xf32>,
    %iota3A_1594 = tpu.iota {dimensions = array<i32: 0>} : vector<16xi32>
    %add3A_1595 = arith.constant 16 : i32
    %add3A_1596 = vector.broadcast %add3A_1595 : i32 to vector<16xi32>
    %add3A_1597 = arith.addi %iota3A_1594, %add3A_1596 : vector<16xi32>
    %gather3A_1598 = tpu.vector_load_idx %arg10[%add3A_1597, %broadcast_in_dim3A_1584] : memref<64x128xf32, #tpu.memory_space<vmem>>[vector<16xi32>, vector<16xi32>], vector<16xf32>,
    %swap3A_1599 = arith.constant 28 : i32
    %swap3A_1600 = arith.index_cast %swap3A_1599 : i32 to index
    %swap3A_1601 = arith.constant 16 : index
    %swap3A_1602 = tpu.vector_load %arg14[%swap3A_1600, %swap3A_1601] {strides = array<i32>} : memref<32x64xf32, #tpu.memory_space<vmem>>, vector<16xf32>,
    tpu.vector_store %arg14[%swap3A_1600, %swap3A_1601], %gather3A_1598 {strides = array<i32>} : memref<32x64xf32, #tpu.memory_space<vmem>>, vector<16xf32>,
    %iota3A_1603 = tpu.iota {dimensions = array<i32: 0>} : vector<16xi32>
    %add3A_1604 = arith.constant 32 : i32
    %add3A_1605 = vector.broadcast %add3A_1604 : i32 to vector<16xi32>
    %add3A_1606 = arith.addi %iota3A_1603, %add3A_1605 : vector<16xi32>
    %gather3A_1607 = tpu.vector_load_idx %arg10[%add3A_1606, %broadcast_in_dim3A_1584] : memref<64x128xf32, #tpu.memory_space<vmem>>[vector<16xi32>, vector<16xi32>], vector<16xf32>,
    %swap3A_1608 = arith.constant 28 : i32
    %swap3A_1609 = arith.index_cast %swap3A_1608 : i32 to index
    %swap3A_1610 = arith.constant 32 : index
    %swap3A_1611 = tpu.vector_load %arg14[%swap3A_1609, %swap3A_1610] {strides = array<i32>} : memref<32x64xf32, #tpu.memory_space<vmem>>, vector<16xf32>,
    tpu.vector_store %arg14[%swap3A_1609, %swap3A_1610], %gather3A_1607 {strides = array<i32>} : memref<32x64xf32, #tpu.memory_space<vmem>>, vector<16xf32>,
    %iota3A_1612 = tpu.iota {dimensions = array<i32: 0>} : vector<16xi32>
    %add3A_1613 = arith.constant 48 : i32
    %add3A_1614 = vector.broadcast %add3A_1613 : i32 to vector<16xi32>
    %add3A_1615 = arith.addi %iota3A_1612, %add3A_1614 : vector<16xi32>
    %gather3A_1616 = tpu.vector_load_idx %arg10[%add3A_1615, %broadcast_in_dim3A_1584] : memref<64x128xf32, #tpu.memory_space<vmem>>[vector<16xi32>, vector<16xi32>], vector<16xf32>,
    %swap3A_1617 = arith.constant 28 : i32
    %swap3A_1618 = arith.index_cast %swap3A_1617 : i32 to index
    %swap3A_1619 = arith.constant 48 : index
    %swap3A_1620 = tpu.vector_load %arg14[%swap3A_1618, %swap3A_1619] {strides = array<i32>} : memref<32x64xf32, #tpu.memory_space<vmem>>, vector<16xf32>,
    tpu.vector_store %arg14[%swap3A_1618, %swap3A_1619], %gather3A_1616 {strides = array<i32>} : memref<32x64xf32, #tpu.memory_space<vmem>>, vector<16xf32>,
    %dma_wait3A_1621 = arith.constant 0 : i32
    %dma_wait3A_1622 = tpu.memref_slice %arg3[%dma_wait3A_1621, %mul3A_1281] : memref<64x100000xf32, #tpu.memory_space<hbm>> -> memref<64x128xf32, #tpu.memory_space<hbm>>
    %dma_wait3A_1623 = arith.constant 0 : i32
    %dma_wait3A_1624 = tpu.memref_slice %arg3[%dma_wait3A_1623, %mul3A_1281] : memref<64x100000xf32, #tpu.memory_space<hbm>> -> memref<64x128xf32, #tpu.memory_space<hbm>>
    tpu.wait_dma2 semaphore(%arg20 : memref<!tpu.dma_semaphore, #tpu.memory_space<semaphore_mem>>) src(%dma_wait3A_1624 : memref<64x128xf32, #tpu.memory_space<hbm>>) dst(%arg11 : memref<64x128xf32, #tpu.memory_space<vmem>>)
    %slice3A_1625 = vector.extract_strided_slice %get3A_5 {offsets = [13], sizes = [1], strides = [1]} : vector<16xi32> to vector<1xi32>
    %squeeze3A_1626 = vector.extract %slice3A_1625[0] : i32 from vector<1xi32>
    %and3A_1627 = arith.constant 127 : i32
    %and3A_1628 = arith.andi %squeeze3A_1626, %and3A_1627 : i32
    %broadcast_in_dim3A_1629 = vector.broadcast %and3A_1628 : i32 to vector<16xi32>
    %iota3A_1630 = tpu.iota {dimensions = array<i32: 0>} : vector<16xi32>
    %add3A_1631 = arith.constant 0 : i32
    %add3A_1632 = vector.broadcast %add3A_1631 : i32 to vector<16xi32>
    %add3A_1633 = arith.addi %iota3A_1630, %add3A_1632 : vector<16xi32>
    %gather3A_1634 = tpu.vector_load_idx %arg11[%add3A_1633, %broadcast_in_dim3A_1629] : memref<64x128xf32, #tpu.memory_space<vmem>>[vector<16xi32>, vector<16xi32>], vector<16xf32>,
    %swap3A_1635 = arith.constant 29 : i32
    %swap3A_1636 = arith.index_cast %swap3A_1635 : i32 to index
    %swap3A_1637 = arith.constant 0 : index
    %swap3A_1638 = tpu.vector_load %arg14[%swap3A_1636, %swap3A_1637] {strides = array<i32>} : memref<32x64xf32, #tpu.memory_space<vmem>>, vector<16xf32>,
    tpu.vector_store %arg14[%swap3A_1636, %swap3A_1637], %gather3A_1634 {strides = array<i32>} : memref<32x64xf32, #tpu.memory_space<vmem>>, vector<16xf32>,
    %iota3A_1639 = tpu.iota {dimensions = array<i32: 0>} : vector<16xi32>
    %add3A_1640 = arith.constant 16 : i32
    %add3A_1641 = vector.broadcast %add3A_1640 : i32 to vector<16xi32>
    %add3A_1642 = arith.addi %iota3A_1639, %add3A_1641 : vector<16xi32>
    %gather3A_1643 = tpu.vector_load_idx %arg11[%add3A_1642, %broadcast_in_dim3A_1629] : memref<64x128xf32, #tpu.memory_space<vmem>>[vector<16xi32>, vector<16xi32>], vector<16xf32>,
    %swap3A_1644 = arith.constant 29 : i32
    %swap3A_1645 = arith.index_cast %swap3A_1644 : i32 to index
    %swap3A_1646 = arith.constant 16 : index
    %swap3A_1647 = tpu.vector_load %arg14[%swap3A_1645, %swap3A_1646] {strides = array<i32>} : memref<32x64xf32, #tpu.memory_space<vmem>>, vector<16xf32>,
    tpu.vector_store %arg14[%swap3A_1645, %swap3A_1646], %gather3A_1643 {strides = array<i32>} : memref<32x64xf32, #tpu.memory_space<vmem>>, vector<16xf32>,
    %iota3A_1648 = tpu.iota {dimensions = array<i32: 0>} : vector<16xi32>
    %add3A_1649 = arith.constant 32 : i32
    %add3A_1650 = vector.broadcast %add3A_1649 : i32 to vector<16xi32>
    %add3A_1651 = arith.addi %iota3A_1648, %add3A_1650 : vector<16xi32>
    %gather3A_1652 = tpu.vector_load_idx %arg11[%add3A_1651, %broadcast_in_dim3A_1629] : memref<64x128xf32, #tpu.memory_space<vmem>>[vector<16xi32>, vector<16xi32>], vector<16xf32>,
    %swap3A_1653 = arith.constant 29 : i32
    %swap3A_1654 = arith.index_cast %swap3A_1653 : i32 to index
    %swap3A_1655 = arith.constant 32 : index
    %swap3A_1656 = tpu.vector_load %arg14[%swap3A_1654, %swap3A_1655] {strides = array<i32>} : memref<32x64xf32, #tpu.memory_space<vmem>>, vector<16xf32>,
    tpu.vector_store %arg14[%swap3A_1654, %swap3A_1655], %gather3A_1652 {strides = array<i32>} : memref<32x64xf32, #tpu.memory_space<vmem>>, vector<16xf32>,
    %iota3A_1657 = tpu.iota {dimensions = array<i32: 0>} : vector<16xi32>
    %add3A_1658 = arith.constant 48 : i32
    %add3A_1659 = vector.broadcast %add3A_1658 : i32 to vector<16xi32>
    %add3A_1660 = arith.addi %iota3A_1657, %add3A_1659 : vector<16xi32>
    %gather3A_1661 = tpu.vector_load_idx %arg11[%add3A_1660, %broadcast_in_dim3A_1629] : memref<64x128xf32, #tpu.memory_space<vmem>>[vector<16xi32>, vector<16xi32>], vector<16xf32>,
    %swap3A_1662 = arith.constant 29 : i32
    %swap3A_1663 = arith.index_cast %swap3A_1662 : i32 to index
    %swap3A_1664 = arith.constant 48 : index
    %swap3A_1665 = tpu.vector_load %arg14[%swap3A_1663, %swap3A_1664] {strides = array<i32>} : memref<32x64xf32, #tpu.memory_space<vmem>>, vector<16xf32>,
    tpu.vector_store %arg14[%swap3A_1663, %swap3A_1664], %gather3A_1661 {strides = array<i32>} : memref<32x64xf32, #tpu.memory_space<vmem>>, vector<16xf32>,
    %dma_wait3A_1666 = arith.constant 0 : i32
    %dma_wait3A_1667 = tpu.memref_slice %arg3[%dma_wait3A_1666, %mul3A_1336] : memref<64x100000xf32, #tpu.memory_space<hbm>> -> memref<64x128xf32, #tpu.memory_space<hbm>>
    %dma_wait3A_1668 = arith.constant 0 : i32
    %dma_wait3A_1669 = tpu.memref_slice %arg3[%dma_wait3A_1668, %mul3A_1336] : memref<64x100000xf32, #tpu.memory_space<hbm>> -> memref<64x128xf32, #tpu.memory_space<hbm>>
    tpu.wait_dma2 semaphore(%arg21 : memref<!tpu.dma_semaphore, #tpu.memory_space<semaphore_mem>>) src(%dma_wait3A_1669 : memref<64x128xf32, #tpu.memory_space<hbm>>) dst(%arg12 : memref<64x128xf32, #tpu.memory_space<vmem>>)
    %slice3A_1670 = vector.extract_strided_slice %get3A_5 {offsets = [14], sizes = [1], strides = [1]} : vector<16xi32> to vector<1xi32>
    %squeeze3A_1671 = vector.extract %slice3A_1670[0] : i32 from vector<1xi32>
    %and3A_1672 = arith.constant 127 : i32
    %and3A_1673 = arith.andi %squeeze3A_1671, %and3A_1672 : i32
    %broadcast_in_dim3A_1674 = vector.broadcast %and3A_1673 : i32 to vector<16xi32>
    %iota3A_1675 = tpu.iota {dimensions = array<i32: 0>} : vector<16xi32>
    %add3A_1676 = arith.constant 0 : i32
    %add3A_1677 = vector.broadcast %add3A_1676 : i32 to vector<16xi32>
    %add3A_1678 = arith.addi %iota3A_1675, %add3A_1677 : vector<16xi32>
    %gather3A_1679 = tpu.vector_load_idx %arg12[%add3A_1678, %broadcast_in_dim3A_1674] : memref<64x128xf32, #tpu.memory_space<vmem>>[vector<16xi32>, vector<16xi32>], vector<16xf32>,
    %swap3A_1680 = arith.constant 30 : i32
    %swap3A_1681 = arith.index_cast %swap3A_1680 : i32 to index
    %swap3A_1682 = arith.constant 0 : index
    %swap3A_1683 = tpu.vector_load %arg14[%swap3A_1681, %swap3A_1682] {strides = array<i32>} : memref<32x64xf32, #tpu.memory_space<vmem>>, vector<16xf32>,
    tpu.vector_store %arg14[%swap3A_1681, %swap3A_1682], %gather3A_1679 {strides = array<i32>} : memref<32x64xf32, #tpu.memory_space<vmem>>, vector<16xf32>,
    %iota3A_1684 = tpu.iota {dimensions = array<i32: 0>} : vector<16xi32>
    %add3A_1685 = arith.constant 16 : i32
    %add3A_1686 = vector.broadcast %add3A_1685 : i32 to vector<16xi32>
    %add3A_1687 = arith.addi %iota3A_1684, %add3A_1686 : vector<16xi32>
    %gather3A_1688 = tpu.vector_load_idx %arg12[%add3A_1687, %broadcast_in_dim3A_1674] : memref<64x128xf32, #tpu.memory_space<vmem>>[vector<16xi32>, vector<16xi32>], vector<16xf32>,
    %swap3A_1689 = arith.constant 30 : i32
    %swap3A_1690 = arith.index_cast %swap3A_1689 : i32 to index
    %swap3A_1691 = arith.constant 16 : index
    %swap3A_1692 = tpu.vector_load %arg14[%swap3A_1690, %swap3A_1691] {strides = array<i32>} : memref<32x64xf32, #tpu.memory_space<vmem>>, vector<16xf32>,
    tpu.vector_store %arg14[%swap3A_1690, %swap3A_1691], %gather3A_1688 {strides = array<i32>} : memref<32x64xf32, #tpu.memory_space<vmem>>, vector<16xf32>,
    %iota3A_1693 = tpu.iota {dimensions = array<i32: 0>} : vector<16xi32>
    %add3A_1694 = arith.constant 32 : i32
    %add3A_1695 = vector.broadcast %add3A_1694 : i32 to vector<16xi32>
    %add3A_1696 = arith.addi %iota3A_1693, %add3A_1695 : vector<16xi32>
    %gather3A_1697 = tpu.vector_load_idx %arg12[%add3A_1696, %broadcast_in_dim3A_1674] : memref<64x128xf32, #tpu.memory_space<vmem>>[vector<16xi32>, vector<16xi32>], vector<16xf32>,
    %swap3A_1698 = arith.constant 30 : i32
    %swap3A_1699 = arith.index_cast %swap3A_1698 : i32 to index
    %swap3A_1700 = arith.constant 32 : index
    %swap3A_1701 = tpu.vector_load %arg14[%swap3A_1699, %swap3A_1700] {strides = array<i32>} : memref<32x64xf32, #tpu.memory_space<vmem>>, vector<16xf32>,
    tpu.vector_store %arg14[%swap3A_1699, %swap3A_1700], %gather3A_1697 {strides = array<i32>} : memref<32x64xf32, #tpu.memory_space<vmem>>, vector<16xf32>,
    %iota3A_1702 = tpu.iota {dimensions = array<i32: 0>} : vector<16xi32>
    %add3A_1703 = arith.constant 48 : i32
    %add3A_1704 = vector.broadcast %add3A_1703 : i32 to vector<16xi32>
    %add3A_1705 = arith.addi %iota3A_1702, %add3A_1704 : vector<16xi32>
    %gather3A_1706 = tpu.vector_load_idx %arg12[%add3A_1705, %broadcast_in_dim3A_1674] : memref<64x128xf32, #tpu.memory_space<vmem>>[vector<16xi32>, vector<16xi32>], vector<16xf32>,
    %swap3A_1707 = arith.constant 30 : i32
    %swap3A_1708 = arith.index_cast %swap3A_1707 : i32 to index
    %swap3A_1709 = arith.constant 48 : index
    %swap3A_1710 = tpu.vector_load %arg14[%swap3A_1708, %swap3A_1709] {strides = array<i32>} : memref<32x64xf32, #tpu.memory_space<vmem>>, vector<16xf32>,
    tpu.vector_store %arg14[%swap3A_1708, %swap3A_1709], %gather3A_1706 {strides = array<i32>} : memref<32x64xf32, #tpu.memory_space<vmem>>, vector<16xf32>,
    %dma_wait3A_1711 = arith.constant 0 : i32
    %dma_wait3A_1712 = tpu.memref_slice %arg3[%dma_wait3A_1711, %mul3A_1391] : memref<64x100000xf32, #tpu.memory_space<hbm>> -> memref<64x128xf32, #tpu.memory_space<hbm>>
    %dma_wait3A_1713 = arith.constant 0 : i32
    %dma_wait3A_1714 = tpu.memref_slice %arg3[%dma_wait3A_1713, %mul3A_1391] : memref<64x100000xf32, #tpu.memory_space<hbm>> -> memref<64x128xf32, #tpu.memory_space<hbm>>
    tpu.wait_dma2 semaphore(%arg22 : memref<!tpu.dma_semaphore, #tpu.memory_space<semaphore_mem>>) src(%dma_wait3A_1714 : memref<64x128xf32, #tpu.memory_space<hbm>>) dst(%arg13 : memref<64x128xf32, #tpu.memory_space<vmem>>)
    %slice3A_1715 = vector.extract_strided_slice %get3A_5 {offsets = [15], sizes = [1], strides = [1]} : vector<16xi32> to vector<1xi32>
    %squeeze3A_1716 = vector.extract %slice3A_1715[0] : i32 from vector<1xi32>
    %and3A_1717 = arith.constant 127 : i32
    %and3A_1718 = arith.andi %squeeze3A_1716, %and3A_1717 : i32
    %broadcast_in_dim3A_1719 = vector.broadcast %and3A_1718 : i32 to vector<16xi32>
    %iota3A_1720 = tpu.iota {dimensions = array<i32: 0>} : vector<16xi32>
    %add3A_1721 = arith.constant 0 : i32
    %add3A_1722 = vector.broadcast %add3A_1721 : i32 to vector<16xi32>
    %add3A_1723 = arith.addi %iota3A_1720, %add3A_1722 : vector<16xi32>
    %gather3A_1724 = tpu.vector_load_idx %arg13[%add3A_1723, %broadcast_in_dim3A_1719] : memref<64x128xf32, #tpu.memory_space<vmem>>[vector<16xi32>, vector<16xi32>], vector<16xf32>,
    %swap3A_1725 = arith.constant 31 : i32
    %swap3A_1726 = arith.index_cast %swap3A_1725 : i32 to index
    %swap3A_1727 = arith.constant 0 : index
    %swap3A_1728 = tpu.vector_load %arg14[%swap3A_1726, %swap3A_1727] {strides = array<i32>} : memref<32x64xf32, #tpu.memory_space<vmem>>, vector<16xf32>,
    tpu.vector_store %arg14[%swap3A_1726, %swap3A_1727], %gather3A_1724 {strides = array<i32>} : memref<32x64xf32, #tpu.memory_space<vmem>>, vector<16xf32>,
    %iota3A_1729 = tpu.iota {dimensions = array<i32: 0>} : vector<16xi32>
    %add3A_1730 = arith.constant 16 : i32
    %add3A_1731 = vector.broadcast %add3A_1730 : i32 to vector<16xi32>
    %add3A_1732 = arith.addi %iota3A_1729, %add3A_1731 : vector<16xi32>
    %gather3A_1733 = tpu.vector_load_idx %arg13[%add3A_1732, %broadcast_in_dim3A_1719] : memref<64x128xf32, #tpu.memory_space<vmem>>[vector<16xi32>, vector<16xi32>], vector<16xf32>,
    %swap3A_1734 = arith.constant 31 : i32
    %swap3A_1735 = arith.index_cast %swap3A_1734 : i32 to index
    %swap3A_1736 = arith.constant 16 : index
    %swap3A_1737 = tpu.vector_load %arg14[%swap3A_1735, %swap3A_1736] {strides = array<i32>} : memref<32x64xf32, #tpu.memory_space<vmem>>, vector<16xf32>,
    tpu.vector_store %arg14[%swap3A_1735, %swap3A_1736], %gather3A_1733 {strides = array<i32>} : memref<32x64xf32, #tpu.memory_space<vmem>>, vector<16xf32>,
    %iota3A_1738 = tpu.iota {dimensions = array<i32: 0>} : vector<16xi32>
    %add3A_1739 = arith.constant 32 : i32
    %add3A_1740 = vector.broadcast %add3A_1739 : i32 to vector<16xi32>
    %add3A_1741 = arith.addi %iota3A_1738, %add3A_1740 : vector<16xi32>
    %gather3A_1742 = tpu.vector_load_idx %arg13[%add3A_1741, %broadcast_in_dim3A_1719] : memref<64x128xf32, #tpu.memory_space<vmem>>[vector<16xi32>, vector<16xi32>], vector<16xf32>,
    %swap3A_1743 = arith.constant 31 : i32
    %swap3A_1744 = arith.index_cast %swap3A_1743 : i32 to index
    %swap3A_1745 = arith.constant 32 : index
    %swap3A_1746 = tpu.vector_load %arg14[%swap3A_1744, %swap3A_1745] {strides = array<i32>} : memref<32x64xf32, #tpu.memory_space<vmem>>, vector<16xf32>,
    tpu.vector_store %arg14[%swap3A_1744, %swap3A_1745], %gather3A_1742 {strides = array<i32>} : memref<32x64xf32, #tpu.memory_space<vmem>>, vector<16xf32>,
    %iota3A_1747 = tpu.iota {dimensions = array<i32: 0>} : vector<16xi32>
    %add3A_1748 = arith.constant 48 : i32
    %add3A_1749 = vector.broadcast %add3A_1748 : i32 to vector<16xi32>
    %add3A_1750 = arith.addi %iota3A_1747, %add3A_1749 : vector<16xi32>
    %gather3A_1751 = tpu.vector_load_idx %arg13[%add3A_1750, %broadcast_in_dim3A_1719] : memref<64x128xf32, #tpu.memory_space<vmem>>[vector<16xi32>, vector<16xi32>], vector<16xf32>,
    %swap3A_1752 = arith.constant 31 : i32
    %swap3A_1753 = arith.index_cast %swap3A_1752 : i32 to index
    %swap3A_1754 = arith.constant 48 : index
    %swap3A_1755 = tpu.vector_load %arg14[%swap3A_1753, %swap3A_1754] {strides = array<i32>} : memref<32x64xf32, #tpu.memory_space<vmem>>, vector<16xf32>,
    tpu.vector_store %arg14[%swap3A_1753, %swap3A_1754], %gather3A_1751 {strides = array<i32>} : memref<32x64xf32, #tpu.memory_space<vmem>>, vector<16xf32>,
    "tpu.region"() ({
      %run_scoped3A = tpu.sem_alloc : memref<!tpu.dma_semaphore, #tpu.memory_space<semaphore_mem>>
      %dma_start3A_1756 = arith.constant 0 : i32
      %dma_start3A_1757 = tpu.memref_slice %arg4[%mul3A_2, %dma_start3A_1756] : memref<1024x64xf32, #tpu.memory_space<hbm>> -> memref<32x64xf32, #tpu.memory_space<hbm>>
      %dma_start3A_1758 = arith.constant 0 : i32
      %dma_start3A_1759 = tpu.memref_slice %arg4[%mul3A_2, %dma_start3A_1758] : memref<1024x64xf32, #tpu.memory_space<hbm>> -> memref<32x64xf32, #tpu.memory_space<hbm>>
      tpu.enqueue_dma source(%arg14 : memref<32x64xf32, #tpu.memory_space<vmem>>) target(%dma_start3A_1759 : memref<32x64xf32, #tpu.memory_space<hbm>>) target_semaphore(%run_scoped3A : memref<!tpu.dma_semaphore, #tpu.memory_space<semaphore_mem>>)
      %dma_wait3A_1760 = arith.constant 0 : i32
      %dma_wait3A_1761 = tpu.memref_slice %arg4[%mul3A_2, %dma_wait3A_1760] : memref<1024x64xf32, #tpu.memory_space<hbm>> -> memref<32x64xf32, #tpu.memory_space<hbm>>
      %dma_wait3A_1762 = arith.constant 0 : i32
      %dma_wait3A_1763 = tpu.memref_slice %arg4[%mul3A_2, %dma_wait3A_1762] : memref<1024x64xf32, #tpu.memory_space<hbm>> -> memref<32x64xf32, #tpu.memory_space<hbm>>
      tpu.wait_dma2 semaphore(%run_scoped3A : memref<!tpu.dma_semaphore, #tpu.memory_space<semaphore_mem>>) src(%arg14 : memref<32x64xf32, #tpu.memory_space<vmem>>) dst(%dma_wait3A_1763 : memref<32x64xf32, #tpu.memory_space<hbm>>)
      tpu.yield
    }) : () -> ()
    return
  }
}

module attributes {stable_mosaic.version = 14 : i64} {
  func.func @_mm_body(%arg0: i32, %arg1: memref<64x4096xf32, #tpu.memory_space<vmem>>, %arg2: memref<1024x64xf32, #tpu.memory_space<vmem>>, %arg3: memref<1x4096xf32, #tpu.memory_space<vmem>>, %arg4: memref<4096x1024xf32, #tpu.memory_space<vmem>>) attributes {dimension_semantics = [#tpu.dimension_semantics<arbitrary>], iteration_bounds = array<i64: 25>, scalar_prefetch = 0 : i64, scratch_operands = 0 : i64, tpu.core_type = #tpu.core_type<tc>, window_params = [{transform_indices = @transform_0, window_bounds = array<i64: 64, 4096>}, {pipeline_mode = #tpu.pipeline_mode<synchronous>, transform_indices = @transform_1, window_bounds = array<i64: 1024, 64>}, {transform_indices = @transform_2, window_bounds = array<i64: 1, 4096>}, {transform_indices = @transform_3, window_bounds = array<i64: 4096, 1024>}]} {
    %get3A = arith.constant 0 : index
    %get3A_0 = arith.constant 0 : index
    %get3A_1 = vector.load %arg1[%get3A, %get3A_0] : memref<64x4096xf32, #tpu.memory_space<vmem>>, vector<64x4096xf32>
    %get3A_2 = arith.constant 0 : index
    %get3A_3 = arith.constant 0 : index
    %get3A_4 = vector.load %arg2[%get3A_2, %get3A_3] : memref<1024x64xf32, #tpu.memory_space<vmem>>, vector<1024x64xf32>
    %dot_general3A = arith.constant dense<0.000000e+00> : vector<4096x1024xf32>
    %dot_general3A_5 = tpu.matmul %get3A_1, %get3A_4, %dot_general3A {dimension_numbers = #tpu.dot_dimension_numbers<[0], [1], [1], [0], [0, 1, 1, 0], [], []>, transpose_lhs_hint = false} : vector<64x4096xf32>, vector<1024x64xf32>, vector<4096x1024xf32> -> vector<4096x1024xf32>
    %broadcast_in_dim3A = arith.constant 1.000000e+00 : f32
    %broadcast_in_dim3A_6 = vector.broadcast %broadcast_in_dim3A : f32 to vector<1024x1xf32>
    %get3A_7 = arith.constant 0 : index
    %get3A_8 = arith.constant 0 : index
    %get3A_9 = vector.load %arg3[%get3A_7, %get3A_8] : memref<1x4096xf32, #tpu.memory_space<vmem>>, vector<1x4096xf32>
    %dot_general3A_10 = arith.constant dense<0.000000e+00> : vector<4096x1024xf32>
    %dot_general3A_11 = tpu.matmul %get3A_9, %broadcast_in_dim3A_6, %dot_general3A_10 {dimension_numbers = #tpu.dot_dimension_numbers<[0], [1], [1], [0], [0, 1, 1, 0], [], []>, transpose_lhs_hint = false} : vector<1x4096xf32>, vector<1024x1xf32>, vector<4096x1024xf32> -> vector<4096x1024xf32>
    %add3A = arith.addf %dot_general3A_5, %dot_general3A_11 : vector<4096x1024xf32>
    %swap3A = arith.constant 0 : index
    %swap3A_12 = arith.constant 0 : index
    %swap3A_13 = vector.load %arg4[%swap3A, %swap3A_12] : memref<4096x1024xf32, #tpu.memory_space<vmem>>, vector<4096x1024xf32>
    tpu.vector_store %arg4[%swap3A, %swap3A_12], %add3A {strides = array<i32>} : memref<4096x1024xf32, #tpu.memory_space<vmem>>, vector<4096x1024xf32>,
    return
  }
  func.func @transform_0(%arg0: i32) -> (i32, i32) {
    %c0_i32 = arith.constant 0 : i32
    %c0_i32_0 = arith.constant 0 : i32
    return %c0_i32, %arg0 : i32, i32
  }
  func.func @transform_1(%arg0: i32) -> (i32, i32) {
    %c0_i32 = arith.constant 0 : i32
    %c0_i32_0 = arith.constant 0 : i32
    %c0_i32_1 = arith.constant 0 : i32
    return %c0_i32, %c0_i32_0 : i32, i32
  }
  func.func @transform_2(%arg0: i32) -> (i32, i32) {
    %c0_i32 = arith.constant 0 : i32
    %c0_i32_0 = arith.constant 0 : i32
    return %c0_i32, %arg0 : i32, i32
  }
  func.func @transform_3(%arg0: i32) -> (i32, i32) {
    %c0_i32 = arith.constant 0 : i32
    %c0_i32_0 = arith.constant 0 : i32
    return %arg0, %c0_i32 : i32, i32
  }
}

</mosaic_0001>

<sc_bundles>
// kernel: kernel.4.cloned.1.call-start
scs
__scs_entry_jumppad:
0x0: {  	(pc) =	sbr.rel $0x88, $3  }
0x1: {  	(tag) =	ssettag $0x0;
	lr =	simm.s32 $0x1  }
0x2: {  	[smem:$0x3F9D] =	sst lr;
	_ =	strace $0xD0000000  }
0x3: {  	_ = 	snop  }
0x4: {  	_ = 	snop  }
0x5: {  	_ = 	snop  }
0x6: {  	_ = 	snop  }
0x7: {  	_ = 	snop  }
__scs_overlays_trampoline_lowered:
0x8: {  	[smem:$0x3FAC] =	sst s0  }
0x9: {  	[smem:$0x3FAD] =	sst s1  }
0xa: {  	[smem:$0x3FAE] =	sst s2  }
0xb: {  	[smem:$0x3FAF] =	sst s3  }
0xc: {  	[smem:$0x3FB0] =	sst s4  }
0xd: {  	[smem:$0x3FB1] =	sst s5  }
0xe: {  	[smem:$0x3FB2] =	sst s6  }
0xf: {  	[smem:$0x3FB3] =	sst s7  }
0x10: {  	[smem:$0x3FB4] =	sst s8  }
0x11: {  	[smem:$0x3FB5] =	sst s9;
	s0 =	simm.s32 @!p0 $0x0  }
0x12: {  	s1 =	sld [smem:$0x3F9B];
	s0 =	simm.s32 @p0 $0x1  }
0x13: {  	[smem:$0x3FB6] =	sst s0;
	s0 =	simm.s32 @!p1 $0x0  }
0x14: {  	s2 =	sld [smem:$0x3F9A];
	s0 =	simm.s32 @p1 $0x1  }
0x15: {  	[smem:$0x3FB7] =	sst s0;
	s0 =	simm.s32 @!p2 $0x0  }
0x16: {  	s3 =	sld [smem:$0x3FDB];
	s0 =	simm.s32 @p2 $0x1  }
0x17: {  	s4 =	simm.s32 $0x1BF5;
	[smem:$0x3FB9] =	sst s0  }
0x18: {  	s0 =	sld [smem:$0x3F9C];
	_ =	swait.ge [sflag:s4], $0x0  }
0x19: {  	s7 =	sld [smem:$0x3F9D]  }
0x1a: {  	s8 =	sadd.s32 $0xFFFFE003, lr  }
0x1b: {  	s9 =	sadd.s32 $0xFFFFFEF7, lr;
	s5 =	simm.s32 $0xFFFFFFFF;
	p2 =	slt.u32 s8, $0xFFFFF086  }
0x1c: {  	p1 =	slt.u32 s9, $0xF7A;
	s5 =	simm.s32 @!p2 $0x0  }
0x1d: {  	s5 =	simm.s32 @p1 $0x1;
	p0 =	seq.s32 s7, s2  }
0x1e: {  	s7 =	smul.u32 @!p0 $0xF7A, s2;
	p2 =	seq.s32 @!p0 s5, $0x0  }
0x1f: {  	s9 =	smul.u32 $0xF7A, s1;
	s8 =	simm.s32 @!p0 $0x1BF5;
	p2 =	por !p2, p0  }
0x20: {  	[sflag:s8] =	ssyncset.s32 @!p0 $0xFFFFF086;
	s6 =	sadd.s32 @!p0 s3, s7;
	s7 =	simm.s32 @!p0 $0x108  }
0x21: {  	s3 =	sadd.s32 s3, s9;
	s6 =	sadd.s32 @!p0 $0x88, s6;
	s7 =	simm.s32 @p2 $0x1082  }
0x22: {  	[simem:s7], [sflag:s8] =	dma.local @!p0 [hbm:s6], $0xF7A  }
0x23: {  	s9 =	sor.u32 $0xD0000000, s2;
	s6 =	simm.s32 $0x108;
	_ =	swait.ge @!p0 [sflag:s8], $0x0  }
0x24: {  	s3 =	sadd.s32 $0x88, s3;
	s6 =	simm.s32 @!p1 $0x1082;
	[sflag:s4] =	ssyncset.s32 $0xFFFFF086  }
0x25: {  	[simem:s6], [sflag:s4] =	dma.local [hbm:s3], $0xF7A  }
0x26: {  	[smem:$0x3F9D] =	sst s1;
	(tag) =	ssettag s2;
	_ =	strace s9  }
0x27: {  	s1 =	sld [smem:$0x3FAD]  }
0x28: {  	s2 =	sld [smem:$0x3FAE]  }
0x29: {  	s4 =	sld [smem:$0x3FB0]  }
0x2a: {  	p0 =	seq.s32 s5, $0x0;
	s5 =	sld [smem:$0x3FB1]  }
0x2b: {  	s6 =	sld [smem:$0x3FB2]  }
0x2c: {  	s7 =	sld [smem:$0x3FB3]  }
0x2d: {  	s3 =	simm.s32 $0x108;
	s8 =	sld [smem:$0x3FB4]  }
0x2e: {  	s3 =	simm.s32 @!p0 $0x1082;
	s9 =	sld [smem:$0x3FB5]  }
0x2f: {  	lr =	sadd.s32 s0, s3;
	s0 =	sld [smem:$0x3FAC]  }
0x30: {  	s3 =	sld [smem:$0x3FAF]  }
0x31: {  	[smem:$0x3FB8] =	sst s10  }
0x32: {  	s10 =	sld [smem:$0x3FB6];
	_ =	sdelay $0x3  }
0x33: {  	p0 =	seq.s32 s10, $0x1;
	s10 =	sld [smem:$0x3FB8];
	_ =	sdelay $0x3  }
0x34: {  	[smem:$0x3FB8] =	sst s10  }
0x35: {  	s10 =	sld [smem:$0x3FB7];
	_ =	sdelay $0x3  }
0x36: {  	p1 =	seq.s32 s10, $0x1;
	s10 =	sld [smem:$0x3FB8];
	_ =	sdelay $0x3  }
0x37: {  	[smem:$0x3FB8] =	sst s10  }
0x38: {  	s10 =	sld [smem:$0x3FB9]  }
0x39: {  	_ = 	snop;
	(pc) =	sbr.ind lr, $3  }
0x3a: {  	_ = 	snop  }
0x3b: {  	_ = 	snop  }
0x3c: {  	p2 =	seq.s32 s10, $0x1;
	s10 =	sld [smem:$0x3FB8]  }
0x3d: {  	_ =	shalt  }
0x3e: {  	_ =	shalt  }
0x3f: {  	_ =	shalt  }
0x40: {  	_ =	shalt  }
0x41: {  	_ =	shalt  }
0x42: {  	_ =	shalt  }
0x43: {  	_ =	shalt  }
0x44: {  	_ =	shalt  }
0x45: {  	_ =	shalt  }
0x46: {  	_ =	shalt  }
0x47: {  	_ =	shalt  }
0x48: {  	_ =	shalt  }
0x49: {  	_ =	shalt  }
0x4a: {  	_ =	shalt  }
0x4b: {  	_ =	shalt  }
0x4c: {  	_ =	shalt  }
0x4d: {  	_ =	shalt  }
0x4e: {  	_ =	shalt  }
0x4f: {  	_ =	shalt  }
0x50: {  	_ =	shalt  }
0x51: {  	_ =	shalt  }
0x52: {  	_ =	shalt  }
0x53: {  	_ =	shalt  }
0x54: {  	_ =	shalt  }
0x55: {  	_ =	shalt  }
0x56: {  	_ =	shalt  }
0x57: {  	_ =	shalt  }
0x58: {  	_ =	shalt  }
0x59: {  	_ =	shalt  }
0x5a: {  	_ =	shalt  }
0x5b: {  	_ =	shalt  }
0x5c: {  	_ =	shalt  }
0x5d: {  	_ =	shalt  }
0x5e: {  	_ =	shalt  }
0x5f: {  	_ =	shalt  }
0x60: {  	_ =	shalt  }
0x61: {  	_ =	shalt  }
0x62: {  	_ =	shalt  }
0x63: {  	_ =	shalt  }
0x64: {  	_ =	shalt  }
0x65: {  	_ =	shalt  }
0x66: {  	_ =	shalt  }
0x67: {  	_ =	shalt  }
0x68: {  	_ =	shalt  }
0x69: {  	_ =	shalt  }
0x6a: {  	_ =	shalt  }
0x6b: {  	_ =	shalt  }
0x6c: {  	_ =	shalt  }
0x6d: {  	_ =	shalt  }
0x6e: {  	_ =	shalt  }
0x6f: {  	_ =	shalt  }
0x70: {  	_ =	shalt  }
0x71: {  	_ =	shalt  }
0x72: {  	_ =	shalt  }
0x73: {  	_ =	shalt  }
0x74: {  	_ =	shalt  }
0x75: {  	_ =	shalt  }
0x76: {  	_ =	shalt  }
0x77: {  	_ =	shalt  }
0x78: {  	_ =	shalt  }
0x79: {  	_ =	shalt  }
0x7a: {  	_ =	shalt  }
0x7b: {  	_ =	shalt  }
0x7c: {  	_ =	shalt  }
0x7d: {  	_ =	shalt  }
0x7e: {  	_ =	shalt  }
0x7f: {  	_ =	shalt  }
0x80: {  	_ =	shalt  }
0x81: {  	_ =	shalt  }
0x82: {  	_ =	shalt  }
0x83: {  	_ =	shalt  }
0x84: {  	_ =	shalt  }
0x85: {  	_ =	shalt  }
0x86: {  	_ =	shalt  }
0x87: {  	_ =	shalt  }
.Lfunc_end0:
.L_simem_size_0:
called_computation_lowered:
.L_overlay_start_0:
0x88: {  	s2 =	sld [smem:$0x3FD9]  }
0x89: {  	s3 =	sld [smem:$0x3FFE];
	_ =	sdelay $0x1  }
0x8a: {  	s1 =	srdreg.scid  }
0x8b: {  	s0 =	sand.u32 $0x1, s1  }
0x8c: {  	s17 =	sshll.u32 s0, $0xA;
	s2 =	sadd.s32 s3, s2  }
0x8d: {  	s2 =	sadd.s32 s2, s17  }
0x8e: {  	[smem:$0x3FC4] =	sst s2  }
0x8f: {  	_ = 	snop  }
0x90: {  	s2 =	sld [smem:$0x3FC9]  }
0x91: {  	s18 =	sld [smem:$0x3FC8];
	(tm) =	ssettm $0x1  }
0x92: {  	s4 =	sld [smem:$0x3FFB];
	_ =	sdelay $0x3  }
0x93: {  	_ =	strace s4  }
0x94: {  	s4 =	sld [smem:$0x3FFC];
	_ =	sdelay $0x3  }
0x95: {  	_ =	strace s4  }
0x96: {  	s4 =	sld [smem:$0x3FFD];
	_ =	sdelay $0x3  }
0x97: {  	_ =	strace s4  }
0x98: {  	_ =	strace $0x8FFFFFFF  }
0x99: {  	s19 =	sld [smem:$0x3FDB];
	_ =	sdelay $0x1  }
0x9a: {  	s5 =	simm.s32 $_scs_section_size  }
0x9b: {  	s6 =	simm.s32 $_size__tile_overlayer_lowered;
	s7 =	simm.s32 $_tile_overlayer_lowered  }
0x9c: {  	s22 =	simm.s32 $0x1BFF;
	s21 =	sshll.u32 s7, $0x1;
	s4 =	sadd.s32 s5, s19  }
0x9d: {  	s8 =	simm.s32 $0x0;
	s20 =	sshll.u32 s6, $0x1;
	s6 =	sadd.s32 s21, s4  }
0x9e: {  	[timem:s8], [sflag:s22] =	dma.local [hbm:s6], s20  }
0x9f: {  	_ =	swait.ge [sflag:s22], s20  }
0xa0: {  	s5 =	ssub.s32 $0x0, s20;
	[sflag:s22] =	ssyncset.done $0x0  }
0xa1: {  	[sflag:s22] =	ssyncadd.s32 s5;
	_ =	sdelay $0x1  }
0xa2: {  	s23 =	simm.s32 $0x1B8B  }
0xa3: {  	_ =	swait.ge [sflag:s23], $0x1  }
0xa4: {  	[sflag:s23] =	ssyncset.done $0x0  }
0xa5: {  	s25 =	simm.s32 $0x1B8E;
	s24 =	sld [smem:$0x3FFE];
	[sflag:s23] =	ssyncadd.s32 $0xFFFFFFFF  }
0xa6: {  	s26 =	simm.s32 $execute0_lowered;
	[smem:$0x3FD2] =	sst s25  }
0xa7: {  	s6 =	sshll.u32 s26, $0x1;
	_ =	strace $0x80000046;
	[dreg:$0x1] =	wrdreg $0xFFFFFFFF  }
0xa8: {  	s28 =	simm.s32 $_size_execute0_lowered;
	s4 =	sadd.s32 s4, s6;
	[dreg:$0x0] =	wrdreg $0x0  }
0xa9: {  	s6 =	sshll.u32 s28, $0x1;
	[dreg:$0x2] =	wrdreg s4  }
0xaa: {  	[dreg:$0x3] =	wrdreg s6  }
0xab: {  	[dreg:$0x4] =	wrdreg $0xC0  }
0xac: {  	_ =	task [dreg:s8], $0x5FFFF  }
0xad: {  	[dreg:$0x1] =	wrdreg $0xFFFFFFFF  }
0xae: {  	[dreg:$0x0] =	wrdreg $0x60  }
0xaf: {  	[dreg:$0x2] =	wrdreg s2  }
0xb0: {  	[dreg:$0x3] =	wrdreg s18  }
0xb1: {  	[dreg:$0x4] =	wrdreg s24  }
0xb2: {  	[dreg:$0x5] =	wrdreg $0x9  }
0xb3: {  	_ =	task.clear_ibuf [dreg:s8], $0x6FFFF;
	_ =	strace $0x90000046  }
0xb4: {  	s29 =	simm.s32 $0x9;
	_ =	strace $0x80000048  }
0xb5: {  	_ =	swait.ge [sflag:s29], $0x1  }
0xb6: {  	[sflag:s29] =	ssyncadd.s32 $0xFFFFFFFF  }
0xb7: {  	_ =	strace $0x90000048  }
0xb8: {  	_ =	sfence  }
0xb9: {  	s30 =	sld [smem:$0x0];
	_ =	sdelay $0x2  }
0xba: {  	s31 =	sshll.u32 s1, $0xD;
	s1 =	sshrl.u32 s1, $0x2  }
0xbb: {  	s3 =	sand.u32 $0x4000, s31;
	s1 =	sadd.s32 s1, s30  }
0xbc: {  	s0 =	sor.u32 s3, s0;
	s1 =	sshll.u32 s1, $0x11  }
0xbd: {  	s0 =	sor.u32 s1, s0  }
0xbe: {  	s0 =	sadd.s32 $0x8F2B, s0  }
0xbf: {  	[sflag:s0] =	ssyncadd.remote.s32 $0x1  }
0xc0: {  	_ =	sfence.sel $0xFFFF  }
0xc1: {  	[dreg:$0x0] =	wrdreg $0xFFFFFFFF;
	(pc) =	sbr.abs _section_cstart, $3  }
0xc2: {  	[dreg:$0x1] =	wrdreg $0xFFFFFFFF  }
0xc3: {  	_ =	task.clear_ibuf [dreg:s8], $0x2FFFF;
	_ =	strace $0x9FFFFFFF  }
0xc4: {  	(tm) =	ssettm $0x7FFFFFFF  }
0xc5: {  	_ =	shalt  }
tec
execute0_lowered:
.L_overlay_start_1:
0x0: {  	(tag) =	ssettag $0x1  }
0x1: {  	s0 =	rddreg [dreg:$0x0]  }
0x2: {  	s1 =	rddreg [dreg:$0x1]  }
0x3: {  	s4 =	rddreg [dreg:$0x2];
	s5 =	srdreg.scid;
	s3 =	simm.s32 $0x0  }
0x4: {  	s2 =	stileid.u32;
	s8 =	simm.s32 $0x80;
	s9 =	simm.s32 $0x2080  }
0x5: {  	s10 =	simm.s32 $0x4080;
	s11 =	simm.s32 $0x6080;
	s12 =	simm.s32 $0x8080  }
0x6: {  	s13 =	simm.s32 $0xA080;
	s14 =	simm.s32 $0xC080;
	s15 =	simm.s32 $0xE080  }
0x7: {  	s16 =	simm.s32 $0x1;
	s17 =	simm.s32 $0x2;
	s18 =	simm.s32 $0x3  }
0x8: {  	s19 =	simm.s32 $0x4;
	s20 =	simm.s32 $0x5;
	s21 =	simm.s32 $0x6  }
0x9: {  	s31 =	simm.s32 $0x10080;
	s22 =	simm.s32 $0x7;
	s23 =	simm.s32 $0x8  }
0xa: {  	s5 =	sand.u32 $0x1, s5;
	[smem:$0x7FF] =	sst s3;
	s6 =	sshll.u32 s2, $0x6  }
0xb: {  	s7 =	sshll.u32 s5, $0x5;
	_ =	strace $0x80000047;
	s5 =	ssub.s32 $0x2, s5  }
0xc: {  	[dreg:$0x6] =	wrdreg s31;
	s6 =	sor.u32 s7, s6;
	s29 =	sshrl.u32 s5, $0x1  }
0xd: {  	v0 =	vlaneseq.u32;
	s7 =	sshll.u32 s6, $0x4;
	s6 =	sshrl.u32 s6, $0x3;
	s5 =	ssub.s32 s5, s29  }
0xe: {  	v0 =	vmul.u32 $0x80, v0;
	s4 =	sadd.s32 s7, s4;
	s0 =	sadd.s32 s0, s6;
	s6 =	simm.s32 $0x400  }
0xf: {  	s7 =	simm.s32 $0xC3800;
	[dreg:$0x4] =	wrdreg s0;
	s30 =	sadd.s32 $0x600, s4  }
0x10: {  	v1 =	vor.u32 $0x800, v0;
	v2 =	vor.u32 $0x1000, v0;
	v3 =	vor.u32 $0x1800, v0;
	s4 =	smax.u32 s5, $0x1;
	s5 =	simm.s32 $0x9;
	[dreg:$0x5] =	wrdreg s30  }
.LBB2_1:
0x11: {  	s0 =	rddreg [dreg:$0x4]  }
0x12: {  	[tilespmem:s3], [sflag:$0x9] =	stream.linear.gather [hbm4b:s0+s3], $0x20, $0x38;
	[tilespmem:$0x11080] =	vst v63  }
0x13: {  	_ =	swait.ge [sflag:s5], $0x20  }
0x14: {  	[sflag:s5] =	ssyncset.done $0x0  }
0x15: {  	[sflag:s5] =	ssyncadd.s32 $0xFFFFFFE0  }
0x16: {  	v5 =	vld [tilespmem:$0x0];
	_ =	sdelay $0x4  }
0x17: {  	(v2sf) =	vpush v5, $0x0  }
0x18: {  	(v2sf) =	vpush v5, $0x1;
	_ =	sdelay $0x3  }
0x19: {  	(v2sf) =	vpush v5, $0x2;
	_ =	sdelay $0x1  }
0x1a: {  	(v2sf) =	vpush v5, $0x3;
	_ =	sdelay $0x1  }
0x1b: {  	(v2sf) =	vpush v5, $0x4;
	_ =	sdelay $0x5  }
0x1c: {  	s24 =	spop (v2sf);
	(v2sf) =	vpush v5, $0x5  }
0x1d: {  	s25 =	spop (v2sf);
	(v2sf) =	vpush v5, $0x6;
	_ =	sdelay $0x2  }
0x1e: {  	s26 =	sand.u32 $0xFFFFF80, s24  }
0x1f: {  	s0 =	sadd.s32 s1, s26;
	s28 =	sand.u32 $0xFFFFF80, s25;
	s26 =	spop (v2sf)  }
0x20: {  	v4 =	vld [tilespmem:$0x10];
	(v2sf) =	vpush v5, $0x7;
	[tilespmem:s8], [sflag:$0x1] =	stream.strided.gather [hbm4b:s0+s6], $0x2000, s7, s6, $0x38  }
0x21: {  	s0 =	sadd.s32 s1, s28;
	s29 =	sand.u32 $0xFFFFF80, s26;
	s28 =	spop (v2sf)  }
0x22: {  	[tilespmem:s9], [sflag:$0x2] =	stream.strided.gather [hbm4b:s0+s6], $0x2000, s7, s6, $0x38;
	[tilespmem:$0x11080] =	vst v63  }
0x23: {  	s30 =	sand.u32 $0xFFFFF80, s28;
	s0 =	sadd.s32 s1, s29;
	s29 =	spop (v2sf)  }
0x24: {  	[tilespmem:s10], [sflag:$0x3] =	stream.strided.gather [hbm4b:s0+s6], $0x2000, s7, s6, $0x38;
	[tilespmem:$0x11080] =	vst v63  }
0x25: {  	s31 =	sand.u32 $0xFFFFF80, s29;
	s0 =	sadd.s32 s1, s30  }
0x26: {  	[tilespmem:s11], [sflag:$0x4] =	stream.strided.gather [hbm4b:s0+s6], $0x2000, s7, s6, $0x38;
	[tilespmem:$0x11080] =	vst v63  }
0x27: {  	s0 =	sadd.s32 s1, s31  }
0x28: {  	[tilespmem:s12], [sflag:$0x5] =	stream.strided.gather [hbm4b:s0+s6], $0x2000, s7, s6, $0x38;
	[tilespmem:$0x11080] =	vst v63  }
0x29: {  	s30 =	spop (v2sf)  }
0x2a: {  	s2 =	sand.u32 $0xFFFFF80, s30;
	s31 =	spop (v2sf)  }
0x2b: {  	s0 =	sadd.s32 s1, s2;
	s2 =	sand.u32 $0xFFFFF80, s31  }
0x2c: {  	[tilespmem:s13], [sflag:$0x6] =	stream.strided.gather [hbm4b:s0+s6], $0x2000, s7, s6, $0x38;
	[tilespmem:$0x11080] =	vst v63  }
0x2d: {  	s0 =	sadd.s32 s1, s2  }
0x2e: {  	[tilespmem:s14], [sflag:$0x7] =	stream.strided.gather [hbm4b:s0+s6], $0x2000, s7, s6, $0x38;
	[tilespmem:$0x11080] =	vst v63  }
0x2f: {  	s0 =	spop (v2sf)  }
0x30: {  	s24 =	sand.u32 $0x7F, s24;
	s2 =	sand.u32 $0xFFFFF80, s0  }
0x31: {  	v6 =	vor.u32 s24, v0;
	s2 =	sadd.s32 s1, s2  }
0x32: {  	[tilespmem:s15], [sflag:$0x8] =	stream.strided.gather [hbm4b:s2+s6], $0x2000, s7, s6, $0x38;
	[tilespmem:$0x11080] =	vst v63  }
0x33: {  	_ =	swait.ge [sflag:s16], $0x2000  }
0x34: {  	[sflag:s16] =	ssyncset.done $0x0  }
0x35: {  	[sflag:s16] =	ssyncadd.s32 $0xFFFFE000  }
0x36: {  	v6 =	vld.idx.msk [tilespmem:v6+s8+$0x0], $0xffff  }
0x37: {  	v7 =	vor.u32 s24, v1;
	_ =	sdelay $0x3  }
0x38: {  	[tilespmem:$0x10080] =	vst v6  }
0x39: {  	(v2sf) =	vpush v5, $0x8;
	v6 =	vld.idx.msk [tilespmem:v7+s8+$0x0], $0xffff  }
0x3a: {  	v44 =	vor.u32 s24, v2;
	_ =	sdelay $0x3  }
0x3b: {  	[tilespmem:$0x10090] =	vst v6  }
0x3c: {  	v6 =	vld.idx.msk [tilespmem:v44+s8+$0x0], $0xffff  }
0x3d: {  	v45 =	vor.u32 s24, v3;
	_ =	sdelay $0x3  }
0x3e: {  	[tilespmem:$0x100A0] =	vst v6  }
0x3f: {  	v6 =	vld.idx.msk [tilespmem:v45+s8+$0x0], $0xffff;
	_ =	sdelay $0x2  }
0x40: {  	s24 =	spop (v2sf)  }
0x41: {  	s25 =	sand.u32 $0x7F, s25;
	s2 =	sand.u32 $0xFFFFF80, s24  }
0x42: {  	v46 =	vor.u32 s25, v0;
	s2 =	sadd.s32 s1, s2;
	[tilespmem:$0x100B0] =	vst v6  }
0x43: {  	[tilespmem:s8], [sflag:$0x1] =	stream.strided.gather [hbm4b:s2+s6], $0x2000, s7, s6, $0x38;
	[tilespmem:$0x11080] =	vst v63  }
0x44: {  	_ =	swait.ge [sflag:s17], $0x2000  }
0x45: {  	[sflag:s17] =	ssyncset.done $0x0  }
0x46: {  	[sflag:s17] =	ssyncadd.s32 $0xFFFFE000  }
0x47: {  	v6 =	vld.idx.msk [tilespmem:v46+s9+$0x0], $0xffff  }
0x48: {  	v47 =	vor.u32 s25, v1;
	_ =	sdelay $0x3  }
0x49: {  	[tilespmem:$0x10100] =	vst v6  }
0x4a: {  	(v2sf) =	vpush v5, $0x9;
	v6 =	vld.idx.msk [tilespmem:v47+s9+$0x0], $0xffff  }
0x4b: {  	v48 =	vor.u32 s25, v2;
	_ =	sdelay $0x3  }
0x4c: {  	[tilespmem:$0x10110] =	vst v6  }
0x4d: {  	v6 =	vld.idx.msk [tilespmem:v48+s9+$0x0], $0xffff  }
0x4e: {  	v49 =	vor.u32 s25, v3;
	_ =	sdelay $0x3  }
0x4f: {  	[tilespmem:$0x10120] =	vst v6  }
0x50: {  	v6 =	vld.idx.msk [tilespmem:v49+s9+$0x0], $0xffff;
	_ =	sdelay $0x2  }
0x51: {  	s25 =	spop (v2sf)  }
0x52: {  	s26 =	sand.u32 $0x7F, s26;
	s2 =	sand.u32 $0xFFFFF80, s25  }
0x53: {  	v50 =	vor.u32 s26, v0;
	s2 =	sadd.s32 s1, s2;
	[tilespmem:$0x10130] =	vst v6  }
0x54: {  	[tilespmem:s9], [sflag:$0x2] =	stream.strided.gather [hbm4b:s2+s6], $0x2000, s7, s6, $0x38;
	[tilespmem:$0x11080] =	vst v63  }
0x55: {  	_ =	swait.ge [sflag:s18], $0x2000  }
0x56: {  	[sflag:s18] =	ssyncset.done $0x0  }
0x57: {  	[sflag:s18] =	ssyncadd.s32 $0xFFFFE000  }
0x58: {  	v6 =	vld.idx.msk [tilespmem:v50+s10+$0x0], $0xffff  }
0x59: {  	v51 =	vor.u32 s26, v1;
	_ =	sdelay $0x3  }
0x5a: {  	[tilespmem:$0x10180] =	vst v6  }
0x5b: {  	(v2sf) =	vpush v5, $0xA;
	v6 =	vld.idx.msk [tilespmem:v51+s10+$0x0], $0xffff  }
0x5c: {  	v52 =	vor.u32 s26, v2;
	_ =	sdelay $0x3  }
0x5d: {  	[tilespmem:$0x10190] =	vst v6  }
0x5e: {  	v6 =	vld.idx.msk [tilespmem:v52+s10+$0x0], $0xffff  }
0x5f: {  	v53 =	vor.u32 s26, v3;
	_ =	sdelay $0x3  }
0x60: {  	[tilespmem:$0x101A0] =	vst v6  }
0x61: {  	v6 =	vld.idx.msk [tilespmem:v53+s10+$0x0], $0xffff;
	_ =	sdelay $0x2  }
0x62: {  	s26 =	spop (v2sf)  }
0x63: {  	s28 =	sand.u32 $0x7F, s28;
	s2 =	sand.u32 $0xFFFFF80, s26  }
0x64: {  	v54 =	vor.u32 s28, v0;
	s2 =	sadd.s32 s1, s2;
	[tilespmem:$0x101B0] =	vst v6  }
0x65: {  	[tilespmem:s10], [sflag:$0x3] =	stream.strided.gather [hbm4b:s2+s6], $0x2000, s7, s6, $0x38;
	[tilespmem:$0x11080] =	vst v63  }
0x66: {  	_ =	swait.ge [sflag:s19], $0x2000  }
0x67: {  	[sflag:s19] =	ssyncset.done $0x0  }
0x68: {  	[sflag:s19] =	ssyncadd.s32 $0xFFFFE000  }
0x69: {  	v6 =	vld.idx.msk [tilespmem:v54+s11+$0x0], $0xffff  }
0x6a: {  	v55 =	vor.u32 s28, v1;
	_ =	sdelay $0x3  }
0x6b: {  	[tilespmem:$0x10200] =	vst v6  }
0x6c: {  	(v2sf) =	vpush v5, $0xB;
	v6 =	vld.idx.msk [tilespmem:v55+s11+$0x0], $0xffff  }
0x6d: {  	v56 =	vor.u32 s28, v2;
	_ =	sdelay $0x3  }
0x6e: {  	[tilespmem:$0x10210] =	vst v6  }
0x6f: {  	v6 =	vld.idx.msk [tilespmem:v56+s11+$0x0], $0xffff  }
0x70: {  	v57 =	vor.u32 s28, v3;
	_ =	sdelay $0x3  }
0x71: {  	[tilespmem:$0x10220] =	vst v6  }
0x72: {  	v6 =	vld.idx.msk [tilespmem:v57+s11+$0x0], $0xffff;
	_ =	sdelay $0x2  }
0x73: {  	s28 =	spop (v2sf)  }
0x74: {  	s29 =	sand.u32 $0x7F, s29;
	s2 =	sand.u32 $0xFFFFF80, s28  }
0x75: {  	v58 =	vor.u32 s29, v0;
	s2 =	sadd.s32 s1, s2;
	[tilespmem:$0x10230] =	vst v6  }
0x76: {  	[tilespmem:s11], [sflag:$0x4] =	stream.strided.gather [hbm4b:s2+s6], $0x2000, s7, s6, $0x38;
	[tilespmem:$0x11080] =	vst v63  }
0x77: {  	_ =	swait.ge [sflag:s20], $0x2000  }
0x78: {  	[sflag:s20] =	ssyncset.done $0x0  }
0x79: {  	[sflag:s20] =	ssyncadd.s32 $0xFFFFE000  }
0x7a: {  	v6 =	vld.idx.msk [tilespmem:v58+s12+$0x0], $0xffff  }
0x7b: {  	v59 =	vor.u32 s29, v1;
	_ =	sdelay $0x3  }
0x7c: {  	[tilespmem:$0x10280] =	vst v6  }
0x7d: {  	(v2sf) =	vpush v5, $0xC;
	v6 =	vld.idx.msk [tilespmem:v59+s12+$0x0], $0xffff  }
0x7e: {  	v60 =	vor.u32 s29, v2;
	_ =	sdelay $0x3  }
0x7f: {  	[tilespmem:$0x10290] =	vst v6  }
0x80: {  	v6 =	vld.idx.msk [tilespmem:v60+s12+$0x0], $0xffff  }
0x81: {  	v61 =	vor.u32 s29, v3;
	_ =	sdelay $0x3  }
0x82: {  	[tilespmem:$0x102A0] =	vst v6  }
0x83: {  	v6 =	vld.idx.msk [tilespmem:v61+s12+$0x0], $0xffff;
	_ =	sdelay $0x2  }
0x84: {  	s29 =	spop (v2sf)  }
0x85: {  	s30 =	sand.u32 $0x7F, s30;
	s2 =	sand.u32 $0xFFFFF80, s29  }
0x86: {  	v62 =	vor.u32 s30, v0;
	s2 =	sadd.s32 s1, s2;
	[tilespmem:$0x102B0] =	vst v6  }
0x87: {  	[tilespmem:s12], [sflag:$0x5] =	stream.strided.gather [hbm4b:s2+s6], $0x2000, s7, s6, $0x38;
	[tilespmem:$0x11080] =	vst v63  }
0x88: {  	_ =	swait.ge [sflag:s21], $0x2000  }
0x89: {  	[sflag:s21] =	ssyncset.done $0x0  }
0x8a: {  	[sflag:s21] =	ssyncadd.s32 $0xFFFFE000  }
0x8b: {  	v6 =	vld.idx.msk [tilespmem:v62+s13+$0x0], $0xffff  }
0x8c: {  	v63 =	vor.u32 s30, v1;
	_ =	sdelay $0x3  }
0x8d: {  	[tilespmem:$0x10300] =	vst v6  }
0x8e: {  	(v2sf) =	vpush v5, $0xD;
	v6 =	vld.idx.msk [tilespmem:v63+s13+$0x0], $0xffff  }
0x8f: {  	v9 =	vor.u32 s30, v2;
	_ =	sdelay $0x3  }
0x90: {  	[tilespmem:$0x10310] =	vst v6  }
0x91: {  	v6 =	vld.idx.msk [tilespmem:v9+s13+$0x0], $0xffff  }
0x92: {  	v10 =	vor.u32 s30, v3;
	_ =	sdelay $0x3  }
0x93: {  	[tilespmem:$0x10320] =	vst v6  }
0x94: {  	v6 =	vld.idx.msk [tilespmem:v10+s13+$0x0], $0xffff;
	_ =	sdelay $0x2  }
0x95: {  	s30 =	spop (v2sf)  }
0x96: {  	s31 =	sand.u32 $0x7F, s31;
	s2 =	sand.u32 $0xFFFFF80, s30  }
0x97: {  	v11 =	vor.u32 s31, v0;
	s2 =	sadd.s32 s1, s2;
	[tilespmem:$0x10330] =	vst v6  }
0x98: {  	[tilespmem:s13], [sflag:$0x6] =	stream.strided.gather [hbm4b:s2+s6], $0x2000, s7, s6, $0x38;
	[tilespmem:$0x11080] =	vst v63  }
0x99: {  	_ =	swait.ge [sflag:s22], $0x2000  }
0x9a: {  	[sflag:s22] =	ssyncset.done $0x0  }
0x9b: {  	[sflag:s22] =	ssyncadd.s32 $0xFFFFE000  }
0x9c: {  	v6 =	vld.idx.msk [tilespmem:v11+s14+$0x0], $0xffff  }
0x9d: {  	v12 =	vor.u32 s31, v1;
	_ =	sdelay $0x3  }
0x9e: {  	[tilespmem:$0x10380] =	vst v6  }
0x9f: {  	(v2sf) =	vpush v5, $0xE;
	v6 =	vld.idx.msk [tilespmem:v12+s14+$0x0], $0xffff  }
0xa0: {  	v13 =	vor.u32 s31, v2;
	_ =	sdelay $0x3  }
0xa1: {  	[tilespmem:$0x10390] =	vst v6  }
0xa2: {  	v6 =	vld.idx.msk [tilespmem:v13+s14+$0x0], $0xffff  }
0xa3: {  	v14 =	vor.u32 s31, v3;
	_ =	sdelay $0x3  }
0xa4: {  	[tilespmem:$0x103A0] =	vst v6  }
0xa5: {  	v6 =	vld.idx.msk [tilespmem:v14+s14+$0x0], $0xffff;
	_ =	sdelay $0x2  }
0xa6: {  	s31 =	spop (v2sf)  }
0xa7: {  	s0 =	sand.u32 $0x7F, s0;
	s2 =	sand.u32 $0xFFFFF80, s31  }
0xa8: {  	v15 =	vor.u32 s0, v0;
	s2 =	sadd.s32 s1, s2;
	[tilespmem:$0x103B0] =	vst v6  }
0xa9: {  	[tilespmem:s14], [sflag:$0x7] =	stream.strided.gather [hbm4b:s2+s6], $0x2000, s7, s6, $0x38;
	[tilespmem:$0x11080] =	vst v63  }
0xaa: {  	_ =	swait.ge [sflag:s23], $0x2000  }
0xab: {  	[sflag:s23] =	ssyncset.done $0x0  }
0xac: {  	[sflag:s23] =	ssyncadd.s32 $0xFFFFE000  }
0xad: {  	v6 =	vld.idx.msk [tilespmem:v15+s15+$0x0], $0xffff  }
0xae: {  	v16 =	vor.u32 s0, v1;
	_ =	sdelay $0x3  }
0xaf: {  	[tilespmem:$0x10400] =	vst v6  }
0xb0: {  	(v2sf) =	vpush v5, $0xF;
	v6 =	vld.idx.msk [tilespmem:v16+s15+$0x0], $0xffff  }
0xb1: {  	v5 =	vor.u32 s0, v2;
	_ =	sdelay $0x3  }
0xb2: {  	[tilespmem:$0x10410] =	vst v6  }
0xb3: {  	v5 =	vld.idx.msk [tilespmem:v5+s15+$0x0], $0xffff  }
0xb4: {  	v17 =	vor.u32 s0, v3;
	_ =	sdelay $0x3  }
0xb5: {  	[tilespmem:$0x10420] =	vst v5  }
0xb6: {  	v5 =	vld.idx.msk [tilespmem:v17+s15+$0x0], $0xffff;
	_ =	sdelay $0x2  }
0xb7: {  	s0 =	spop (v2sf)  }
0xb8: {  	s24 =	sand.u32 $0x7F, s24;
	s2 =	sand.u32 $0xFFFFF80, s0  }
0xb9: {  	s2 =	sadd.s32 s1, s2;
	[tilespmem:$0x10430] =	vst v5;
	v5 =	vor.u32 s24, v0  }
0xba: {  	[tilespmem:s15], [sflag:$0x8] =	stream.strided.gather [hbm4b:s2+s6], $0x2000, s7, s6, $0x38;
	[tilespmem:$0x11080] =	vst v63  }
0xbb: {  	_ =	swait.ge [sflag:s16], $0x2000  }
0xbc: {  	[sflag:s16] =	ssyncset.done $0x0  }
0xbd: {  	[sflag:s16] =	ssyncadd.s32 $0xFFFFE000  }
0xbe: {  	v5 =	vld.idx.msk [tilespmem:v5+s8+$0x0], $0xffff  }
0xbf: {  	v18 =	vor.u32 s24, v1;
	_ =	sdelay $0x3  }
0xc0: {  	[tilespmem:$0x10480] =	vst v5  }
0xc1: {  	(v2sf) =	vpush v4, $0x0;
	v5 =	vld.idx.msk [tilespmem:v18+s8+$0x0], $0xffff  }
0xc2: {  	v19 =	vor.u32 s24, v2;
	_ =	sdelay $0x3  }
0xc3: {  	[tilespmem:$0x10490] =	vst v5  }
0xc4: {  	v5 =	vld.idx.msk [tilespmem:v19+s8+$0x0], $0xffff  }
0xc5: {  	v20 =	vor.u32 s24, v3;
	_ =	sdelay $0x3  }
0xc6: {  	[tilespmem:$0x104A0] =	vst v5  }
0xc7: {  	v5 =	vld.idx.msk [tilespmem:v20+s8+$0x0], $0xffff;
	_ =	sdelay $0x2  }
0xc8: {  	s24 =	spop (v2sf)  }
0xc9: {  	s25 =	sand.u32 $0x7F, s25;
	s2 =	sand.u32 $0xFFFFF80, s24  }
0xca: {  	s2 =	sadd.s32 s1, s2;
	[tilespmem:$0x104B0] =	vst v5;
	v5 =	vor.u32 s25, v0  }
0xcb: {  	[tilespmem:s8], [sflag:$0x1] =	stream.strided.gather [hbm4b:s2+s6], $0x2000, s7, s6, $0x38;
	[tilespmem:$0x11080] =	vst v63  }
0xcc: {  	_ =	swait.ge [sflag:s17], $0x2000  }
0xcd: {  	[sflag:s17] =	ssyncset.done $0x0  }
0xce: {  	[sflag:s17] =	ssyncadd.s32 $0xFFFFE000  }
0xcf: {  	v5 =	vld.idx.msk [tilespmem:v5+s9+$0x0], $0xffff  }
0xd0: {  	v21 =	vor.u32 s25, v1;
	_ =	sdelay $0x3  }
0xd1: {  	[tilespmem:$0x10500] =	vst v5  }
0xd2: {  	(v2sf) =	vpush v4, $0x1;
	v5 =	vld.idx.msk [tilespmem:v21+s9+$0x0], $0xffff  }
0xd3: {  	v22 =	vor.u32 s25, v2;
	_ =	sdelay $0x3  }
0xd4: {  	[tilespmem:$0x10510] =	vst v5  }
0xd5: {  	v5 =	vld.idx.msk [tilespmem:v22+s9+$0x0], $0xffff  }
0xd6: {  	v23 =	vor.u32 s25, v3;
	_ =	sdelay $0x3  }
0xd7: {  	[tilespmem:$0x10520] =	vst v5  }
0xd8: {  	v5 =	vld.idx.msk [tilespmem:v23+s9+$0x0], $0xffff;
	_ =	sdelay $0x2  }
0xd9: {  	s25 =	spop (v2sf)  }
0xda: {  	s26 =	sand.u32 $0x7F, s26;
	s2 =	sand.u32 $0xFFFFF80, s25  }
0xdb: {  	s2 =	sadd.s32 s1, s2;
	[tilespmem:$0x10530] =	vst v5;
	v5 =	vor.u32 s26, v0  }
0xdc: {  	[tilespmem:s9], [sflag:$0x2] =	stream.strided.gather [hbm4b:s2+s6], $0x2000, s7, s6, $0x38;
	[tilespmem:$0x11080] =	vst v63  }
0xdd: {  	_ =	swait.ge [sflag:s18], $0x2000  }
0xde: {  	[sflag:s18] =	ssyncset.done $0x0  }
0xdf: {  	[sflag:s18] =	ssyncadd.s32 $0xFFFFE000  }
0xe0: {  	v5 =	vld.idx.msk [tilespmem:v5+s10+$0x0], $0xffff  }
0xe1: {  	v24 =	vor.u32 s26, v1;
	_ =	sdelay $0x3  }
0xe2: {  	[tilespmem:$0x10580] =	vst v5  }
0xe3: {  	(v2sf) =	vpush v4, $0x2;
	v5 =	vld.idx.msk [tilespmem:v24+s10+$0x0], $0xffff  }
0xe4: {  	v25 =	vor.u32 s26, v2;
	_ =	sdelay $0x3  }
0xe5: {  	[tilespmem:$0x10590] =	vst v5  }
0xe6: {  	v5 =	vld.idx.msk [tilespmem:v25+s10+$0x0], $0xffff  }
0xe7: {  	v26 =	vor.u32 s26, v3;
	_ =	sdelay $0x3  }
0xe8: {  	[tilespmem:$0x105A0] =	vst v5  }
0xe9: {  	v5 =	vld.idx.msk [tilespmem:v26+s10+$0x0], $0xffff;
	_ =	sdelay $0x2  }
0xea: {  	s26 =	spop (v2sf)  }
0xeb: {  	s28 =	sand.u32 $0x7F, s28;
	s2 =	sand.u32 $0xFFFFF80, s26  }
0xec: {  	s2 =	sadd.s32 s1, s2;
	[tilespmem:$0x105B0] =	vst v5;
	v5 =	vor.u32 s28, v0  }
0xed: {  	[tilespmem:s10], [sflag:$0x3] =	stream.strided.gather [hbm4b:s2+s6], $0x2000, s7, s6, $0x38;
	[tilespmem:$0x11080] =	vst v63  }
0xee: {  	_ =	swait.ge [sflag:s19], $0x2000  }
0xef: {  	[sflag:s19] =	ssyncset.done $0x0  }
0xf0: {  	[sflag:s19] =	ssyncadd.s32 $0xFFFFE000  }
0xf1: {  	v5 =	vld.idx.msk [tilespmem:v5+s11+$0x0], $0xffff  }
0xf2: {  	v27 =	vor.u32 s28, v1;
	_ =	sdelay $0x3  }
0xf3: {  	[tilespmem:$0x10600] =	vst v5  }
0xf4: {  	(v2sf) =	vpush v4, $0x3;
	v5 =	vld.idx.msk [tilespmem:v27+s11+$0x0], $0xffff  }
0xf5: {  	v28 =	vor.u32 s28, v2;
	_ =	sdelay $0x3  }
0xf6: {  	[tilespmem:$0x10610] =	vst v5  }
0xf7: {  	v5 =	vld.idx.msk [tilespmem:v28+s11+$0x0], $0xffff  }
0xf8: {  	v29 =	vor.u32 s28, v3;
	_ =	sdelay $0x3  }
0xf9: {  	[tilespmem:$0x10620] =	vst v5  }
0xfa: {  	v5 =	vld.idx.msk [tilespmem:v29+s11+$0x0], $0xffff;
	_ =	sdelay $0x2  }
0xfb: {  	s28 =	spop (v2sf)  }
0xfc: {  	s29 =	sand.u32 $0x7F, s29;
	s2 =	sand.u32 $0xFFFFF80, s28  }
0xfd: {  	s2 =	sadd.s32 s1, s2;
	[tilespmem:$0x10630] =	vst v5;
	v5 =	vor.u32 s29, v0  }
0xfe: {  	[tilespmem:s11], [sflag:$0x4] =	stream.strided.gather [hbm4b:s2+s6], $0x2000, s7, s6, $0x38;
	[tilespmem:$0x11080] =	vst v63  }
0xff: {  	_ =	swait.ge [sflag:s20], $0x2000  }
0x100: {  	[sflag:s20] =	ssyncset.done $0x0  }
0x101: {  	[sflag:s20] =	ssyncadd.s32 $0xFFFFE000  }
0x102: {  	v5 =	vld.idx.msk [tilespmem:v5+s12+$0x0], $0xffff  }
0x103: {  	v30 =	vor.u32 s29, v1;
	_ =	sdelay $0x3  }
0x104: {  	[tilespmem:$0x10680] =	vst v5  }
0x105: {  	(v2sf) =	vpush v4, $0x4;
	v5 =	vld.idx.msk [tilespmem:v30+s12+$0x0], $0xffff  }
0x106: {  	v31 =	vor.u32 s29, v2;
	_ =	sdelay $0x3  }
0x107: {  	[tilespmem:$0x10690] =	vst v5  }
0x108: {  	v5 =	vld.idx.msk [tilespmem:v31+s12+$0x0], $0xffff  }
0x109: {  	v32 =	vor.u32 s29, v3;
	_ =	sdelay $0x3  }
0x10a: {  	[tilespmem:$0x106A0] =	vst v5  }
0x10b: {  	v5 =	vld.idx.msk [tilespmem:v32+s12+$0x0], $0xffff;
	_ =	sdelay $0x2  }
0x10c: {  	s29 =	spop (v2sf)  }
0x10d: {  	s30 =	sand.u32 $0x7F, s30;
	s2 =	sand.u32 $0xFFFFF80, s29  }
0x10e: {  	s2 =	sadd.s32 s1, s2;
	[tilespmem:$0x106B0] =	vst v5;
	v5 =	vor.u32 s30, v0  }
0x10f: {  	[tilespmem:s12], [sflag:$0x5] =	stream.strided.gather [hbm4b:s2+s6], $0x2000, s7, s6, $0x38;
	[tilespmem:$0x11080] =	vst v63  }
0x110: {  	_ =	swait.ge [sflag:s21], $0x2000  }
0x111: {  	[sflag:s21] =	ssyncset.done $0x0  }
0x112: {  	[sflag:s21] =	ssyncadd.s32 $0xFFFFE000  }
0x113: {  	v5 =	vld.idx.msk [tilespmem:v5+s13+$0x0], $0xffff  }
0x114: {  	v33 =	vor.u32 s30, v1;
	_ =	sdelay $0x3  }
0x115: {  	[tilespmem:$0x10700] =	vst v5  }
0x116: {  	(v2sf) =	vpush v4, $0x5;
	v5 =	vld.idx.msk [tilespmem:v33+s13+$0x0], $0xffff  }
0x117: {  	v34 =	vor.u32 s30, v2;
	_ =	sdelay $0x3  }
0x118: {  	[tilespmem:$0x10710] =	vst v5  }
0x119: {  	v5 =	vld.idx.msk [tilespmem:v34+s13+$0x0], $0xffff  }
0x11a: {  	v35 =	vor.u32 s30, v3;
	_ =	sdelay $0x3  }
0x11b: {  	[tilespmem:$0x10720] =	vst v5  }
0x11c: {  	v5 =	vld.idx.msk [tilespmem:v35+s13+$0x0], $0xffff;
	_ =	sdelay $0x2  }
0x11d: {  	s30 =	spop (v2sf)  }
0x11e: {  	s31 =	sand.u32 $0x7F, s31;
	s2 =	sand.u32 $0xFFFFF80, s30  }
0x11f: {  	s2 =	sadd.s32 s1, s2;
	[tilespmem:$0x10730] =	vst v5;
	v5 =	vor.u32 s31, v0  }
0x120: {  	[tilespmem:s13], [sflag:$0x6] =	stream.strided.gather [hbm4b:s2+s6], $0x2000, s7, s6, $0x38;
	[tilespmem:$0x11080] =	vst v63  }
0x121: {  	_ =	swait.ge [sflag:s22], $0x2000  }
0x122: {  	[sflag:s22] =	ssyncset.done $0x0  }
0x123: {  	[sflag:s22] =	ssyncadd.s32 $0xFFFFE000  }
0x124: {  	v5 =	vld.idx.msk [tilespmem:v5+s14+$0x0], $0xffff  }
0x125: {  	v36 =	vor.u32 s31, v1;
	_ =	sdelay $0x3  }
0x126: {  	[tilespmem:$0x10780] =	vst v5  }
0x127: {  	(v2sf) =	vpush v4, $0x6;
	v5 =	vld.idx.msk [tilespmem:v36+s14+$0x0], $0xffff  }
0x128: {  	v37 =	vor.u32 s31, v2;
	_ =	sdelay $0x3  }
0x129: {  	[tilespmem:$0x10790] =	vst v5  }
0x12a: {  	v5 =	vld.idx.msk [tilespmem:v37+s14+$0x0], $0xffff  }
0x12b: {  	v38 =	vor.u32 s31, v3;
	_ =	sdelay $0x3  }
0x12c: {  	[tilespmem:$0x107A0] =	vst v5  }
0x12d: {  	v5 =	vld.idx.msk [tilespmem:v38+s14+$0x0], $0xffff;
	_ =	sdelay $0x2  }
0x12e: {  	s31 =	spop (v2sf)  }
0x12f: {  	s0 =	sand.u32 $0x7F, s0;
	s2 =	sand.u32 $0xFFFFF80, s31  }
0x130: {  	s2 =	sadd.s32 s1, s2;
	[tilespmem:$0x107B0] =	vst v5;
	v5 =	vor.u32 s0, v0  }
0x131: {  	[tilespmem:s14], [sflag:$0x7] =	stream.strided.gather [hbm4b:s2+s6], $0x2000, s7, s6, $0x38;
	[tilespmem:$0x11080] =	vst v63  }
0x132: {  	_ =	swait.ge [sflag:s23], $0x2000  }
0x133: {  	[sflag:s23] =	ssyncset.done $0x0  }
0x134: {  	[sflag:s23] =	ssyncadd.s32 $0xFFFFE000  }
0x135: {  	v5 =	vld.idx.msk [tilespmem:v5+s15+$0x0], $0xffff  }
0x136: {  	v39 =	vor.u32 s0, v1;
	_ =	sdelay $0x3  }
0x137: {  	[tilespmem:$0x10800] =	vst v5  }
0x138: {  	(v2sf) =	vpush v4, $0x7;
	v5 =	vld.idx.msk [tilespmem:v39+s15+$0x0], $0xffff  }
0x139: {  	v40 =	vor.u32 s0, v2;
	_ =	sdelay $0x3  }
0x13a: {  	[tilespmem:$0x10810] =	vst v5  }
0x13b: {  	v5 =	vld.idx.msk [tilespmem:v40+s15+$0x0], $0xffff  }
0x13c: {  	v41 =	vor.u32 s0, v3;
	_ =	sdelay $0x3  }
0x13d: {  	[tilespmem:$0x10820] =	vst v5  }
0x13e: {  	v5 =	vld.idx.msk [tilespmem:v41+s15+$0x0], $0xffff;
	_ =	sdelay $0x2  }
0x13f: {  	s0 =	spop (v2sf)  }
0x140: {  	s24 =	sand.u32 $0x7F, s24;
	s2 =	sand.u32 $0xFFFFF80, s0  }
0x141: {  	s2 =	sadd.s32 s1, s2;
	[tilespmem:$0x10830] =	vst v5;
	v5 =	vor.u32 s24, v0  }
0x142: {  	[tilespmem:s15], [sflag:$0x8] =	stream.strided.gather [hbm4b:s2+s6], $0x2000, s7, s6, $0x38;
	[tilespmem:$0x11080] =	vst v63  }
0x143: {  	_ =	swait.ge [sflag:s16], $0x2000  }
0x144: {  	[sflag:s16] =	ssyncset.done $0x0  }
0x145: {  	[sflag:s16] =	ssyncadd.s32 $0xFFFFE000  }
0x146: {  	v5 =	vld.idx.msk [tilespmem:v5+s8+$0x0], $0xffff  }
0x147: {  	v42 =	vor.u32 s24, v1;
	_ =	sdelay $0x3  }
0x148: {  	[tilespmem:$0x10880] =	vst v5  }
0x149: {  	(v2sf) =	vpush v4, $0x8;
	v5 =	vld.idx.msk [tilespmem:v42+s8+$0x0], $0xffff  }
0x14a: {  	v43 =	vor.u32 s24, v2;
	_ =	sdelay $0x3  }
0x14b: {  	[tilespmem:$0x10890] =	vst v5  }
0x14c: {  	v5 =	vld.idx.msk [tilespmem:v43+s8+$0x0], $0xffff  }
0x14d: {  	v44 =	vor.u32 s24, v3;
	_ =	sdelay $0x3  }
0x14e: {  	[tilespmem:$0x108A0] =	vst v5  }
0x14f: {  	v5 =	vld.idx.msk [tilespmem:v44+s8+$0x0], $0xffff;
	_ =	sdelay $0x2  }
0x150: {  	s24 =	spop (v2sf)  }
0x151: {  	s25 =	sand.u32 $0x7F, s25;
	s2 =	sand.u32 $0xFFFFF80, s24  }
0x152: {  	s2 =	sadd.s32 s1, s2;
	[tilespmem:$0x108B0] =	vst v5;
	v5 =	vor.u32 s25, v0  }
0x153: {  	[tilespmem:s8], [sflag:$0x1] =	stream.strided.gather [hbm4b:s2+s6], $0x2000, s7, s6, $0x38;
	[tilespmem:$0x11080] =	vst v63  }
0x154: {  	_ =	swait.ge [sflag:s17], $0x2000  }
0x155: {  	[sflag:s17] =	ssyncset.done $0x0  }
0x156: {  	[sflag:s17] =	ssyncadd.s32 $0xFFFFE000  }
0x157: {  	v5 =	vld.idx.msk [tilespmem:v5+s9+$0x0], $0xffff  }
0x158: {  	v45 =	vor.u32 s25, v1;
	_ =	sdelay $0x3  }
0x159: {  	[tilespmem:$0x10900] =	vst v5  }
0x15a: {  	(v2sf) =	vpush v4, $0x9;
	v5 =	vld.idx.msk [tilespmem:v45+s9+$0x0], $0xffff  }
0x15b: {  	v46 =	vor.u32 s25, v2;
	_ =	sdelay $0x3  }
0x15c: {  	[tilespmem:$0x10910] =	vst v5  }
0x15d: {  	v5 =	vld.idx.msk [tilespmem:v46+s9+$0x0], $0xffff  }
0x15e: {  	v47 =	vor.u32 s25, v3;
	_ =	sdelay $0x3  }
0x15f: {  	[tilespmem:$0x10920] =	vst v5  }
0x160: {  	v5 =	vld.idx.msk [tilespmem:v47+s9+$0x0], $0xffff;
	_ =	sdelay $0x2  }
0x161: {  	s25 =	spop (v2sf)  }
0x162: {  	s26 =	sand.u32 $0x7F, s26;
	s2 =	sand.u32 $0xFFFFF80, s25  }
0x163: {  	s2 =	sadd.s32 s1, s2;
	[tilespmem:$0x10930] =	vst v5;
	v5 =	vor.u32 s26, v0  }
0x164: {  	[tilespmem:s9], [sflag:$0x2] =	stream.strided.gather [hbm4b:s2+s6], $0x2000, s7, s6, $0x38;
	[tilespmem:$0x11080] =	vst v63  }
0x165: {  	_ =	swait.ge [sflag:s18], $0x2000  }
0x166: {  	[sflag:s18] =	ssyncset.done $0x0  }
0x167: {  	[sflag:s18] =	ssyncadd.s32 $0xFFFFE000  }
0x168: {  	v5 =	vld.idx.msk [tilespmem:v5+s10+$0x0], $0xffff  }
0x169: {  	v48 =	vor.u32 s26, v1;
	_ =	sdelay $0x3  }
0x16a: {  	[tilespmem:$0x10980] =	vst v5  }
0x16b: {  	(v2sf) =	vpush v4, $0xA;
	v5 =	vld.idx.msk [tilespmem:v48+s10+$0x0], $0xffff  }
0x16c: {  	v49 =	vor.u32 s26, v2;
	_ =	sdelay $0x3  }
0x16d: {  	[tilespmem:$0x10990] =	vst v5  }
0x16e: {  	v5 =	vld.idx.msk [tilespmem:v49+s10+$0x0], $0xffff  }
0x16f: {  	v50 =	vor.u32 s26, v3;
	_ =	sdelay $0x3  }
0x170: {  	[tilespmem:$0x109A0] =	vst v5  }
0x171: {  	v5 =	vld.idx.msk [tilespmem:v50+s10+$0x0], $0xffff;
	_ =	sdelay $0x2  }
0x172: {  	s26 =	spop (v2sf)  }
0x173: {  	s28 =	sand.u32 $0x7F, s28;
	s2 =	sand.u32 $0xFFFFF80, s26  }
0x174: {  	s2 =	sadd.s32 s1, s2;
	[tilespmem:$0x109B0] =	vst v5;
	v5 =	vor.u32 s28, v0  }
0x175: {  	[tilespmem:s10], [sflag:$0x3] =	stream.strided.gather [hbm4b:s2+s6], $0x2000, s7, s6, $0x38;
	[tilespmem:$0x11080] =	vst v63  }
0x176: {  	_ =	swait.ge [sflag:s19], $0x2000  }
0x177: {  	[sflag:s19] =	ssyncset.done $0x0  }
0x178: {  	[sflag:s19] =	ssyncadd.s32 $0xFFFFE000  }
0x179: {  	v5 =	vld.idx.msk [tilespmem:v5+s11+$0x0], $0xffff  }
0x17a: {  	v51 =	vor.u32 s28, v1;
	_ =	sdelay $0x3  }
0x17b: {  	[tilespmem:$0x10A00] =	vst v5  }
0x17c: {  	(v2sf) =	vpush v4, $0xB;
	v5 =	vld.idx.msk [tilespmem:v51+s11+$0x0], $0xffff  }
0x17d: {  	v52 =	vor.u32 s28, v2;
	_ =	sdelay $0x3  }
0x17e: {  	[tilespmem:$0x10A10] =	vst v5  }
0x17f: {  	v5 =	vld.idx.msk [tilespmem:v52+s11+$0x0], $0xffff  }
0x180: {  	v53 =	vor.u32 s28, v3;
	_ =	sdelay $0x3  }
0x181: {  	[tilespmem:$0x10A20] =	vst v5  }
0x182: {  	v5 =	vld.idx.msk [tilespmem:v53+s11+$0x0], $0xffff;
	_ =	sdelay $0x2  }
0x183: {  	s28 =	spop (v2sf)  }
0x184: {  	s29 =	sand.u32 $0x7F, s29;
	s2 =	sand.u32 $0xFFFFF80, s28  }
0x185: {  	s2 =	sadd.s32 s1, s2;
	[tilespmem:$0x10A30] =	vst v5;
	v5 =	vor.u32 s29, v0  }
0x186: {  	[tilespmem:s11], [sflag:$0x4] =	stream.strided.gather [hbm4b:s2+s6], $0x2000, s7, s6, $0x38;
	[tilespmem:$0x11080] =	vst v63  }
0x187: {  	_ =	swait.ge [sflag:s20], $0x2000  }
0x188: {  	[sflag:s20] =	ssyncset.done $0x0  }
0x189: {  	[sflag:s20] =	ssyncadd.s32 $0xFFFFE000  }
0x18a: {  	v5 =	vld.idx.msk [tilespmem:v5+s12+$0x0], $0xffff  }
0x18b: {  	v54 =	vor.u32 s29, v1;
	_ =	sdelay $0x3  }
0x18c: {  	[tilespmem:$0x10A80] =	vst v5  }
0x18d: {  	(v2sf) =	vpush v4, $0xC;
	v5 =	vld.idx.msk [tilespmem:v54+s12+$0x0], $0xffff  }
0x18e: {  	v55 =	vor.u32 s29, v2;
	_ =	sdelay $0x3  }
0x18f: {  	[tilespmem:$0x10A90] =	vst v5  }
0x190: {  	v5 =	vld.idx.msk [tilespmem:v55+s12+$0x0], $0xffff  }
0x191: {  	v56 =	vor.u32 s29, v3;
	_ =	sdelay $0x3  }
0x192: {  	[tilespmem:$0x10AA0] =	vst v5  }
0x193: {  	v5 =	vld.idx.msk [tilespmem:v56+s12+$0x0], $0xffff;
	_ =	sdelay $0x2  }
0x194: {  	s29 =	spop (v2sf)  }
0x195: {  	s30 =	sand.u32 $0x7F, s30;
	s2 =	sand.u32 $0xFFFFF80, s29  }
0x196: {  	s2 =	sadd.s32 s1, s2;
	[tilespmem:$0x10AB0] =	vst v5;
	v5 =	vor.u32 s30, v0  }
0x197: {  	[tilespmem:s12], [sflag:$0x5] =	stream.strided.gather [hbm4b:s2+s6], $0x2000, s7, s6, $0x38;
	[tilespmem:$0x11080] =	vst v63  }
0x198: {  	_ =	swait.ge [sflag:s21], $0x2000  }
0x199: {  	[sflag:s21] =	ssyncset.done $0x0  }
0x19a: {  	[sflag:s21] =	ssyncadd.s32 $0xFFFFE000  }
0x19b: {  	v5 =	vld.idx.msk [tilespmem:v5+s13+$0x0], $0xffff  }
0x19c: {  	v57 =	vor.u32 s30, v1;
	_ =	sdelay $0x3  }
0x19d: {  	[tilespmem:$0x10B00] =	vst v5  }
0x19e: {  	(v2sf) =	vpush v4, $0xD;
	v5 =	vld.idx.msk [tilespmem:v57+s13+$0x0], $0xffff  }
0x19f: {  	v58 =	vor.u32 s30, v2;
	_ =	sdelay $0x3  }
0x1a0: {  	[tilespmem:$0x10B10] =	vst v5  }
0x1a1: {  	v5 =	vld.idx.msk [tilespmem:v58+s13+$0x0], $0xffff  }
0x1a2: {  	v59 =	vor.u32 s30, v3;
	_ =	sdelay $0x3  }
0x1a3: {  	[tilespmem:$0x10B20] =	vst v5  }
0x1a4: {  	v5 =	vld.idx.msk [tilespmem:v59+s13+$0x0], $0xffff;
	_ =	sdelay $0x2  }
0x1a5: {  	s30 =	spop (v2sf)  }
0x1a6: {  	s31 =	sand.u32 $0x7F, s31;
	s2 =	sand.u32 $0xFFFFF80, s30  }
0x1a7: {  	s2 =	sadd.s32 s1, s2;
	[tilespmem:$0x10B30] =	vst v5;
	v5 =	vor.u32 s31, v0  }
0x1a8: {  	[tilespmem:s13], [sflag:$0x6] =	stream.strided.gather [hbm4b:s2+s6], $0x2000, s7, s6, $0x38;
	[tilespmem:$0x11080] =	vst v63  }
0x1a9: {  	_ =	swait.ge [sflag:s22], $0x2000  }
0x1aa: {  	[sflag:s22] =	ssyncset.done $0x0  }
0x1ab: {  	[sflag:s22] =	ssyncadd.s32 $0xFFFFE000  }
0x1ac: {  	v5 =	vld.idx.msk [tilespmem:v5+s14+$0x0], $0xffff  }
0x1ad: {  	v60 =	vor.u32 s31, v1;
	_ =	sdelay $0x3  }
0x1ae: {  	[tilespmem:$0x10B80] =	vst v5  }
0x1af: {  	(v2sf) =	vpush v4, $0xE;
	v5 =	vld.idx.msk [tilespmem:v60+s14+$0x0], $0xffff  }
0x1b0: {  	v61 =	vor.u32 s31, v2;
	_ =	sdelay $0x3  }
0x1b1: {  	[tilespmem:$0x10B90] =	vst v5  }
0x1b2: {  	v5 =	vld.idx.msk [tilespmem:v61+s14+$0x0], $0xffff  }
0x1b3: {  	v62 =	vor.u32 s31, v3;
	_ =	sdelay $0x3  }
0x1b4: {  	[tilespmem:$0x10BA0] =	vst v5  }
0x1b5: {  	v5 =	vld.idx.msk [tilespmem:v62+s14+$0x0], $0xffff;
	_ =	sdelay $0x2  }
0x1b6: {  	s31 =	spop (v2sf)  }
0x1b7: {  	s0 =	sand.u32 $0x7F, s0;
	s2 =	sand.u32 $0xFFFFF80, s31  }
0x1b8: {  	s2 =	sadd.s32 s1, s2;
	[tilespmem:$0x10BB0] =	vst v5;
	v5 =	vor.u32 s0, v0  }
0x1b9: {  	[tilespmem:s14], [sflag:$0x7] =	stream.strided.gather [hbm4b:s2+s6], $0x2000, s7, s6, $0x38;
	[tilespmem:$0x11080] =	vst v63  }
0x1ba: {  	_ =	swait.ge [sflag:s23], $0x2000  }
0x1bb: {  	[sflag:s23] =	ssyncset.done $0x0  }
0x1bc: {  	[sflag:s23] =	ssyncadd.s32 $0xFFFFE000  }
0x1bd: {  	v5 =	vld.idx.msk [tilespmem:v5+s15+$0x0], $0xffff  }
0x1be: {  	v63 =	vor.u32 s0, v1;
	_ =	sdelay $0x3  }
0x1bf: {  	[tilespmem:$0x10C00] =	vst v5  }
0x1c0: {  	(v2sf) =	vpush v4, $0xF;
	v5 =	vld.idx.msk [tilespmem:v63+s15+$0x0], $0xffff  }
0x1c1: {  	v4 =	vor.u32 s0, v2;
	_ =	sdelay $0x3  }
0x1c2: {  	[tilespmem:$0x10C10] =	vst v5  }
0x1c3: {  	v4 =	vld.idx.msk [tilespmem:v4+s15+$0x0], $0xffff  }
0x1c4: {  	v5 =	vor.u32 s0, v3;
	_ =	sdelay $0x3  }
0x1c5: {  	[tilespmem:$0x10C20] =	vst v4  }
0x1c6: {  	v4 =	vld.idx.msk [tilespmem:v5+s15+$0x0], $0xffff;
	_ =	sdelay $0x2  }
0x1c7: {  	s0 =	spop (v2sf)  }
0x1c8: {  	s24 =	sand.u32 $0x7F, s24;
	s2 =	sand.u32 $0xFFFFF80, s0  }
0x1c9: {  	s2 =	sadd.s32 s1, s2;
	[tilespmem:$0x10C30] =	vst v4;
	v4 =	vor.u32 s24, v0  }
0x1ca: {  	[tilespmem:s15], [sflag:$0x8] =	stream.strided.gather [hbm4b:s2+s6], $0x2000, s7, s6, $0x38;
	[tilespmem:$0x11080] =	vst v63  }
0x1cb: {  	_ =	swait.ge [sflag:s16], $0x2000  }
0x1cc: {  	[sflag:s16] =	ssyncset.done $0x0  }
0x1cd: {  	[sflag:s16] =	ssyncadd.s32 $0xFFFFE000  }
0x1ce: {  	v4 =	vld.idx.msk [tilespmem:v4+s8+$0x0], $0xffff  }
0x1cf: {  	v5 =	vor.u32 s24, v1;
	_ =	sdelay $0x3  }
0x1d0: {  	[tilespmem:$0x10C80] =	vst v4  }
0x1d1: {  	v4 =	vld.idx.msk [tilespmem:v5+s8+$0x0], $0xffff  }
0x1d2: {  	v5 =	vor.u32 s24, v2;
	_ =	sdelay $0x3  }
0x1d3: {  	[tilespmem:$0x10C90] =	vst v4  }
0x1d4: {  	v4 =	vld.idx.msk [tilespmem:v5+s8+$0x0], $0xffff  }
0x1d5: {  	v5 =	vor.u32 s24, v3;
	_ =	sdelay $0x3  }
0x1d6: {  	[tilespmem:$0x10CA0] =	vst v4  }
0x1d7: {  	v4 =	vld.idx.msk [tilespmem:v5+s8+$0x0], $0xffff;
	_ =	sdelay $0x2  }
0x1d8: {  	s25 =	sand.u32 $0x7F, s25  }
0x1d9: {  	v5 =	vor.u32 s25, v0  }
0x1da: {  	[tilespmem:$0x10CB0] =	vst v4  }
0x1db: {  	_ =	swait.ge [sflag:s17], $0x2000  }
0x1dc: {  	[sflag:s17] =	ssyncset.done $0x0  }
0x1dd: {  	[sflag:s17] =	ssyncadd.s32 $0xFFFFE000  }
0x1de: {  	v4 =	vld.idx.msk [tilespmem:v5+s9+$0x0], $0xffff  }
0x1df: {  	v5 =	vor.u32 s25, v1;
	_ =	sdelay $0x3  }
0x1e0: {  	[tilespmem:$0x10D00] =	vst v4  }
0x1e1: {  	v4 =	vld.idx.msk [tilespmem:v5+s9+$0x0], $0xffff  }
0x1e2: {  	v5 =	vor.u32 s25, v2;
	_ =	sdelay $0x3  }
0x1e3: {  	[tilespmem:$0x10D10] =	vst v4  }
0x1e4: {  	v4 =	vld.idx.msk [tilespmem:v5+s9+$0x0], $0xffff  }
0x1e5: {  	v5 =	vor.u32 s25, v3;
	_ =	sdelay $0x3  }
0x1e6: {  	[tilespmem:$0x10D20] =	vst v4  }
0x1e7: {  	v4 =	vld.idx.msk [tilespmem:v5+s9+$0x0], $0xffff;
	_ =	sdelay $0x2  }
0x1e8: {  	s24 =	sand.u32 $0x7F, s26  }
0x1e9: {  	v5 =	vor.u32 s24, v0  }
0x1ea: {  	[tilespmem:$0x10D30] =	vst v4  }
0x1eb: {  	_ =	swait.ge [sflag:s18], $0x2000  }
0x1ec: {  	[sflag:s18] =	ssyncset.done $0x0  }
0x1ed: {  	[sflag:s18] =	ssyncadd.s32 $0xFFFFE000  }
0x1ee: {  	v4 =	vld.idx.msk [tilespmem:v5+s10+$0x0], $0xffff  }
0x1ef: {  	v5 =	vor.u32 s24, v1;
	_ =	sdelay $0x3  }
0x1f0: {  	[tilespmem:$0x10D80] =	vst v4  }
0x1f1: {  	v4 =	vld.idx.msk [tilespmem:v5+s10+$0x0], $0xffff  }
0x1f2: {  	v5 =	vor.u32 s24, v2;
	_ =	sdelay $0x3  }
0x1f3: {  	[tilespmem:$0x10D90] =	vst v4  }
0x1f4: {  	v4 =	vld.idx.msk [tilespmem:v5+s10+$0x0], $0xffff  }
0x1f5: {  	v5 =	vor.u32 s24, v3;
	_ =	sdelay $0x3  }
0x1f6: {  	[tilespmem:$0x10DA0] =	vst v4  }
0x1f7: {  	v4 =	vld.idx.msk [tilespmem:v5+s10+$0x0], $0xffff;
	_ =	sdelay $0x2  }
0x1f8: {  	s25 =	sand.u32 $0x7F, s28  }
0x1f9: {  	v5 =	vor.u32 s25, v0  }
0x1fa: {  	[tilespmem:$0x10DB0] =	vst v4  }
0x1fb: {  	_ =	swait.ge [sflag:s19], $0x2000  }
0x1fc: {  	[sflag:s19] =	ssyncset.done $0x0  }
0x1fd: {  	[sflag:s19] =	ssyncadd.s32 $0xFFFFE000  }
0x1fe: {  	v4 =	vld.idx.msk [tilespmem:v5+s11+$0x0], $0xffff  }
0x1ff: {  	v5 =	vor.u32 s25, v1;
	_ =	sdelay $0x3  }
0x200: {  	[tilespmem:$0x10E00] =	vst v4  }
0x201: {  	v4 =	vld.idx.msk [tilespmem:v5+s11+$0x0], $0xffff  }
0x202: {  	v5 =	vor.u32 s25, v2;
	_ =	sdelay $0x3  }
0x203: {  	[tilespmem:$0x10E10] =	vst v4  }
0x204: {  	v4 =	vld.idx.msk [tilespmem:v5+s11+$0x0], $0xffff  }
0x205: {  	v5 =	vor.u32 s25, v3;
	_ =	sdelay $0x3  }
0x206: {  	[tilespmem:$0x10E20] =	vst v4  }
0x207: {  	v4 =	vld.idx.msk [tilespmem:v5+s11+$0x0], $0xffff;
	_ =	sdelay $0x2  }
0x208: {  	s26 =	sand.u32 $0x7F, s29  }
0x209: {  	v5 =	vor.u32 s26, v0  }
0x20a: {  	[tilespmem:$0x10E30] =	vst v4  }
0x20b: {  	_ =	swait.ge [sflag:s20], $0x2000  }
0x20c: {  	[sflag:s20] =	ssyncset.done $0x0  }
0x20d: {  	[sflag:s20] =	ssyncadd.s32 $0xFFFFE000  }
0x20e: {  	v4 =	vld.idx.msk [tilespmem:v5+s12+$0x0], $0xffff  }
0x20f: {  	v5 =	vor.u32 s26, v1;
	_ =	sdelay $0x3  }
0x210: {  	[tilespmem:$0x10E80] =	vst v4  }
0x211: {  	v4 =	vld.idx.msk [tilespmem:v5+s12+$0x0], $0xffff  }
0x212: {  	v5 =	vor.u32 s26, v2;
	_ =	sdelay $0x3  }
0x213: {  	[tilespmem:$0x10E90] =	vst v4  }
0x214: {  	v4 =	vld.idx.msk [tilespmem:v5+s12+$0x0], $0xffff  }
0x215: {  	v5 =	vor.u32 s26, v3;
	_ =	sdelay $0x3  }
0x216: {  	[tilespmem:$0x10EA0] =	vst v4  }
0x217: {  	v4 =	vld.idx.msk [tilespmem:v5+s12+$0x0], $0xffff;
	_ =	sdelay $0x2  }
0x218: {  	s28 =	sand.u32 $0x7F, s30  }
0x219: {  	v5 =	vor.u32 s28, v0  }
0x21a: {  	[tilespmem:$0x10EB0] =	vst v4  }
0x21b: {  	_ =	swait.ge [sflag:s21], $0x2000  }
0x21c: {  	[sflag:s21] =	ssyncset.done $0x0  }
0x21d: {  	[sflag:s21] =	ssyncadd.s32 $0xFFFFE000  }
0x21e: {  	v4 =	vld.idx.msk [tilespmem:v5+s13+$0x0], $0xffff  }
0x21f: {  	v5 =	vor.u32 s28, v1;
	_ =	sdelay $0x3  }
0x220: {  	[tilespmem:$0x10F00] =	vst v4  }
0x221: {  	v4 =	vld.idx.msk [tilespmem:v5+s13+$0x0], $0xffff  }
0x222: {  	v5 =	vor.u32 s28, v2;
	_ =	sdelay $0x3  }
0x223: {  	[tilespmem:$0x10F10] =	vst v4  }
0x224: {  	v4 =	vld.idx.msk [tilespmem:v5+s13+$0x0], $0xffff  }
0x225: {  	v5 =	vor.u32 s28, v3;
	_ =	sdelay $0x3  }
0x226: {  	[tilespmem:$0x10F20] =	vst v4  }
0x227: {  	v4 =	vld.idx.msk [tilespmem:v5+s13+$0x0], $0xffff;
	_ =	sdelay $0x2  }
0x228: {  	s29 =	sand.u32 $0x7F, s31  }
0x229: {  	v5 =	vor.u32 s29, v0  }
0x22a: {  	[tilespmem:$0x10F30] =	vst v4  }
0x22b: {  	_ =	swait.ge [sflag:s22], $0x2000  }
0x22c: {  	[sflag:s22] =	ssyncset.done $0x0  }
0x22d: {  	[sflag:s22] =	ssyncadd.s32 $0xFFFFE000  }
0x22e: {  	v4 =	vld.idx.msk [tilespmem:v5+s14+$0x0], $0xffff  }
0x22f: {  	v5 =	vor.u32 s29, v1;
	_ =	sdelay $0x3  }
0x230: {  	[tilespmem:$0x10F80] =	vst v4  }
0x231: {  	v4 =	vld.idx.msk [tilespmem:v5+s14+$0x0], $0xffff  }
0x232: {  	v5 =	vor.u32 s29, v2;
	_ =	sdelay $0x3  }
0x233: {  	[tilespmem:$0x10F90] =	vst v4  }
0x234: {  	v4 =	vld.idx.msk [tilespmem:v5+s14+$0x0], $0xffff  }
0x235: {  	v5 =	vor.u32 s29, v3;
	_ =	sdelay $0x3  }
0x236: {  	[tilespmem:$0x10FA0] =	vst v4  }
0x237: {  	v4 =	vld.idx.msk [tilespmem:v5+s14+$0x0], $0xffff;
	_ =	sdelay $0x2  }
0x238: {  	s0 =	sand.u32 $0x7F, s0  }
0x239: {  	v5 =	vor.u32 s0, v0  }
0x23a: {  	[tilespmem:$0x10FB0] =	vst v4  }
0x23b: {  	_ =	swait.ge [sflag:s23], $0x2000  }
0x23c: {  	[sflag:s23] =	ssyncset.done $0x0  }
0x23d: {  	[sflag:s23] =	ssyncadd.s32 $0xFFFFE000  }
0x23e: {  	v4 =	vld.idx.msk [tilespmem:v5+s15+$0x0], $0xffff  }
0x23f: {  	v5 =	vor.u32 s0, v1;
	_ =	sdelay $0x3  }
0x240: {  	[tilespmem:$0x11000] =	vst v4  }
0x241: {  	v4 =	vld.idx.msk [tilespmem:v5+s15+$0x0], $0xffff  }
0x242: {  	v5 =	vor.u32 s0, v2;
	_ =	sdelay $0x3  }
0x243: {  	[tilespmem:$0x11010] =	vst v4  }
0x244: {  	v4 =	vld.idx.msk [tilespmem:v5+s15+$0x0], $0xffff  }
0x245: {  	v5 =	vor.u32 s0, v3;
	_ =	sdelay $0x3  }
0x246: {  	[tilespmem:$0x11020] =	vst v4  }
0x247: {  	v4 =	vld.idx.msk [tilespmem:v5+s15+$0x0], $0xffff;
	_ =	sdelay $0x3  }
0x248: {  	p0 =	sne.s32 s4, $0x1;
	s30 =	rddreg [dreg:$0x5]  }
.Ltmp0:
0x249: {  	s31 =	rddreg [dreg:$0x6];
	[tilespmem:$0x11030] =	vst v4;
	(pc) =	sbr.rel @p0 .LBB2_1-.Ltmp0, $4  }
0x24a: {  	[hbm4b:s30+s3] =	stream.linear.scatter [tilespmem:s31], [sflag:$0x9], $0x1000, $0x38;
	[tilespmem:$0x11080] =	vst v63  }
0x24b: {  	_ =	swait.ge [sflag:s5], $0x1000  }
0x24c: {  	[sflag:s5] =	ssyncset.done $0x0  }
0x24d: {  	s4 =	sadd.s32 $0xFFFFFFFF, s4;
	[sflag:s5] =	ssyncadd.s32 $0xFFFFF000  }
0x24e: {  	_ =	sfence.sel $0x180000  }
0x24f: {  	[bflag:$0x0] =	sbarrier.arrive $0xFFFF  }
0x250: {  	_ =	strace $0x90000047  }
0x251: {  	s0 =	stileid.u32;
	[bflag:$0x2] =	sbarrier.arrive $0xFFFF  }
0x252: {  	p0 =	sne.s32 s0, $0x0;
	s0 =	rddreg [dreg:$0x3]  }
0x253: {  	s0 =	sadd.s32 @!p0 $0x100000, s0  }
0x254: {  	[sflag:s0] =	ssyncadd.tile.s32 @!p0 $0x1;
	_ =	shalt  }
.Lfunc_end2:
_tile_overlayer_lowered:
.L_overlay_start_2:
0x255: {  	(tag) =	ssettag $0x2  }
0x256: {  	s0 =	rddreg [dreg:$0x0];
	s2 =	stileid.u32  }
0x257: {  	s1 =	rddreg [dreg:$0x1];
	p0 =	sne.s32 s2, $0x0  }
0x258: {  	s3 =	rddreg [dreg:$0x2];
	[bflag:$0x3] =	sbarrier.arrive $0xFFFF;
	s2 =	simm.s32 @!p0 $0x1C09  }
0x259: {  	[timem:s3], [sflag:s2] =	dma.local @!p0 [hbm:s0], s1  }
0x25a: {  	s0 =	simm.s32 @!p0 $0x9  }
0x25b: {  	_ =	swait.ge @!p0 [sflag:s0], s1  }
0x25c: {  	s1 =	ssub.s32 @!p0 $0x0, s1;
	[sflag:s0] =	ssyncset.done @!p0 $0x0  }
0x25d: {  	[sflag:s0] =	ssyncadd.s32 @!p0 s1  }
0x25e: {  	[bflag:$0x3] =	sbarrier.arrive $0xFFFF  }
0x25f: {  	_ =	shalt  }

</sc_bundles>
